<compile_context>
chip_gen: v7x
topology: tpu7x:2x2x1
jax: 0.10.2.dev20260603
libtpu: 0.0.44.dev20260713+nightly
codegen_flags: <defaults>
</compile_context>

<pallas_src>
import functools

import jax
import jax.numpy as jnp
import numpy as np
from jax import lax
from jax.experimental import pallas as pl
from jax.experimental.pallas import tpu as pltpu
from jax.experimental.pallas import tpu_sc as plsc

_L_MAX = 3
_N_MAX = 32
_R_CUT = 5.0

_NC = 2
_NS = 16
_NW = _NC * _NS



def _sc_gather_body(n, per_w, ch, nch,
                    pos_hbm, ctr_hbm, nbr_hbm, out_hbm,
                    px, py, pz, idx_c, idx_n, vx, vy, vz, sem):
    wid = lax.axis_index("s") * _NC + lax.axis_index("c")
    base = wid * per_w
    cx = pltpu.async_copy(pos_hbm.at[0], px, sem)
    cy = pltpu.async_copy(pos_hbm.at[1], py, sem)
    cz = pltpu.async_copy(pos_hbm.at[2], pz, sem)
    cx.wait()
    cy.wait()
    cz.wait()

    def chunk(i, carry):
        off = base + i * ch
        pltpu.sync_copy(ctr_hbm.at[pl.ds(off, ch)], idx_c)
        pltpu.sync_copy(nbr_hbm.at[pl.ds(off, ch)], idx_n)

        @plsc.parallel_loop(0, ch, 16, unroll=8)
        def _(j):
            sl = pl.ds(j, 16)
            ic = idx_c[sl]
            inb = idx_n[sl]
            vx[sl] = plsc.load_gather(px, [inb]) - plsc.load_gather(px, [ic])
            vy[sl] = plsc.load_gather(py, [inb]) - plsc.load_gather(py, [ic])
            vz[sl] = plsc.load_gather(pz, [inb]) - plsc.load_gather(pz, [ic])
        pltpu.sync_copy(vx, out_hbm.at[0, pl.ds(off, ch)])
        pltpu.sync_copy(vy, out_hbm.at[1, pl.ds(off, ch)])
        pltpu.sync_copy(vz, out_hbm.at[2, pl.ds(off, ch)])
        return carry

    lax.fori_loop(0, nch, chunk, 0)


def _sc_gather(pos3, ctr, nbr):
    n = pos3.shape[1]
    e = ctr.shape[0]
    per_w = e // _NW
    ch = per_w
    while ch > 12288:
        ch //= 2
    if per_w % ch or ch % 16:
        ch = 16
        for cand in range(12288, 15, -16):
            if per_w % cand == 0:
                ch = cand
                break
    nch = per_w // ch
    mesh = plsc.VectorSubcoreMesh(core_axis_name="c", subcore_axis_name="s")
    return pl.kernel(
        functools.partial(_sc_gather_body, n, per_w, ch, nch),
        out_type=jax.ShapeDtypeStruct((3, e), jnp.float32),
        mesh=mesh,
        scratch_types=[
            pltpu.VMEM((n,), jnp.float32),
            pltpu.VMEM((n,), jnp.float32),
            pltpu.VMEM((n,), jnp.float32),
            pltpu.VMEM((ch,), jnp.int32),
            pltpu.VMEM((ch,), jnp.int32),
            pltpu.VMEM((ch,), jnp.float32),
            pltpu.VMEM((ch,), jnp.float32),
            pltpu.VMEM((ch,), jnp.float32),
            pltpu.SemaphoreType.DMA,
        ],
        compiler_params=pltpu.CompilerParams(use_tc_tiling_on_sc=False,
                                             needs_layout_passes=False),
    )(pos3, ctr, nbr)



_C0 = float(0.5 * np.sqrt(1.0 / np.pi))
_C1 = float(np.sqrt(3.0 / (4.0 * np.pi)))
_C2A = float(0.5 * np.sqrt(15.0 / np.pi))
_C2B = float(0.25 * np.sqrt(5.0 / np.pi))
_C2C = float(0.25 * np.sqrt(15.0 / np.pi))
_C3A = float(0.25 * np.sqrt(35.0 / (2.0 * np.pi)))
_C3B = float(0.5 * np.sqrt(105.0 / np.pi))
_C3C = float(0.25 * np.sqrt(21.0 / (2.0 * np.pi)))
_C3D = float(0.25 * np.sqrt(7.0 / np.pi))
_C3E = float(0.25 * np.sqrt(105.0 / np.pi))


def _tc_body(v_ref, o0, o1, o2, o3):
    vt = v_ref[...]
    x = vt[0:1, :]
    y = vt[1:2, :]
    z = vt[2:3, :]
    r2 = x * x + y * y + z * z + 1e-12
    r = jnp.sqrt(r2)
    inv_r = 1.0 / r
    invden = np.float32(np.sqrt(2.0 / _R_CUT)) / (r + 1e-12)

    t = jnp.minimum(r * np.float32(1.0 / _R_CUT), 1.0)
    cut = 0.5 * jnp.cos(np.float32(np.pi) * t) + 0.5
    s = jnp.clip(r * np.float32(1.0 / _R_CUT), 1e-12, 1.0)
    cs0 = cut * invden
    cs1 = cs0 * s
    cs2 = cs1 * s
    cs3 = cs2 * s

    ux = x * inv_r
    uy = y * inv_r
    uz = z * inv_r
    xx = ux * ux
    yy = uy * uy
    zz = uz * uz

    w = [
        cs0 * _C0,
        cs1 * (_C1 * uy),
        cs1 * (_C1 * uz),
        cs1 * (_C1 * ux),
        cs2 * (_C2A * ux * uy),
        cs2 * (_C2A * uy * uz),
        cs2 * (_C2B * (3.0 * zz - 1.0)),
        cs2 * (_C2A * ux * uz),
        cs2 * (_C2C * (xx - yy)),
        cs3 * (_C3A * uy * (3.0 * xx - yy)),
        cs3 * (_C3B * ux * uy * uz),
        cs3 * (_C3C * uy * (5.0 * zz - 1.0)),
        cs3 * (_C3D * uz * (5.0 * zz - 3.0)),
        cs3 * (_C3C * ux * (5.0 * zz - 1.0)),
        cs3 * (_C3E * uz * (xx - yy)),
        cs3 * (_C3A * ux * (xx - yy)),
    ]

    theta = r * np.float32(np.pi / _R_CUT)
    ncol = (lax.broadcasted_iota(jnp.int32, (_N_MAX, 1), 0) + 1).astype(
        jnp.float32)
    sint = jnp.sin(ncol * theta)

    outs = [o0, o1, o2, o3]
    m = 0
    for l in range(_L_MAX + 1):
        for mm in range(2 * l + 1):
            outs[l][mm * _N_MAX:(mm + 1) * _N_MAX, :] = sint * w[m]
            m += 1


def _tc_body_alias(v_ref, p0, p1, p2, p3, o0, o1, o2, o3):
    del p0, p1, p2, p3
    _tc_body(v_ref, o0, o1, o2, o3)


def _tc_dense_part(vec3, prev, off_edges, e, interpret=False):
    h = vec3.shape[1]
    be = 2048
    while h % be or off_edges % be or be % 128:
        be -= 128
    nbh = h // be
    widths = [(2 * l + 1) * _N_MAX for l in range(_L_MAX + 1)]
    off = off_edges // be

    def omap(i, _off=off):
        return (0, i + _off)

    out_specs = tuple(pl.BlockSpec((w, be), omap) for w in widths)
    out_shape = tuple(jax.ShapeDtypeStruct((w, e), jnp.float32)
                      for w in widths)
    params = pltpu.CompilerParams(dimension_semantics=("arbitrary",))
    if prev is None:
        return pl.pallas_call(
            _tc_body,
            grid=(nbh,),
            in_specs=[pl.BlockSpec((3, be), lambda i: (0, i))],
            out_specs=out_specs,
            out_shape=out_shape,
            compiler_params=params,
            interpret=interpret,
        )(vec3)
    return pl.pallas_call(
        _tc_body_alias,
        grid=(nbh,),
        in_specs=[pl.BlockSpec((3, be), lambda i: (0, i))]
        + [pl.BlockSpec(memory_space=pl.ANY)] * 4,
        out_specs=out_specs,
        out_shape=out_shape,
        input_output_aliases={1: 0, 2: 1, 3: 2, 4: 3},
        compiler_params=params,
        interpret=interpret,
    )(vec3, *prev)


def kernel(positions, edge_index):
    n = positions.shape[0]
    e = edge_index.shape[1]
    pos3 = jnp.transpose(positions)
    ei = edge_index.astype(jnp.int32)
    if e == 640000:
        sizes = [131072, 131072, 188416, 189440]
    else:
        sizes = [e // 2, e - e // 2]
    outs = None
    off = 0
    for sz in sizes:
        vec = _sc_gather(pos3, ei[0, off:off + sz], ei[1, off:off + sz])
        outs = _tc_dense_part(vec, outs, off, e)
        off += sz
    return tuple(
        o.reshape(2 * l + 1, _N_MAX, e).transpose(2, 0, 1)
        for l, o in enumerate(outs))

# --- scband reference (transcript-rebuilt; emitter-appended) ---
"""Pipeline reference for scband-vector-expansion-558345748601 (READ-ONLY COPY).

The authoritative reference and input builder live on the scoring server;
editing this copy changes nothing except your own understanding.
"""

import jax, jax.numpy as jnp
import numpy as np

N_NODES = 10000
N_EDGES = 640000
R_CUT = 5.0
L_MAX = 3
N_MAX = 32
BOX = 20.0


def _radial_basis(r, l_max, n_max, r_cut):
    # Laplacian-eigenstate-style radial basis: sinc-like functions with a smooth
    # cosine cutoff; l-dependence via (r/r_cut)**l prefactor (small-r behavior ~ r^l).
    n = jnp.arange(1, n_max + 1, dtype=r.dtype)
    x = r[:, None]
    base = jnp.sqrt(2.0 / r_cut) * jnp.sin(n[None, :] * jnp.pi * x / r_cut) / (x + 1e-12)
    t = jnp.clip(r / r_cut, 0.0, 1.0)
    cutoff = 0.5 * (jnp.cos(jnp.pi * t) + 1.0)
    base = base * cutoff[:, None]
    s = jnp.clip(r / r_cut, 1e-12, 1.0)[:, None]
    blocks = []
    for l in range(l_max + 1):
        blocks.append(base * (s ** l))
    return blocks


def _spherical_harmonics(vectors, l_max):
    # Real spherical harmonics up to l_max=3 from cartesian unit vectors.
    r = jnp.sqrt(jnp.sum(vectors ** 2, axis=-1) + 1e-12)
    u = vectors / r[:, None]
    x, y, z = u[:, 0], u[:, 1], u[:, 2]
    pi = jnp.pi
    sh = []
    # l = 0
    sh.append(jnp.full((vectors.shape[0], 1), 0.5 * jnp.sqrt(1.0 / pi), dtype=vectors.dtype))
    if l_max >= 1:
        c1 = jnp.sqrt(3.0 / (4.0 * pi))
        sh.append(jnp.stack([c1 * y, c1 * z, c1 * x], axis=-1))
    if l_max >= 2:
        sh.append(jnp.stack([
            0.5 * jnp.sqrt(15.0 / pi) * x * y,
            0.5 * jnp.sqrt(15.0 / pi) * y * z,
            0.25 * jnp.sqrt(5.0 / pi) * (3.0 * z * z - 1.0),
            0.5 * jnp.sqrt(15.0 / pi) * x * z,
            0.25 * jnp.sqrt(15.0 / pi) * (x * x - y * y),
        ], axis=-1))
    if l_max >= 3:
        sh.append(jnp.stack([
            0.25 * jnp.sqrt(35.0 / (2.0 * pi)) * y * (3.0 * x * x - y * y),
            0.5 * jnp.sqrt(105.0 / pi) * x * y * z,
            0.25 * jnp.sqrt(21.0 / (2.0 * pi)) * y * (5.0 * z * z - 1.0),
            0.25 * jnp.sqrt(7.0 / pi) * z * (5.0 * z * z - 3.0),
            0.25 * jnp.sqrt(21.0 / (2.0 * pi)) * x * (5.0 * z * z - 1.0),
            0.25 * jnp.sqrt(105.0 / pi) * z * (x * x - y * y),
            0.25 * jnp.sqrt(35.0 / (2.0 * pi)) * x * (x * x - y * y),
        ], axis=-1))
    return sh


def setup_inputs(seed: int = 0) -> dict:
    key = jax.random.key(seed)
    k1, k2 = jax.random.split(key)
    positions = jax.random.uniform(k1, (N_NODES, 3), dtype=jnp.float32) * BOX
    edge_index = jax.random.randint(k2, (2, N_EDGES), 0, N_NODES, dtype=jnp.int64)
    return {"positions": positions, "edge_index": edge_index}


def reference(positions, edge_index):
    centers = edge_index[0]
    neighbors = edge_index[1]
    # cartesian displacement vectors for each (center, neighbor) pair (gather)
    vectors = jnp.take(positions, neighbors, axis=0) - jnp.take(positions, centers, axis=0)
    r = jnp.sqrt(jnp.sum(vectors ** 2, axis=-1) + 1e-12)
    radial = _radial_basis(r, L_MAX, N_MAX, R_CUT)
    sph = _spherical_harmonics(vectors, L_MAX)
    blocks = []
    for l in range(L_MAX + 1):
        # [E, 2l+1, n_max] = radial[E, 1, n] * sph[E, 2l+1, 1]
        blocks.append(radial[l][:, None, :] * sph[l][:, :, None])
    return tuple(blocks)

if __name__ == "__main__":
    import jax
    _d = setup_inputs()
    print(jax.jit(kernel)(*tuple(_d.values())))

</pallas_src>

<mosaic_0001>
#map = affine_map<(d0, d1) -> (0, 0)>
#map1 = affine_map<(d0, d1) -> (0)>
module attributes {stable_mosaic.version = 14 : i64} {
  func.func @_sc_gather_body(%arg0: i32, %arg1: i32, %arg2: memref<3x10000xf32, #tpu.memory_space<hbm>>, %arg3: memref<188416xi32, #tpu.memory_space<hbm>>, %arg4: memref<188416xi32, #tpu.memory_space<hbm>>, %arg5: memref<3x188416xf32, #tpu.memory_space<hbm>>, %arg6: memref<10000xf32, #tpu.memory_space<vmem>>, %arg7: memref<10000xf32, #tpu.memory_space<vmem>>, %arg8: memref<10000xf32, #tpu.memory_space<vmem>>, %arg9: memref<5888xi32, #tpu.memory_space<vmem>>, %arg10: memref<5888xi32, #tpu.memory_space<vmem>>, %arg11: memref<5888xf32, #tpu.memory_space<vmem>>, %arg12: memref<5888xf32, #tpu.memory_space<vmem>>, %arg13: memref<5888xf32, #tpu.memory_space<vmem>>, %arg14: memref<!tpu.dma_semaphore, #tpu.memory_space<semaphore_mem>>) attributes {dimension_semantics = [#tpu.dimension_semantics<core_parallel>, #tpu.dimension_semantics<subcore_parallel>], iteration_bounds = array<i64: 2, 16>, scalar_prefetch = 0 : i64, scratch_operands = 9 : i64, tpu.core_type = #tpu.core_type<sc_vector_subcore>, window_params = [{transform_indices = #map}, {transform_indices = #map1}, {transform_indices = #map1}, {transform_indices = #map}]} {
    %mul3A = arith.constant 2 : i32
    %mul3A_0 = arith.muli %arg1, %mul3A : i32
    %add3A = arith.addi %mul3A_0, %arg0 : i32
    %mul3A_1 = arith.constant 5888 : i32
    %mul3A_2 = arith.muli %add3A, %mul3A_1 : i32
    %dma_start3A = arith.constant 0 : i32
    %dma_start3A_3 = arith.constant 0 : i32
    %dma_start3A_4 = tpu.memref_slice %arg2[%dma_start3A, %dma_start3A_3] : memref<3x10000xf32, #tpu.memory_space<hbm>> -> memref<1x10000xf32, #tpu.memory_space<hbm>>
    %dma_start3A_5 = tpu.memref_squeeze %dma_start3A_4 : memref<1x10000xf32, #tpu.memory_space<hbm>> -> memref<10000xf32, #tpu.memory_space<hbm>>
    %dma_start3A_6 = arith.constant 0 : i32
    %dma_start3A_7 = tpu.memref_slice %arg2[%dma_start3A, %dma_start3A_6] : memref<3x10000xf32, #tpu.memory_space<hbm>> -> memref<1x10000xf32, #tpu.memory_space<hbm>>
    %dma_start3A_8 = tpu.memref_squeeze %dma_start3A_7 : memref<1x10000xf32, #tpu.memory_space<hbm>> -> memref<10000xf32, #tpu.memory_space<hbm>>
    tpu.enqueue_dma source(%dma_start3A_8 : memref<10000xf32, #tpu.memory_space<hbm>>) target(%arg6 : memref<10000xf32, #tpu.memory_space<vmem>>) target_semaphore(%arg14 : memref<!tpu.dma_semaphore, #tpu.memory_space<semaphore_mem>>)
    %dma_start3A_9 = arith.constant 1 : i32
    %dma_start3A_10 = arith.constant 0 : i32
    %dma_start3A_11 = tpu.memref_slice %arg2[%dma_start3A_9, %dma_start3A_10] : memref<3x10000xf32, #tpu.memory_space<hbm>> -> memref<1x10000xf32, #tpu.memory_space<hbm>>
    %dma_start3A_12 = tpu.memref_squeeze %dma_start3A_11 : memref<1x10000xf32, #tpu.memory_space<hbm>> -> memref<10000xf32, #tpu.memory_space<hbm>>
    %dma_start3A_13 = arith.constant 0 : i32
    %dma_start3A_14 = tpu.memref_slice %arg2[%dma_start3A_9, %dma_start3A_13] : memref<3x10000xf32, #tpu.memory_space<hbm>> -> memref<1x10000xf32, #tpu.memory_space<hbm>>
    %dma_start3A_15 = tpu.memref_squeeze %dma_start3A_14 : memref<1x10000xf32, #tpu.memory_space<hbm>> -> memref<10000xf32, #tpu.memory_space<hbm>>
    tpu.enqueue_dma source(%dma_start3A_15 : memref<10000xf32, #tpu.memory_space<hbm>>) target(%arg7 : memref<10000xf32, #tpu.memory_space<vmem>>) target_semaphore(%arg14 : memref<!tpu.dma_semaphore, #tpu.memory_space<semaphore_mem>>)
    %dma_start3A_16 = arith.constant 2 : i32
    %dma_start3A_17 = arith.constant 0 : i32
    %dma_start3A_18 = tpu.memref_slice %arg2[%dma_start3A_16, %dma_start3A_17] : memref<3x10000xf32, #tpu.memory_space<hbm>> -> memref<1x10000xf32, #tpu.memory_space<hbm>>
    %dma_start3A_19 = tpu.memref_squeeze %dma_start3A_18 : memref<1x10000xf32, #tpu.memory_space<hbm>> -> memref<10000xf32, #tpu.memory_space<hbm>>
    %dma_start3A_20 = arith.constant 0 : i32
    %dma_start3A_21 = tpu.memref_slice %arg2[%dma_start3A_16, %dma_start3A_20] : memref<3x10000xf32, #tpu.memory_space<hbm>> -> memref<1x10000xf32, #tpu.memory_space<hbm>>
    %dma_start3A_22 = tpu.memref_squeeze %dma_start3A_21 : memref<1x10000xf32, #tpu.memory_space<hbm>> -> memref<10000xf32, #tpu.memory_space<hbm>>
    tpu.enqueue_dma source(%dma_start3A_22 : memref<10000xf32, #tpu.memory_space<hbm>>) target(%arg8 : memref<10000xf32, #tpu.memory_space<vmem>>) target_semaphore(%arg14 : memref<!tpu.dma_semaphore, #tpu.memory_space<semaphore_mem>>)
    %dma_wait3A = arith.constant 0 : i32
    %dma_wait3A_23 = arith.constant 0 : i32
    %dma_wait3A_24 = tpu.memref_slice %arg2[%dma_wait3A, %dma_wait3A_23] : memref<3x10000xf32, #tpu.memory_space<hbm>> -> memref<1x10000xf32, #tpu.memory_space<hbm>>
    %dma_wait3A_25 = tpu.memref_squeeze %dma_wait3A_24 : memref<1x10000xf32, #tpu.memory_space<hbm>> -> memref<10000xf32, #tpu.memory_space<hbm>>
    %dma_wait3A_26 = arith.constant 0 : i32
    %dma_wait3A_27 = tpu.memref_slice %arg2[%dma_wait3A, %dma_wait3A_26] : memref<3x10000xf32, #tpu.memory_space<hbm>> -> memref<1x10000xf32, #tpu.memory_space<hbm>>
    %dma_wait3A_28 = tpu.memref_squeeze %dma_wait3A_27 : memref<1x10000xf32, #tpu.memory_space<hbm>> -> memref<10000xf32, #tpu.memory_space<hbm>>
    tpu.wait_dma2 semaphore(%arg14 : memref<!tpu.dma_semaphore, #tpu.memory_space<semaphore_mem>>) src(%dma_wait3A_28 : memref<10000xf32, #tpu.memory_space<hbm>>) dst(%arg6 : memref<10000xf32, #tpu.memory_space<vmem>>)
    %dma_wait3A_29 = arith.constant 1 : i32
    %dma_wait3A_30 = arith.constant 0 : i32
    %dma_wait3A_31 = tpu.memref_slice %arg2[%dma_wait3A_29, %dma_wait3A_30] : memref<3x10000xf32, #tpu.memory_space<hbm>> -> memref<1x10000xf32, #tpu.memory_space<hbm>>
    %dma_wait3A_32 = tpu.memref_squeeze %dma_wait3A_31 : memref<1x10000xf32, #tpu.memory_space<hbm>> -> memref<10000xf32, #tpu.memory_space<hbm>>
    %dma_wait3A_33 = arith.constant 0 : i32
    %dma_wait3A_34 = tpu.memref_slice %arg2[%dma_wait3A_29, %dma_wait3A_33] : memref<3x10000xf32, #tpu.memory_space<hbm>> -> memref<1x10000xf32, #tpu.memory_space<hbm>>
    %dma_wait3A_35 = tpu.memref_squeeze %dma_wait3A_34 : memref<1x10000xf32, #tpu.memory_space<hbm>> -> memref<10000xf32, #tpu.memory_space<hbm>>
    tpu.wait_dma2 semaphore(%arg14 : memref<!tpu.dma_semaphore, #tpu.memory_space<semaphore_mem>>) src(%dma_wait3A_35 : memref<10000xf32, #tpu.memory_space<hbm>>) dst(%arg7 : memref<10000xf32, #tpu.memory_space<vmem>>)
    %dma_wait3A_36 = arith.constant 2 : i32
    %dma_wait3A_37 = arith.constant 0 : i32
    %dma_wait3A_38 = tpu.memref_slice %arg2[%dma_wait3A_36, %dma_wait3A_37] : memref<3x10000xf32, #tpu.memory_space<hbm>> -> memref<1x10000xf32, #tpu.memory_space<hbm>>
    %dma_wait3A_39 = tpu.memref_squeeze %dma_wait3A_38 : memref<1x10000xf32, #tpu.memory_space<hbm>> -> memref<10000xf32, #tpu.memory_space<hbm>>
    %dma_wait3A_40 = arith.constant 0 : i32
    %dma_wait3A_41 = tpu.memref_slice %arg2[%dma_wait3A_36, %dma_wait3A_40] : memref<3x10000xf32, #tpu.memory_space<hbm>> -> memref<1x10000xf32, #tpu.memory_space<hbm>>
    %dma_wait3A_42 = tpu.memref_squeeze %dma_wait3A_41 : memref<1x10000xf32, #tpu.memory_space<hbm>> -> memref<10000xf32, #tpu.memory_space<hbm>>
    tpu.wait_dma2 semaphore(%arg14 : memref<!tpu.dma_semaphore, #tpu.memory_space<semaphore_mem>>) src(%dma_wait3A_42 : memref<10000xf32, #tpu.memory_space<hbm>>) dst(%arg8 : memref<10000xf32, #tpu.memory_space<vmem>>)
    %scan3A = arith.constant 0 : i32
    %scan3A_43 = arith.constant 0 : i32
    %mul3A_44 = arith.constant 5888 : i32
    %mul3A_45 = arith.muli %scan3A_43, %mul3A_44 : i32
    %add3A_46 = arith.addi %mul3A_2, %mul3A_45 : i32
    "tpu.region"() ({
      %run_scoped3A_52 = tpu.sem_alloc : memref<!tpu.dma_semaphore, #tpu.memory_space<semaphore_mem>>
      %dma_start3A_53 = tpu.memref_slice %arg3[%add3A_46] : memref<188416xi32, #tpu.memory_space<hbm>> -> memref<5888xi32, #tpu.memory_space<hbm>>
      %dma_start3A_54 = tpu.memref_slice %arg3[%add3A_46] : memref<188416xi32, #tpu.memory_space<hbm>> -> memref<5888xi32, #tpu.memory_space<hbm>>
      tpu.enqueue_dma source(%dma_start3A_54 : memref<5888xi32, #tpu.memory_space<hbm>>) target(%arg9 : memref<5888xi32, #tpu.memory_space<vmem>>) target_semaphore(%run_scoped3A_52 : memref<!tpu.dma_semaphore, #tpu.memory_space<semaphore_mem>>)
      %dma_wait3A_55 = tpu.memref_slice %arg3[%add3A_46] : memref<188416xi32, #tpu.memory_space<hbm>> -> memref<5888xi32, #tpu.memory_space<hbm>>
      %dma_wait3A_56 = tpu.memref_slice %arg3[%add3A_46] : memref<188416xi32, #tpu.memory_space<hbm>> -> memref<5888xi32, #tpu.memory_space<hbm>>
      tpu.wait_dma2 semaphore(%run_scoped3A_52 : memref<!tpu.dma_semaphore, #tpu.memory_space<semaphore_mem>>) src(%dma_wait3A_56 : memref<5888xi32, #tpu.memory_space<hbm>>) dst(%arg9 : memref<5888xi32, #tpu.memory_space<vmem>>)
      tpu.yield
    }) : () -> ()
    "tpu.region"() ({
      %run_scoped3A_52 = tpu.sem_alloc : memref<!tpu.dma_semaphore, #tpu.memory_space<semaphore_mem>>
      %dma_start3A_53 = tpu.memref_slice %arg4[%add3A_46] : memref<188416xi32, #tpu.memory_space<hbm>> -> memref<5888xi32, #tpu.memory_space<hbm>>
      %dma_start3A_54 = tpu.memref_slice %arg4[%add3A_46] : memref<188416xi32, #tpu.memory_space<hbm>> -> memref<5888xi32, #tpu.memory_space<hbm>>
      tpu.enqueue_dma source(%dma_start3A_54 : memref<5888xi32, #tpu.memory_space<hbm>>) target(%arg10 : memref<5888xi32, #tpu.memory_space<vmem>>) target_semaphore(%run_scoped3A_52 : memref<!tpu.dma_semaphore, #tpu.memory_space<semaphore_mem>>)
      %dma_wait3A_55 = tpu.memref_slice %arg4[%add3A_46] : memref<188416xi32, #tpu.memory_space<hbm>> -> memref<5888xi32, #tpu.memory_space<hbm>>
      %dma_wait3A_56 = tpu.memref_slice %arg4[%add3A_46] : memref<188416xi32, #tpu.memory_space<hbm>> -> memref<5888xi32, #tpu.memory_space<hbm>>
      tpu.wait_dma2 semaphore(%run_scoped3A_52 : memref<!tpu.dma_semaphore, #tpu.memory_space<semaphore_mem>>) src(%dma_wait3A_56 : memref<5888xi32, #tpu.memory_space<hbm>>) dst(%arg10 : memref<5888xi32, #tpu.memory_space<vmem>>)
      tpu.yield
    }) : () -> ()
    %parallel_loop3A = arith.constant 0 : i32
    %parallel_loop3A_47 = arith.constant 5888 : i32
    %parallel_loop3A_48 = arith.constant 16 : i32
    scf.for %parallel_loop3A_52 = %parallel_loop3A to %parallel_loop3A_47 step %parallel_loop3A_48  : i32 {
      %parallel_loop3A_53 = arith.index_cast %parallel_loop3A_52 : i32 to index
      %parallel_loop3A_54 = tpu.vector_load %arg9[%parallel_loop3A_53] {strides = array<i32>} : memref<5888xi32, #tpu.memory_space<vmem>>, vector<16xi32>,
      %parallel_loop3A_55 = arith.index_cast %parallel_loop3A_52 : i32 to index
      %parallel_loop3A_56 = tpu.vector_load %arg10[%parallel_loop3A_55] {strides = array<i32>} : memref<5888xi32, #tpu.memory_space<vmem>>, vector<16xi32>,
      %parallel_loop3A_57 = tpu.vector_load_idx %arg6[%parallel_loop3A_56] : memref<10000xf32, #tpu.memory_space<vmem>>[vector<16xi32>], vector<16xf32>,
      %parallel_loop3A_58 = tpu.vector_load_idx %arg6[%parallel_loop3A_54] : memref<10000xf32, #tpu.memory_space<vmem>>[vector<16xi32>], vector<16xf32>,
      %parallel_loop3A_59 = arith.subf %parallel_loop3A_57, %parallel_loop3A_58 : vector<16xf32>
      %parallel_loop3A_60 = arith.index_cast %parallel_loop3A_52 : i32 to index
      %parallel_loop3A_61 = tpu.vector_load %arg11[%parallel_loop3A_60] {strides = array<i32>} : memref<5888xf32, #tpu.memory_space<vmem>>, vector<16xf32>,
      tpu.vector_store %arg11[%parallel_loop3A_60], %parallel_loop3A_59 {strides = array<i32>} : memref<5888xf32, #tpu.memory_space<vmem>>, vector<16xf32>,
      %parallel_loop3A_62 = tpu.vector_load_idx %arg7[%parallel_loop3A_56] : memref<10000xf32, #tpu.memory_space<vmem>>[vector<16xi32>], vector<16xf32>,
      %parallel_loop3A_63 = tpu.vector_load_idx %arg7[%parallel_loop3A_54] : memref<10000xf32, #tpu.memory_space<vmem>>[vector<16xi32>], vector<16xf32>,
      %parallel_loop3A_64 = arith.subf %parallel_loop3A_62, %parallel_loop3A_63 : vector<16xf32>
      %parallel_loop3A_65 = arith.index_cast %parallel_loop3A_52 : i32 to index
      %parallel_loop3A_66 = tpu.vector_load %arg12[%parallel_loop3A_65] {strides = array<i32>} : memref<5888xf32, #tpu.memory_space<vmem>>, vector<16xf32>,
      tpu.vector_store %arg12[%parallel_loop3A_65], %parallel_loop3A_64 {strides = array<i32>} : memref<5888xf32, #tpu.memory_space<vmem>>, vector<16xf32>,
      %parallel_loop3A_67 = tpu.vector_load_idx %arg8[%parallel_loop3A_56] : memref<10000xf32, #tpu.memory_space<vmem>>[vector<16xi32>], vector<16xf32>,
      %parallel_loop3A_68 = tpu.vector_load_idx %arg8[%parallel_loop3A_54] : memref<10000xf32, #tpu.memory_space<vmem>>[vector<16xi32>], vector<16xf32>,
      %parallel_loop3A_69 = arith.subf %parallel_loop3A_67, %parallel_loop3A_68 : vector<16xf32>
      %parallel_loop3A_70 = arith.index_cast %parallel_loop3A_52 : i32 to index
      %parallel_loop3A_71 = tpu.vector_load %arg13[%parallel_loop3A_70] {strides = array<i32>} : memref<5888xf32, #tpu.memory_space<vmem>>, vector<16xf32>,
      tpu.vector_store %arg13[%parallel_loop3A_70], %parallel_loop3A_69 {strides = array<i32>} : memref<5888xf32, #tpu.memory_space<vmem>>, vector<16xf32>,
    } {sc.loop_unroll_factor = 8 : i64, sc.parallel_access}
    %run_scoped3A = arith.constant 0 : i32
    "tpu.region"() ({
      %run_scoped3A_52 = tpu.sem_alloc : memref<!tpu.dma_semaphore, #tpu.memory_space<semaphore_mem>>
      %dma_start3A_53 = tpu.memref_slice %arg5[%run_scoped3A, %add3A_46] : memref<3x188416xf32, #tpu.memory_space<hbm>> -> memref<1x5888xf32, #tpu.memory_space<hbm>>
      %dma_start3A_54 = tpu.memref_squeeze %dma_start3A_53 : memref<1x5888xf32, #tpu.memory_space<hbm>> -> memref<5888xf32, #tpu.memory_space<hbm>>
      %dma_start3A_55 = tpu.memref_slice %arg5[%run_scoped3A, %add3A_46] : memref<3x188416xf32, #tpu.memory_space<hbm>> -> memref<1x5888xf32, #tpu.memory_space<hbm>>
      %dma_start3A_56 = tpu.memref_squeeze %dma_start3A_55 : memref<1x5888xf32, #tpu.memory_space<hbm>> -> memref<5888xf32, #tpu.memory_space<hbm>>
      tpu.enqueue_dma source(%arg11 : memref<5888xf32, #tpu.memory_space<vmem>>) target(%dma_start3A_56 : memref<5888xf32, #tpu.memory_space<hbm>>) target_semaphore(%run_scoped3A_52 : memref<!tpu.dma_semaphore, #tpu.memory_space<semaphore_mem>>)
      %dma_wait3A_57 = tpu.memref_slice %arg5[%run_scoped3A, %add3A_46] : memref<3x188416xf32, #tpu.memory_space<hbm>> -> memref<1x5888xf32, #tpu.memory_space<hbm>>
      %dma_wait3A_58 = tpu.memref_squeeze %dma_wait3A_57 : memref<1x5888xf32, #tpu.memory_space<hbm>> -> memref<5888xf32, #tpu.memory_space<hbm>>
      %dma_wait3A_59 = tpu.memref_slice %arg5[%run_scoped3A, %add3A_46] : memref<3x188416xf32, #tpu.memory_space<hbm>> -> memref<1x5888xf32, #tpu.memory_space<hbm>>
      %dma_wait3A_60 = tpu.memref_squeeze %dma_wait3A_59 : memref<1x5888xf32, #tpu.memory_space<hbm>> -> memref<5888xf32, #tpu.memory_space<hbm>>
      tpu.wait_dma2 semaphore(%run_scoped3A_52 : memref<!tpu.dma_semaphore, #tpu.memory_space<semaphore_mem>>) src(%arg11 : memref<5888xf32, #tpu.memory_space<vmem>>) dst(%dma_wait3A_60 : memref<5888xf32, #tpu.memory_space<hbm>>)
      tpu.yield
    }) : () -> ()
    %run_scoped3A_49 = arith.constant 1 : i32
    "tpu.region"() ({
      %run_scoped3A_52 = tpu.sem_alloc : memref<!tpu.dma_semaphore, #tpu.memory_space<semaphore_mem>>
      %dma_start3A_53 = tpu.memref_slice %arg5[%run_scoped3A_49, %add3A_46] : memref<3x188416xf32, #tpu.memory_space<hbm>> -> memref<1x5888xf32, #tpu.memory_space<hbm>>
      %dma_start3A_54 = tpu.memref_squeeze %dma_start3A_53 : memref<1x5888xf32, #tpu.memory_space<hbm>> -> memref<5888xf32, #tpu.memory_space<hbm>>
      %dma_start3A_55 = tpu.memref_slice %arg5[%run_scoped3A_49, %add3A_46] : memref<3x188416xf32, #tpu.memory_space<hbm>> -> memref<1x5888xf32, #tpu.memory_space<hbm>>
      %dma_start3A_56 = tpu.memref_squeeze %dma_start3A_55 : memref<1x5888xf32, #tpu.memory_space<hbm>> -> memref<5888xf32, #tpu.memory_space<hbm>>
      tpu.enqueue_dma source(%arg12 : memref<5888xf32, #tpu.memory_space<vmem>>) target(%dma_start3A_56 : memref<5888xf32, #tpu.memory_space<hbm>>) target_semaphore(%run_scoped3A_52 : memref<!tpu.dma_semaphore, #tpu.memory_space<semaphore_mem>>)
      %dma_wait3A_57 = tpu.memref_slice %arg5[%run_scoped3A_49, %add3A_46] : memref<3x188416xf32, #tpu.memory_space<hbm>> -> memref<1x5888xf32, #tpu.memory_space<hbm>>
      %dma_wait3A_58 = tpu.memref_squeeze %dma_wait3A_57 : memref<1x5888xf32, #tpu.memory_space<hbm>> -> memref<5888xf32, #tpu.memory_space<hbm>>
      %dma_wait3A_59 = tpu.memref_slice %arg5[%run_scoped3A_49, %add3A_46] : memref<3x188416xf32, #tpu.memory_space<hbm>> -> memref<1x5888xf32, #tpu.memory_space<hbm>>
      %dma_wait3A_60 = tpu.memref_squeeze %dma_wait3A_59 : memref<1x5888xf32, #tpu.memory_space<hbm>> -> memref<5888xf32, #tpu.memory_space<hbm>>
      tpu.wait_dma2 semaphore(%run_scoped3A_52 : memref<!tpu.dma_semaphore, #tpu.memory_space<semaphore_mem>>) src(%arg12 : memref<5888xf32, #tpu.memory_space<vmem>>) dst(%dma_wait3A_60 : memref<5888xf32, #tpu.memory_space<hbm>>)
      tpu.yield
    }) : () -> ()
    %run_scoped3A_50 = arith.constant 2 : i32
    "tpu.region"() ({
      %run_scoped3A_52 = tpu.sem_alloc : memref<!tpu.dma_semaphore, #tpu.memory_space<semaphore_mem>>
      %dma_start3A_53 = tpu.memref_slice %arg5[%run_scoped3A_50, %add3A_46] : memref<3x188416xf32, #tpu.memory_space<hbm>> -> memref<1x5888xf32, #tpu.memory_space<hbm>>
      %dma_start3A_54 = tpu.memref_squeeze %dma_start3A_53 : memref<1x5888xf32, #tpu.memory_space<hbm>> -> memref<5888xf32, #tpu.memory_space<hbm>>
      %dma_start3A_55 = tpu.memref_slice %arg5[%run_scoped3A_50, %add3A_46] : memref<3x188416xf32, #tpu.memory_space<hbm>> -> memref<1x5888xf32, #tpu.memory_space<hbm>>
      %dma_start3A_56 = tpu.memref_squeeze %dma_start3A_55 : memref<1x5888xf32, #tpu.memory_space<hbm>> -> memref<5888xf32, #tpu.memory_space<hbm>>
      tpu.enqueue_dma source(%arg13 : memref<5888xf32, #tpu.memory_space<vmem>>) target(%dma_start3A_56 : memref<5888xf32, #tpu.memory_space<hbm>>) target_semaphore(%run_scoped3A_52 : memref<!tpu.dma_semaphore, #tpu.memory_space<semaphore_mem>>)
      %dma_wait3A_57 = tpu.memref_slice %arg5[%run_scoped3A_50, %add3A_46] : memref<3x188416xf32, #tpu.memory_space<hbm>> -> memref<1x5888xf32, #tpu.memory_space<hbm>>
      %dma_wait3A_58 = tpu.memref_squeeze %dma_wait3A_57 : memref<1x5888xf32, #tpu.memory_space<hbm>> -> memref<5888xf32, #tpu.memory_space<hbm>>
      %dma_wait3A_59 = tpu.memref_slice %arg5[%run_scoped3A_50, %add3A_46] : memref<3x188416xf32, #tpu.memory_space<hbm>> -> memref<1x5888xf32, #tpu.memory_space<hbm>>
      %dma_wait3A_60 = tpu.memref_squeeze %dma_wait3A_59 : memref<1x5888xf32, #tpu.memory_space<hbm>> -> memref<5888xf32, #tpu.memory_space<hbm>>
      tpu.wait_dma2 semaphore(%run_scoped3A_52 : memref<!tpu.dma_semaphore, #tpu.memory_space<semaphore_mem>>) src(%arg13 : memref<5888xf32, #tpu.memory_space<vmem>>) dst(%dma_wait3A_60 : memref<5888xf32, #tpu.memory_space<hbm>>)
      tpu.yield
    }) : () -> ()
    %scan3A_51 = arith.constant 1 : i32
    return
  }
}

#map = affine_map<(d0, d1) -> (0, 0)>
#map1 = affine_map<(d0, d1) -> (0)>
module attributes {stable_mosaic.version = 14 : i64} {
  func.func @_sc_gather_body(%arg0: i32, %arg1: i32, %arg2: memref<3x10000xf32, #tpu.memory_space<hbm>>, %arg3: memref<131072xi32, #tpu.memory_space<hbm>>, %arg4: memref<131072xi32, #tpu.memory_space<hbm>>, %arg5: memref<3x131072xf32, #tpu.memory_space<hbm>>, %arg6: memref<10000xf32, #tpu.memory_space<vmem>>, %arg7: memref<10000xf32, #tpu.memory_space<vmem>>, %arg8: memref<10000xf32, #tpu.memory_space<vmem>>, %arg9: memref<4096xi32, #tpu.memory_space<vmem>>, %arg10: memref<4096xi32, #tpu.memory_space<vmem>>, %arg11: memref<4096xf32, #tpu.memory_space<vmem>>, %arg12: memref<4096xf32, #tpu.memory_space<vmem>>, %arg13: memref<4096xf32, #tpu.memory_space<vmem>>, %arg14: memref<!tpu.dma_semaphore, #tpu.memory_space<semaphore_mem>>) attributes {dimension_semantics = [#tpu.dimension_semantics<core_parallel>, #tpu.dimension_semantics<subcore_parallel>], iteration_bounds = array<i64: 2, 16>, scalar_prefetch = 0 : i64, scratch_operands = 9 : i64, tpu.core_type = #tpu.core_type<sc_vector_subcore>, window_params = [{transform_indices = #map}, {transform_indices = #map1}, {transform_indices = #map1}, {transform_indices = #map}]} {
    %mul3A = arith.constant 2 : i32
    %mul3A_0 = arith.muli %arg1, %mul3A : i32
    %add3A = arith.addi %mul3A_0, %arg0 : i32
    %mul3A_1 = arith.constant 4096 : i32
    %mul3A_2 = arith.muli %add3A, %mul3A_1 : i32
    %dma_start3A = arith.constant 0 : i32
    %dma_start3A_3 = arith.constant 0 : i32
    %dma_start3A_4 = tpu.memref_slice %arg2[%dma_start3A, %dma_start3A_3] : memref<3x10000xf32, #tpu.memory_space<hbm>> -> memref<1x10000xf32, #tpu.memory_space<hbm>>
    %dma_start3A_5 = tpu.memref_squeeze %dma_start3A_4 : memref<1x10000xf32, #tpu.memory_space<hbm>> -> memref<10000xf32, #tpu.memory_space<hbm>>
    %dma_start3A_6 = arith.constant 0 : i32
    %dma_start3A_7 = tpu.memref_slice %arg2[%dma_start3A, %dma_start3A_6] : memref<3x10000xf32, #tpu.memory_space<hbm>> -> memref<1x10000xf32, #tpu.memory_space<hbm>>
    %dma_start3A_8 = tpu.memref_squeeze %dma_start3A_7 : memref<1x10000xf32, #tpu.memory_space<hbm>> -> memref<10000xf32, #tpu.memory_space<hbm>>
    tpu.enqueue_dma source(%dma_start3A_8 : memref<10000xf32, #tpu.memory_space<hbm>>) target(%arg6 : memref<10000xf32, #tpu.memory_space<vmem>>) target_semaphore(%arg14 : memref<!tpu.dma_semaphore, #tpu.memory_space<semaphore_mem>>)
    %dma_start3A_9 = arith.constant 1 : i32
    %dma_start3A_10 = arith.constant 0 : i32
    %dma_start3A_11 = tpu.memref_slice %arg2[%dma_start3A_9, %dma_start3A_10] : memref<3x10000xf32, #tpu.memory_space<hbm>> -> memref<1x10000xf32, #tpu.memory_space<hbm>>
    %dma_start3A_12 = tpu.memref_squeeze %dma_start3A_11 : memref<1x10000xf32, #tpu.memory_space<hbm>> -> memref<10000xf32, #tpu.memory_space<hbm>>
    %dma_start3A_13 = arith.constant 0 : i32
    %dma_start3A_14 = tpu.memref_slice %arg2[%dma_start3A_9, %dma_start3A_13] : memref<3x10000xf32, #tpu.memory_space<hbm>> -> memref<1x10000xf32, #tpu.memory_space<hbm>>
    %dma_start3A_15 = tpu.memref_squeeze %dma_start3A_14 : memref<1x10000xf32, #tpu.memory_space<hbm>> -> memref<10000xf32, #tpu.memory_space<hbm>>
    tpu.enqueue_dma source(%dma_start3A_15 : memref<10000xf32, #tpu.memory_space<hbm>>) target(%arg7 : memref<10000xf32, #tpu.memory_space<vmem>>) target_semaphore(%arg14 : memref<!tpu.dma_semaphore, #tpu.memory_space<semaphore_mem>>)
    %dma_start3A_16 = arith.constant 2 : i32
    %dma_start3A_17 = arith.constant 0 : i32
    %dma_start3A_18 = tpu.memref_slice %arg2[%dma_start3A_16, %dma_start3A_17] : memref<3x10000xf32, #tpu.memory_space<hbm>> -> memref<1x10000xf32, #tpu.memory_space<hbm>>
    %dma_start3A_19 = tpu.memref_squeeze %dma_start3A_18 : memref<1x10000xf32, #tpu.memory_space<hbm>> -> memref<10000xf32, #tpu.memory_space<hbm>>
    %dma_start3A_20 = arith.constant 0 : i32
    %dma_start3A_21 = tpu.memref_slice %arg2[%dma_start3A_16, %dma_start3A_20] : memref<3x10000xf32, #tpu.memory_space<hbm>> -> memref<1x10000xf32, #tpu.memory_space<hbm>>
    %dma_start3A_22 = tpu.memref_squeeze %dma_start3A_21 : memref<1x10000xf32, #tpu.memory_space<hbm>> -> memref<10000xf32, #tpu.memory_space<hbm>>
    tpu.enqueue_dma source(%dma_start3A_22 : memref<10000xf32, #tpu.memory_space<hbm>>) target(%arg8 : memref<10000xf32, #tpu.memory_space<vmem>>) target_semaphore(%arg14 : memref<!tpu.dma_semaphore, #tpu.memory_space<semaphore_mem>>)
    %dma_wait3A = arith.constant 0 : i32
    %dma_wait3A_23 = arith.constant 0 : i32
    %dma_wait3A_24 = tpu.memref_slice %arg2[%dma_wait3A, %dma_wait3A_23] : memref<3x10000xf32, #tpu.memory_space<hbm>> -> memref<1x10000xf32, #tpu.memory_space<hbm>>
    %dma_wait3A_25 = tpu.memref_squeeze %dma_wait3A_24 : memref<1x10000xf32, #tpu.memory_space<hbm>> -> memref<10000xf32, #tpu.memory_space<hbm>>
    %dma_wait3A_26 = arith.constant 0 : i32
    %dma_wait3A_27 = tpu.memref_slice %arg2[%dma_wait3A, %dma_wait3A_26] : memref<3x10000xf32, #tpu.memory_space<hbm>> -> memref<1x10000xf32, #tpu.memory_space<hbm>>
    %dma_wait3A_28 = tpu.memref_squeeze %dma_wait3A_27 : memref<1x10000xf32, #tpu.memory_space<hbm>> -> memref<10000xf32, #tpu.memory_space<hbm>>
    tpu.wait_dma2 semaphore(%arg14 : memref<!tpu.dma_semaphore, #tpu.memory_space<semaphore_mem>>) src(%dma_wait3A_28 : memref<10000xf32, #tpu.memory_space<hbm>>) dst(%arg6 : memref<10000xf32, #tpu.memory_space<vmem>>)
    %dma_wait3A_29 = arith.constant 1 : i32
    %dma_wait3A_30 = arith.constant 0 : i32
    %dma_wait3A_31 = tpu.memref_slice %arg2[%dma_wait3A_29, %dma_wait3A_30] : memref<3x10000xf32, #tpu.memory_space<hbm>> -> memref<1x10000xf32, #tpu.memory_space<hbm>>
    %dma_wait3A_32 = tpu.memref_squeeze %dma_wait3A_31 : memref<1x10000xf32, #tpu.memory_space<hbm>> -> memref<10000xf32, #tpu.memory_space<hbm>>
    %dma_wait3A_33 = arith.constant 0 : i32
    %dma_wait3A_34 = tpu.memref_slice %arg2[%dma_wait3A_29, %dma_wait3A_33] : memref<3x10000xf32, #tpu.memory_space<hbm>> -> memref<1x10000xf32, #tpu.memory_space<hbm>>
    %dma_wait3A_35 = tpu.memref_squeeze %dma_wait3A_34 : memref<1x10000xf32, #tpu.memory_space<hbm>> -> memref<10000xf32, #tpu.memory_space<hbm>>
    tpu.wait_dma2 semaphore(%arg14 : memref<!tpu.dma_semaphore, #tpu.memory_space<semaphore_mem>>) src(%dma_wait3A_35 : memref<10000xf32, #tpu.memory_space<hbm>>) dst(%arg7 : memref<10000xf32, #tpu.memory_space<vmem>>)
    %dma_wait3A_36 = arith.constant 2 : i32
    %dma_wait3A_37 = arith.constant 0 : i32
    %dma_wait3A_38 = tpu.memref_slice %arg2[%dma_wait3A_36, %dma_wait3A_37] : memref<3x10000xf32, #tpu.memory_space<hbm>> -> memref<1x10000xf32, #tpu.memory_space<hbm>>
    %dma_wait3A_39 = tpu.memref_squeeze %dma_wait3A_38 : memref<1x10000xf32, #tpu.memory_space<hbm>> -> memref<10000xf32, #tpu.memory_space<hbm>>
    %dma_wait3A_40 = arith.constant 0 : i32
    %dma_wait3A_41 = tpu.memref_slice %arg2[%dma_wait3A_36, %dma_wait3A_40] : memref<3x10000xf32, #tpu.memory_space<hbm>> -> memref<1x10000xf32, #tpu.memory_space<hbm>>
    %dma_wait3A_42 = tpu.memref_squeeze %dma_wait3A_41 : memref<1x10000xf32, #tpu.memory_space<hbm>> -> memref<10000xf32, #tpu.memory_space<hbm>>
    tpu.wait_dma2 semaphore(%arg14 : memref<!tpu.dma_semaphore, #tpu.memory_space<semaphore_mem>>) src(%dma_wait3A_42 : memref<10000xf32, #tpu.memory_space<hbm>>) dst(%arg8 : memref<10000xf32, #tpu.memory_space<vmem>>)
    %scan3A = arith.constant 0 : i32
    %scan3A_43 = arith.constant 0 : i32
    %mul3A_44 = arith.constant 4096 : i32
    %mul3A_45 = arith.muli %scan3A_43, %mul3A_44 : i32
    %add3A_46 = arith.addi %mul3A_2, %mul3A_45 : i32
    "tpu.region"() ({
      %run_scoped3A_52 = tpu.sem_alloc : memref<!tpu.dma_semaphore, #tpu.memory_space<semaphore_mem>>
      %dma_start3A_53 = tpu.memref_slice %arg3[%add3A_46] : memref<131072xi32, #tpu.memory_space<hbm>> -> memref<4096xi32, #tpu.memory_space<hbm>>
      %dma_start3A_54 = tpu.memref_slice %arg3[%add3A_46] : memref<131072xi32, #tpu.memory_space<hbm>> -> memref<4096xi32, #tpu.memory_space<hbm>>
      tpu.enqueue_dma source(%dma_start3A_54 : memref<4096xi32, #tpu.memory_space<hbm>>) target(%arg9 : memref<4096xi32, #tpu.memory_space<vmem>>) target_semaphore(%run_scoped3A_52 : memref<!tpu.dma_semaphore, #tpu.memory_space<semaphore_mem>>)
      %dma_wait3A_55 = tpu.memref_slice %arg3[%add3A_46] : memref<131072xi32, #tpu.memory_space<hbm>> -> memref<4096xi32, #tpu.memory_space<hbm>>
      %dma_wait3A_56 = tpu.memref_slice %arg3[%add3A_46] : memref<131072xi32, #tpu.memory_space<hbm>> -> memref<4096xi32, #tpu.memory_space<hbm>>
      tpu.wait_dma2 semaphore(%run_scoped3A_52 : memref<!tpu.dma_semaphore, #tpu.memory_space<semaphore_mem>>) src(%dma_wait3A_56 : memref<4096xi32, #tpu.memory_space<hbm>>) dst(%arg9 : memref<4096xi32, #tpu.memory_space<vmem>>)
      tpu.yield
    }) : () -> ()
    "tpu.region"() ({
      %run_scoped3A_52 = tpu.sem_alloc : memref<!tpu.dma_semaphore, #tpu.memory_space<semaphore_mem>>
      %dma_start3A_53 = tpu.memref_slice %arg4[%add3A_46] : memref<131072xi32, #tpu.memory_space<hbm>> -> memref<4096xi32, #tpu.memory_space<hbm>>
      %dma_start3A_54 = tpu.memref_slice %arg4[%add3A_46] : memref<131072xi32, #tpu.memory_space<hbm>> -> memref<4096xi32, #tpu.memory_space<hbm>>
      tpu.enqueue_dma source(%dma_start3A_54 : memref<4096xi32, #tpu.memory_space<hbm>>) target(%arg10 : memref<4096xi32, #tpu.memory_space<vmem>>) target_semaphore(%run_scoped3A_52 : memref<!tpu.dma_semaphore, #tpu.memory_space<semaphore_mem>>)
      %dma_wait3A_55 = tpu.memref_slice %arg4[%add3A_46] : memref<131072xi32, #tpu.memory_space<hbm>> -> memref<4096xi32, #tpu.memory_space<hbm>>
      %dma_wait3A_56 = tpu.memref_slice %arg4[%add3A_46] : memref<131072xi32, #tpu.memory_space<hbm>> -> memref<4096xi32, #tpu.memory_space<hbm>>
      tpu.wait_dma2 semaphore(%run_scoped3A_52 : memref<!tpu.dma_semaphore, #tpu.memory_space<semaphore_mem>>) src(%dma_wait3A_56 : memref<4096xi32, #tpu.memory_space<hbm>>) dst(%arg10 : memref<4096xi32, #tpu.memory_space<vmem>>)
      tpu.yield
    }) : () -> ()
    %parallel_loop3A = arith.constant 0 : i32
    %parallel_loop3A_47 = arith.constant 4096 : i32
    %parallel_loop3A_48 = arith.constant 16 : i32
    scf.for %parallel_loop3A_52 = %parallel_loop3A to %parallel_loop3A_47 step %parallel_loop3A_48  : i32 {
      %parallel_loop3A_53 = arith.index_cast %parallel_loop3A_52 : i32 to index
      %parallel_loop3A_54 = tpu.vector_load %arg9[%parallel_loop3A_53] {strides = array<i32>} : memref<4096xi32, #tpu.memory_space<vmem>>, vector<16xi32>,
      %parallel_loop3A_55 = arith.index_cast %parallel_loop3A_52 : i32 to index
      %parallel_loop3A_56 = tpu.vector_load %arg10[%parallel_loop3A_55] {strides = array<i32>} : memref<4096xi32, #tpu.memory_space<vmem>>, vector<16xi32>,
      %parallel_loop3A_57 = tpu.vector_load_idx %arg6[%parallel_loop3A_56] : memref<10000xf32, #tpu.memory_space<vmem>>[vector<16xi32>], vector<16xf32>,
      %parallel_loop3A_58 = tpu.vector_load_idx %arg6[%parallel_loop3A_54] : memref<10000xf32, #tpu.memory_space<vmem>>[vector<16xi32>], vector<16xf32>,
      %parallel_loop3A_59 = arith.subf %parallel_loop3A_57, %parallel_loop3A_58 : vector<16xf32>
      %parallel_loop3A_60 = arith.index_cast %parallel_loop3A_52 : i32 to index
      %parallel_loop3A_61 = tpu.vector_load %arg11[%parallel_loop3A_60] {strides = array<i32>} : memref<4096xf32, #tpu.memory_space<vmem>>, vector<16xf32>,
      tpu.vector_store %arg11[%parallel_loop3A_60], %parallel_loop3A_59 {strides = array<i32>} : memref<4096xf32, #tpu.memory_space<vmem>>, vector<16xf32>,
      %parallel_loop3A_62 = tpu.vector_load_idx %arg7[%parallel_loop3A_56] : memref<10000xf32, #tpu.memory_space<vmem>>[vector<16xi32>], vector<16xf32>,
      %parallel_loop3A_63 = tpu.vector_load_idx %arg7[%parallel_loop3A_54] : memref<10000xf32, #tpu.memory_space<vmem>>[vector<16xi32>], vector<16xf32>,
      %parallel_loop3A_64 = arith.subf %parallel_loop3A_62, %parallel_loop3A_63 : vector<16xf32>
      %parallel_loop3A_65 = arith.index_cast %parallel_loop3A_52 : i32 to index
      %parallel_loop3A_66 = tpu.vector_load %arg12[%parallel_loop3A_65] {strides = array<i32>} : memref<4096xf32, #tpu.memory_space<vmem>>, vector<16xf32>,
      tpu.vector_store %arg12[%parallel_loop3A_65], %parallel_loop3A_64 {strides = array<i32>} : memref<4096xf32, #tpu.memory_space<vmem>>, vector<16xf32>,
      %parallel_loop3A_67 = tpu.vector_load_idx %arg8[%parallel_loop3A_56] : memref<10000xf32, #tpu.memory_space<vmem>>[vector<16xi32>], vector<16xf32>,
      %parallel_loop3A_68 = tpu.vector_load_idx %arg8[%parallel_loop3A_54] : memref<10000xf32, #tpu.memory_space<vmem>>[vector<16xi32>], vector<16xf32>,
      %parallel_loop3A_69 = arith.subf %parallel_loop3A_67, %parallel_loop3A_68 : vector<16xf32>
      %parallel_loop3A_70 = arith.index_cast %parallel_loop3A_52 : i32 to index
      %parallel_loop3A_71 = tpu.vector_load %arg13[%parallel_loop3A_70] {strides = array<i32>} : memref<4096xf32, #tpu.memory_space<vmem>>, vector<16xf32>,
      tpu.vector_store %arg13[%parallel_loop3A_70], %parallel_loop3A_69 {strides = array<i32>} : memref<4096xf32, #tpu.memory_space<vmem>>, vector<16xf32>,
    } {sc.loop_unroll_factor = 8 : i64, sc.parallel_access}
    %run_scoped3A = arith.constant 0 : i32
    "tpu.region"() ({
      %run_scoped3A_52 = tpu.sem_alloc : memref<!tpu.dma_semaphore, #tpu.memory_space<semaphore_mem>>
      %dma_start3A_53 = tpu.memref_slice %arg5[%run_scoped3A, %add3A_46] : memref<3x131072xf32, #tpu.memory_space<hbm>> -> memref<1x4096xf32, #tpu.memory_space<hbm>>
      %dma_start3A_54 = tpu.memref_squeeze %dma_start3A_53 : memref<1x4096xf32, #tpu.memory_space<hbm>> -> memref<4096xf32, #tpu.memory_space<hbm>>
      %dma_start3A_55 = tpu.memref_slice %arg5[%run_scoped3A, %add3A_46] : memref<3x131072xf32, #tpu.memory_space<hbm>> -> memref<1x4096xf32, #tpu.memory_space<hbm>>
      %dma_start3A_56 = tpu.memref_squeeze %dma_start3A_55 : memref<1x4096xf32, #tpu.memory_space<hbm>> -> memref<4096xf32, #tpu.memory_space<hbm>>
      tpu.enqueue_dma source(%arg11 : memref<4096xf32, #tpu.memory_space<vmem>>) target(%dma_start3A_56 : memref<4096xf32, #tpu.memory_space<hbm>>) target_semaphore(%run_scoped3A_52 : memref<!tpu.dma_semaphore, #tpu.memory_space<semaphore_mem>>)
      %dma_wait3A_57 = tpu.memref_slice %arg5[%run_scoped3A, %add3A_46] : memref<3x131072xf32, #tpu.memory_space<hbm>> -> memref<1x4096xf32, #tpu.memory_space<hbm>>
      %dma_wait3A_58 = tpu.memref_squeeze %dma_wait3A_57 : memref<1x4096xf32, #tpu.memory_space<hbm>> -> memref<4096xf32, #tpu.memory_space<hbm>>
      %dma_wait3A_59 = tpu.memref_slice %arg5[%run_scoped3A, %add3A_46] : memref<3x131072xf32, #tpu.memory_space<hbm>> -> memref<1x4096xf32, #tpu.memory_space<hbm>>
      %dma_wait3A_60 = tpu.memref_squeeze %dma_wait3A_59 : memref<1x4096xf32, #tpu.memory_space<hbm>> -> memref<4096xf32, #tpu.memory_space<hbm>>
      tpu.wait_dma2 semaphore(%run_scoped3A_52 : memref<!tpu.dma_semaphore, #tpu.memory_space<semaphore_mem>>) src(%arg11 : memref<4096xf32, #tpu.memory_space<vmem>>) dst(%dma_wait3A_60 : memref<4096xf32, #tpu.memory_space<hbm>>)
      tpu.yield
    }) : () -> ()
    %run_scoped3A_49 = arith.constant 1 : i32
    "tpu.region"() ({
      %run_scoped3A_52 = tpu.sem_alloc : memref<!tpu.dma_semaphore, #tpu.memory_space<semaphore_mem>>
      %dma_start3A_53 = tpu.memref_slice %arg5[%run_scoped3A_49, %add3A_46] : memref<3x131072xf32, #tpu.memory_space<hbm>> -> memref<1x4096xf32, #tpu.memory_space<hbm>>
      %dma_start3A_54 = tpu.memref_squeeze %dma_start3A_53 : memref<1x4096xf32, #tpu.memory_space<hbm>> -> memref<4096xf32, #tpu.memory_space<hbm>>
      %dma_start3A_55 = tpu.memref_slice %arg5[%run_scoped3A_49, %add3A_46] : memref<3x131072xf32, #tpu.memory_space<hbm>> -> memref<1x4096xf32, #tpu.memory_space<hbm>>
      %dma_start3A_56 = tpu.memref_squeeze %dma_start3A_55 : memref<1x4096xf32, #tpu.memory_space<hbm>> -> memref<4096xf32, #tpu.memory_space<hbm>>
      tpu.enqueue_dma source(%arg12 : memref<4096xf32, #tpu.memory_space<vmem>>) target(%dma_start3A_56 : memref<4096xf32, #tpu.memory_space<hbm>>) target_semaphore(%run_scoped3A_52 : memref<!tpu.dma_semaphore, #tpu.memory_space<semaphore_mem>>)
      %dma_wait3A_57 = tpu.memref_slice %arg5[%run_scoped3A_49, %add3A_46] : memref<3x131072xf32, #tpu.memory_space<hbm>> -> memref<1x4096xf32, #tpu.memory_space<hbm>>
      %dma_wait3A_58 = tpu.memref_squeeze %dma_wait3A_57 : memref<1x4096xf32, #tpu.memory_space<hbm>> -> memref<4096xf32, #tpu.memory_space<hbm>>
      %dma_wait3A_59 = tpu.memref_slice %arg5[%run_scoped3A_49, %add3A_46] : memref<3x131072xf32, #tpu.memory_space<hbm>> -> memref<1x4096xf32, #tpu.memory_space<hbm>>
      %dma_wait3A_60 = tpu.memref_squeeze %dma_wait3A_59 : memref<1x4096xf32, #tpu.memory_space<hbm>> -> memref<4096xf32, #tpu.memory_space<hbm>>
      tpu.wait_dma2 semaphore(%run_scoped3A_52 : memref<!tpu.dma_semaphore, #tpu.memory_space<semaphore_mem>>) src(%arg12 : memref<4096xf32, #tpu.memory_space<vmem>>) dst(%dma_wait3A_60 : memref<4096xf32, #tpu.memory_space<hbm>>)
      tpu.yield
    }) : () -> ()
    %run_scoped3A_50 = arith.constant 2 : i32
    "tpu.region"() ({
      %run_scoped3A_52 = tpu.sem_alloc : memref<!tpu.dma_semaphore, #tpu.memory_space<semaphore_mem>>
      %dma_start3A_53 = tpu.memref_slice %arg5[%run_scoped3A_50, %add3A_46] : memref<3x131072xf32, #tpu.memory_space<hbm>> -> memref<1x4096xf32, #tpu.memory_space<hbm>>
      %dma_start3A_54 = tpu.memref_squeeze %dma_start3A_53 : memref<1x4096xf32, #tpu.memory_space<hbm>> -> memref<4096xf32, #tpu.memory_space<hbm>>
      %dma_start3A_55 = tpu.memref_slice %arg5[%run_scoped3A_50, %add3A_46] : memref<3x131072xf32, #tpu.memory_space<hbm>> -> memref<1x4096xf32, #tpu.memory_space<hbm>>
      %dma_start3A_56 = tpu.memref_squeeze %dma_start3A_55 : memref<1x4096xf32, #tpu.memory_space<hbm>> -> memref<4096xf32, #tpu.memory_space<hbm>>
      tpu.enqueue_dma source(%arg13 : memref<4096xf32, #tpu.memory_space<vmem>>) target(%dma_start3A_56 : memref<4096xf32, #tpu.memory_space<hbm>>) target_semaphore(%run_scoped3A_52 : memref<!tpu.dma_semaphore, #tpu.memory_space<semaphore_mem>>)
      %dma_wait3A_57 = tpu.memref_slice %arg5[%run_scoped3A_50, %add3A_46] : memref<3x131072xf32, #tpu.memory_space<hbm>> -> memref<1x4096xf32, #tpu.memory_space<hbm>>
      %dma_wait3A_58 = tpu.memref_squeeze %dma_wait3A_57 : memref<1x4096xf32, #tpu.memory_space<hbm>> -> memref<4096xf32, #tpu.memory_space<hbm>>
      %dma_wait3A_59 = tpu.memref_slice %arg5[%run_scoped3A_50, %add3A_46] : memref<3x131072xf32, #tpu.memory_space<hbm>> -> memref<1x4096xf32, #tpu.memory_space<hbm>>
      %dma_wait3A_60 = tpu.memref_squeeze %dma_wait3A_59 : memref<1x4096xf32, #tpu.memory_space<hbm>> -> memref<4096xf32, #tpu.memory_space<hbm>>
      tpu.wait_dma2 semaphore(%run_scoped3A_52 : memref<!tpu.dma_semaphore, #tpu.memory_space<semaphore_mem>>) src(%arg13 : memref<4096xf32, #tpu.memory_space<vmem>>) dst(%dma_wait3A_60 : memref<4096xf32, #tpu.memory_space<hbm>>)
      tpu.yield
    }) : () -> ()
    %scan3A_51 = arith.constant 1 : i32
    return
  }
}

#map = affine_map<(d0, d1) -> (0, 0)>
#map1 = affine_map<(d0, d1) -> (0)>
module attributes {stable_mosaic.version = 14 : i64} {
  func.func @_sc_gather_body(%arg0: i32, %arg1: i32, %arg2: memref<3x10000xf32, #tpu.memory_space<hbm>>, %arg3: memref<131072xi32, #tpu.memory_space<hbm>>, %arg4: memref<131072xi32, #tpu.memory_space<hbm>>, %arg5: memref<3x131072xf32, #tpu.memory_space<hbm>>, %arg6: memref<10000xf32, #tpu.memory_space<vmem>>, %arg7: memref<10000xf32, #tpu.memory_space<vmem>>, %arg8: memref<10000xf32, #tpu.memory_space<vmem>>, %arg9: memref<4096xi32, #tpu.memory_space<vmem>>, %arg10: memref<4096xi32, #tpu.memory_space<vmem>>, %arg11: memref<4096xf32, #tpu.memory_space<vmem>>, %arg12: memref<4096xf32, #tpu.memory_space<vmem>>, %arg13: memref<4096xf32, #tpu.memory_space<vmem>>, %arg14: memref<!tpu.dma_semaphore, #tpu.memory_space<semaphore_mem>>) attributes {dimension_semantics = [#tpu.dimension_semantics<core_parallel>, #tpu.dimension_semantics<subcore_parallel>], iteration_bounds = array<i64: 2, 16>, scalar_prefetch = 0 : i64, scratch_operands = 9 : i64, tpu.core_type = #tpu.core_type<sc_vector_subcore>, window_params = [{transform_indices = #map}, {transform_indices = #map1}, {transform_indices = #map1}, {transform_indices = #map}]} {
    %mul3A = arith.constant 2 : i32
    %mul3A_0 = arith.muli %arg1, %mul3A : i32
    %add3A = arith.addi %mul3A_0, %arg0 : i32
    %mul3A_1 = arith.constant 4096 : i32
    %mul3A_2 = arith.muli %add3A, %mul3A_1 : i32
    %dma_start3A = arith.constant 0 : i32
    %dma_start3A_3 = arith.constant 0 : i32
    %dma_start3A_4 = tpu.memref_slice %arg2[%dma_start3A, %dma_start3A_3] : memref<3x10000xf32, #tpu.memory_space<hbm>> -> memref<1x10000xf32, #tpu.memory_space<hbm>>
    %dma_start3A_5 = tpu.memref_squeeze %dma_start3A_4 : memref<1x10000xf32, #tpu.memory_space<hbm>> -> memref<10000xf32, #tpu.memory_space<hbm>>
    %dma_start3A_6 = arith.constant 0 : i32
    %dma_start3A_7 = tpu.memref_slice %arg2[%dma_start3A, %dma_start3A_6] : memref<3x10000xf32, #tpu.memory_space<hbm>> -> memref<1x10000xf32, #tpu.memory_space<hbm>>
    %dma_start3A_8 = tpu.memref_squeeze %dma_start3A_7 : memref<1x10000xf32, #tpu.memory_space<hbm>> -> memref<10000xf32, #tpu.memory_space<hbm>>
    tpu.enqueue_dma source(%dma_start3A_8 : memref<10000xf32, #tpu.memory_space<hbm>>) target(%arg6 : memref<10000xf32, #tpu.memory_space<vmem>>) target_semaphore(%arg14 : memref<!tpu.dma_semaphore, #tpu.memory_space<semaphore_mem>>)
    %dma_start3A_9 = arith.constant 1 : i32
    %dma_start3A_10 = arith.constant 0 : i32
    %dma_start3A_11 = tpu.memref_slice %arg2[%dma_start3A_9, %dma_start3A_10] : memref<3x10000xf32, #tpu.memory_space<hbm>> -> memref<1x10000xf32, #tpu.memory_space<hbm>>
    %dma_start3A_12 = tpu.memref_squeeze %dma_start3A_11 : memref<1x10000xf32, #tpu.memory_space<hbm>> -> memref<10000xf32, #tpu.memory_space<hbm>>
    %dma_start3A_13 = arith.constant 0 : i32
    %dma_start3A_14 = tpu.memref_slice %arg2[%dma_start3A_9, %dma_start3A_13] : memref<3x10000xf32, #tpu.memory_space<hbm>> -> memref<1x10000xf32, #tpu.memory_space<hbm>>
    %dma_start3A_15 = tpu.memref_squeeze %dma_start3A_14 : memref<1x10000xf32, #tpu.memory_space<hbm>> -> memref<10000xf32, #tpu.memory_space<hbm>>
    tpu.enqueue_dma source(%dma_start3A_15 : memref<10000xf32, #tpu.memory_space<hbm>>) target(%arg7 : memref<10000xf32, #tpu.memory_space<vmem>>) target_semaphore(%arg14 : memref<!tpu.dma_semaphore, #tpu.memory_space<semaphore_mem>>)
    %dma_start3A_16 = arith.constant 2 : i32
    %dma_start3A_17 = arith.constant 0 : i32
    %dma_start3A_18 = tpu.memref_slice %arg2[%dma_start3A_16, %dma_start3A_17] : memref<3x10000xf32, #tpu.memory_space<hbm>> -> memref<1x10000xf32, #tpu.memory_space<hbm>>
    %dma_start3A_19 = tpu.memref_squeeze %dma_start3A_18 : memref<1x10000xf32, #tpu.memory_space<hbm>> -> memref<10000xf32, #tpu.memory_space<hbm>>
    %dma_start3A_20 = arith.constant 0 : i32
    %dma_start3A_21 = tpu.memref_slice %arg2[%dma_start3A_16, %dma_start3A_20] : memref<3x10000xf32, #tpu.memory_space<hbm>> -> memref<1x10000xf32, #tpu.memory_space<hbm>>
    %dma_start3A_22 = tpu.memref_squeeze %dma_start3A_21 : memref<1x10000xf32, #tpu.memory_space<hbm>> -> memref<10000xf32, #tpu.memory_space<hbm>>
    tpu.enqueue_dma source(%dma_start3A_22 : memref<10000xf32, #tpu.memory_space<hbm>>) target(%arg8 : memref<10000xf32, #tpu.memory_space<vmem>>) target_semaphore(%arg14 : memref<!tpu.dma_semaphore, #tpu.memory_space<semaphore_mem>>)
    %dma_wait3A = arith.constant 0 : i32
    %dma_wait3A_23 = arith.constant 0 : i32
    %dma_wait3A_24 = tpu.memref_slice %arg2[%dma_wait3A, %dma_wait3A_23] : memref<3x10000xf32, #tpu.memory_space<hbm>> -> memref<1x10000xf32, #tpu.memory_space<hbm>>
    %dma_wait3A_25 = tpu.memref_squeeze %dma_wait3A_24 : memref<1x10000xf32, #tpu.memory_space<hbm>> -> memref<10000xf32, #tpu.memory_space<hbm>>
    %dma_wait3A_26 = arith.constant 0 : i32
    %dma_wait3A_27 = tpu.memref_slice %arg2[%dma_wait3A, %dma_wait3A_26] : memref<3x10000xf32, #tpu.memory_space<hbm>> -> memref<1x10000xf32, #tpu.memory_space<hbm>>
    %dma_wait3A_28 = tpu.memref_squeeze %dma_wait3A_27 : memref<1x10000xf32, #tpu.memory_space<hbm>> -> memref<10000xf32, #tpu.memory_space<hbm>>
    tpu.wait_dma2 semaphore(%arg14 : memref<!tpu.dma_semaphore, #tpu.memory_space<semaphore_mem>>) src(%dma_wait3A_28 : memref<10000xf32, #tpu.memory_space<hbm>>) dst(%arg6 : memref<10000xf32, #tpu.memory_space<vmem>>)
    %dma_wait3A_29 = arith.constant 1 : i32
    %dma_wait3A_30 = arith.constant 0 : i32
    %dma_wait3A_31 = tpu.memref_slice %arg2[%dma_wait3A_29, %dma_wait3A_30] : memref<3x10000xf32, #tpu.memory_space<hbm>> -> memref<1x10000xf32, #tpu.memory_space<hbm>>
    %dma_wait3A_32 = tpu.memref_squeeze %dma_wait3A_31 : memref<1x10000xf32, #tpu.memory_space<hbm>> -> memref<10000xf32, #tpu.memory_space<hbm>>
    %dma_wait3A_33 = arith.constant 0 : i32
    %dma_wait3A_34 = tpu.memref_slice %arg2[%dma_wait3A_29, %dma_wait3A_33] : memref<3x10000xf32, #tpu.memory_space<hbm>> -> memref<1x10000xf32, #tpu.memory_space<hbm>>
    %dma_wait3A_35 = tpu.memref_squeeze %dma_wait3A_34 : memref<1x10000xf32, #tpu.memory_space<hbm>> -> memref<10000xf32, #tpu.memory_space<hbm>>
    tpu.wait_dma2 semaphore(%arg14 : memref<!tpu.dma_semaphore, #tpu.memory_space<semaphore_mem>>) src(%dma_wait3A_35 : memref<10000xf32, #tpu.memory_space<hbm>>) dst(%arg7 : memref<10000xf32, #tpu.memory_space<vmem>>)
    %dma_wait3A_36 = arith.constant 2 : i32
    %dma_wait3A_37 = arith.constant 0 : i32
    %dma_wait3A_38 = tpu.memref_slice %arg2[%dma_wait3A_36, %dma_wait3A_37] : memref<3x10000xf32, #tpu.memory_space<hbm>> -> memref<1x10000xf32, #tpu.memory_space<hbm>>
    %dma_wait3A_39 = tpu.memref_squeeze %dma_wait3A_38 : memref<1x10000xf32, #tpu.memory_space<hbm>> -> memref<10000xf32, #tpu.memory_space<hbm>>
    %dma_wait3A_40 = arith.constant 0 : i32
    %dma_wait3A_41 = tpu.memref_slice %arg2[%dma_wait3A_36, %dma_wait3A_40] : memref<3x10000xf32, #tpu.memory_space<hbm>> -> memref<1x10000xf32, #tpu.memory_space<hbm>>
    %dma_wait3A_42 = tpu.memref_squeeze %dma_wait3A_41 : memref<1x10000xf32, #tpu.memory_space<hbm>> -> memref<10000xf32, #tpu.memory_space<hbm>>
    tpu.wait_dma2 semaphore(%arg14 : memref<!tpu.dma_semaphore, #tpu.memory_space<semaphore_mem>>) src(%dma_wait3A_42 : memref<10000xf32, #tpu.memory_space<hbm>>) dst(%arg8 : memref<10000xf32, #tpu.memory_space<vmem>>)
    %scan3A = arith.constant 0 : i32
    %scan3A_43 = arith.constant 0 : i32
    %mul3A_44 = arith.constant 4096 : i32
    %mul3A_45 = arith.muli %scan3A_43, %mul3A_44 : i32
    %add3A_46 = arith.addi %mul3A_2, %mul3A_45 : i32
    "tpu.region"() ({
      %run_scoped3A_52 = tpu.sem_alloc : memref<!tpu.dma_semaphore, #tpu.memory_space<semaphore_mem>>
      %dma_start3A_53 = tpu.memref_slice %arg3[%add3A_46] : memref<131072xi32, #tpu.memory_space<hbm>> -> memref<4096xi32, #tpu.memory_space<hbm>>
      %dma_start3A_54 = tpu.memref_slice %arg3[%add3A_46] : memref<131072xi32, #tpu.memory_space<hbm>> -> memref<4096xi32, #tpu.memory_space<hbm>>
      tpu.enqueue_dma source(%dma_start3A_54 : memref<4096xi32, #tpu.memory_space<hbm>>) target(%arg9 : memref<4096xi32, #tpu.memory_space<vmem>>) target_semaphore(%run_scoped3A_52 : memref<!tpu.dma_semaphore, #tpu.memory_space<semaphore_mem>>)
      %dma_wait3A_55 = tpu.memref_slice %arg3[%add3A_46] : memref<131072xi32, #tpu.memory_space<hbm>> -> memref<4096xi32, #tpu.memory_space<hbm>>
      %dma_wait3A_56 = tpu.memref_slice %arg3[%add3A_46] : memref<131072xi32, #tpu.memory_space<hbm>> -> memref<4096xi32, #tpu.memory_space<hbm>>
      tpu.wait_dma2 semaphore(%run_scoped3A_52 : memref<!tpu.dma_semaphore, #tpu.memory_space<semaphore_mem>>) src(%dma_wait3A_56 : memref<4096xi32, #tpu.memory_space<hbm>>) dst(%arg9 : memref<4096xi32, #tpu.memory_space<vmem>>)
      tpu.yield
    }) : () -> ()
    "tpu.region"() ({
      %run_scoped3A_52 = tpu.sem_alloc : memref<!tpu.dma_semaphore, #tpu.memory_space<semaphore_mem>>
      %dma_start3A_53 = tpu.memref_slice %arg4[%add3A_46] : memref<131072xi32, #tpu.memory_space<hbm>> -> memref<4096xi32, #tpu.memory_space<hbm>>
      %dma_start3A_54 = tpu.memref_slice %arg4[%add3A_46] : memref<131072xi32, #tpu.memory_space<hbm>> -> memref<4096xi32, #tpu.memory_space<hbm>>
      tpu.enqueue_dma source(%dma_start3A_54 : memref<4096xi32, #tpu.memory_space<hbm>>) target(%arg10 : memref<4096xi32, #tpu.memory_space<vmem>>) target_semaphore(%run_scoped3A_52 : memref<!tpu.dma_semaphore, #tpu.memory_space<semaphore_mem>>)
      %dma_wait3A_55 = tpu.memref_slice %arg4[%add3A_46] : memref<131072xi32, #tpu.memory_space<hbm>> -> memref<4096xi32, #tpu.memory_space<hbm>>
      %dma_wait3A_56 = tpu.memref_slice %arg4[%add3A_46] : memref<131072xi32, #tpu.memory_space<hbm>> -> memref<4096xi32, #tpu.memory_space<hbm>>
      tpu.wait_dma2 semaphore(%run_scoped3A_52 : memref<!tpu.dma_semaphore, #tpu.memory_space<semaphore_mem>>) src(%dma_wait3A_56 : memref<4096xi32, #tpu.memory_space<hbm>>) dst(%arg10 : memref<4096xi32, #tpu.memory_space<vmem>>)
      tpu.yield
    }) : () -> ()
    %parallel_loop3A = arith.constant 0 : i32
    %parallel_loop3A_47 = arith.constant 4096 : i32
    %parallel_loop3A_48 = arith.constant 16 : i32
    scf.for %parallel_loop3A_52 = %parallel_loop3A to %parallel_loop3A_47 step %parallel_loop3A_48  : i32 {
      %parallel_loop3A_53 = arith.index_cast %parallel_loop3A_52 : i32 to index
      %parallel_loop3A_54 = tpu.vector_load %arg9[%parallel_loop3A_53] {strides = array<i32>} : memref<4096xi32, #tpu.memory_space<vmem>>, vector<16xi32>,
      %parallel_loop3A_55 = arith.index_cast %parallel_loop3A_52 : i32 to index
      %parallel_loop3A_56 = tpu.vector_load %arg10[%parallel_loop3A_55] {strides = array<i32>} : memref<4096xi32, #tpu.memory_space<vmem>>, vector<16xi32>,
      %parallel_loop3A_57 = tpu.vector_load_idx %arg6[%parallel_loop3A_56] : memref<10000xf32, #tpu.memory_space<vmem>>[vector<16xi32>], vector<16xf32>,
      %parallel_loop3A_58 = tpu.vector_load_idx %arg6[%parallel_loop3A_54] : memref<10000xf32, #tpu.memory_space<vmem>>[vector<16xi32>], vector<16xf32>,
      %parallel_loop3A_59 = arith.subf %parallel_loop3A_57, %parallel_loop3A_58 : vector<16xf32>
      %parallel_loop3A_60 = arith.index_cast %parallel_loop3A_52 : i32 to index
      %parallel_loop3A_61 = tpu.vector_load %arg11[%parallel_loop3A_60] {strides = array<i32>} : memref<4096xf32, #tpu.memory_space<vmem>>, vector<16xf32>,
      tpu.vector_store %arg11[%parallel_loop3A_60], %parallel_loop3A_59 {strides = array<i32>} : memref<4096xf32, #tpu.memory_space<vmem>>, vector<16xf32>,
      %parallel_loop3A_62 = tpu.vector_load_idx %arg7[%parallel_loop3A_56] : memref<10000xf32, #tpu.memory_space<vmem>>[vector<16xi32>], vector<16xf32>,
      %parallel_loop3A_63 = tpu.vector_load_idx %arg7[%parallel_loop3A_54] : memref<10000xf32, #tpu.memory_space<vmem>>[vector<16xi32>], vector<16xf32>,
      %parallel_loop3A_64 = arith.subf %parallel_loop3A_62, %parallel_loop3A_63 : vector<16xf32>
      %parallel_loop3A_65 = arith.index_cast %parallel_loop3A_52 : i32 to index
      %parallel_loop3A_66 = tpu.vector_load %arg12[%parallel_loop3A_65] {strides = array<i32>} : memref<4096xf32, #tpu.memory_space<vmem>>, vector<16xf32>,
      tpu.vector_store %arg12[%parallel_loop3A_65], %parallel_loop3A_64 {strides = array<i32>} : memref<4096xf32, #tpu.memory_space<vmem>>, vector<16xf32>,
      %parallel_loop3A_67 = tpu.vector_load_idx %arg8[%parallel_loop3A_56] : memref<10000xf32, #tpu.memory_space<vmem>>[vector<16xi32>], vector<16xf32>,
      %parallel_loop3A_68 = tpu.vector_load_idx %arg8[%parallel_loop3A_54] : memref<10000xf32, #tpu.memory_space<vmem>>[vector<16xi32>], vector<16xf32>,
      %parallel_loop3A_69 = arith.subf %parallel_loop3A_67, %parallel_loop3A_68 : vector<16xf32>
      %parallel_loop3A_70 = arith.index_cast %parallel_loop3A_52 : i32 to index
      %parallel_loop3A_71 = tpu.vector_load %arg13[%parallel_loop3A_70] {strides = array<i32>} : memref<4096xf32, #tpu.memory_space<vmem>>, vector<16xf32>,
      tpu.vector_store %arg13[%parallel_loop3A_70], %parallel_loop3A_69 {strides = array<i32>} : memref<4096xf32, #tpu.memory_space<vmem>>, vector<16xf32>,
    } {sc.loop_unroll_factor = 8 : i64, sc.parallel_access}
    %run_scoped3A = arith.constant 0 : i32
    "tpu.region"() ({
      %run_scoped3A_52 = tpu.sem_alloc : memref<!tpu.dma_semaphore, #tpu.memory_space<semaphore_mem>>
      %dma_start3A_53 = tpu.memref_slice %arg5[%run_scoped3A, %add3A_46] : memref<3x131072xf32, #tpu.memory_space<hbm>> -> memref<1x4096xf32, #tpu.memory_space<hbm>>
      %dma_start3A_54 = tpu.memref_squeeze %dma_start3A_53 : memref<1x4096xf32, #tpu.memory_space<hbm>> -> memref<4096xf32, #tpu.memory_space<hbm>>
      %dma_start3A_55 = tpu.memref_slice %arg5[%run_scoped3A, %add3A_46] : memref<3x131072xf32, #tpu.memory_space<hbm>> -> memref<1x4096xf32, #tpu.memory_space<hbm>>
      %dma_start3A_56 = tpu.memref_squeeze %dma_start3A_55 : memref<1x4096xf32, #tpu.memory_space<hbm>> -> memref<4096xf32, #tpu.memory_space<hbm>>
      tpu.enqueue_dma source(%arg11 : memref<4096xf32, #tpu.memory_space<vmem>>) target(%dma_start3A_56 : memref<4096xf32, #tpu.memory_space<hbm>>) target_semaphore(%run_scoped3A_52 : memref<!tpu.dma_semaphore, #tpu.memory_space<semaphore_mem>>)
      %dma_wait3A_57 = tpu.memref_slice %arg5[%run_scoped3A, %add3A_46] : memref<3x131072xf32, #tpu.memory_space<hbm>> -> memref<1x4096xf32, #tpu.memory_space<hbm>>
      %dma_wait3A_58 = tpu.memref_squeeze %dma_wait3A_57 : memref<1x4096xf32, #tpu.memory_space<hbm>> -> memref<4096xf32, #tpu.memory_space<hbm>>
      %dma_wait3A_59 = tpu.memref_slice %arg5[%run_scoped3A, %add3A_46] : memref<3x131072xf32, #tpu.memory_space<hbm>> -> memref<1x4096xf32, #tpu.memory_space<hbm>>
      %dma_wait3A_60 = tpu.memref_squeeze %dma_wait3A_59 : memref<1x4096xf32, #tpu.memory_space<hbm>> -> memref<4096xf32, #tpu.memory_space<hbm>>
      tpu.wait_dma2 semaphore(%run_scoped3A_52 : memref<!tpu.dma_semaphore, #tpu.memory_space<semaphore_mem>>) src(%arg11 : memref<4096xf32, #tpu.memory_space<vmem>>) dst(%dma_wait3A_60 : memref<4096xf32, #tpu.memory_space<hbm>>)
      tpu.yield
    }) : () -> ()
    %run_scoped3A_49 = arith.constant 1 : i32
    "tpu.region"() ({
      %run_scoped3A_52 = tpu.sem_alloc : memref<!tpu.dma_semaphore, #tpu.memory_space<semaphore_mem>>
      %dma_start3A_53 = tpu.memref_slice %arg5[%run_scoped3A_49, %add3A_46] : memref<3x131072xf32, #tpu.memory_space<hbm>> -> memref<1x4096xf32, #tpu.memory_space<hbm>>
      %dma_start3A_54 = tpu.memref_squeeze %dma_start3A_53 : memref<1x4096xf32, #tpu.memory_space<hbm>> -> memref<4096xf32, #tpu.memory_space<hbm>>
      %dma_start3A_55 = tpu.memref_slice %arg5[%run_scoped3A_49, %add3A_46] : memref<3x131072xf32, #tpu.memory_space<hbm>> -> memref<1x4096xf32, #tpu.memory_space<hbm>>
      %dma_start3A_56 = tpu.memref_squeeze %dma_start3A_55 : memref<1x4096xf32, #tpu.memory_space<hbm>> -> memref<4096xf32, #tpu.memory_space<hbm>>
      tpu.enqueue_dma source(%arg12 : memref<4096xf32, #tpu.memory_space<vmem>>) target(%dma_start3A_56 : memref<4096xf32, #tpu.memory_space<hbm>>) target_semaphore(%run_scoped3A_52 : memref<!tpu.dma_semaphore, #tpu.memory_space<semaphore_mem>>)
      %dma_wait3A_57 = tpu.memref_slice %arg5[%run_scoped3A_49, %add3A_46] : memref<3x131072xf32, #tpu.memory_space<hbm>> -> memref<1x4096xf32, #tpu.memory_space<hbm>>
      %dma_wait3A_58 = tpu.memref_squeeze %dma_wait3A_57 : memref<1x4096xf32, #tpu.memory_space<hbm>> -> memref<4096xf32, #tpu.memory_space<hbm>>
      %dma_wait3A_59 = tpu.memref_slice %arg5[%run_scoped3A_49, %add3A_46] : memref<3x131072xf32, #tpu.memory_space<hbm>> -> memref<1x4096xf32, #tpu.memory_space<hbm>>
      %dma_wait3A_60 = tpu.memref_squeeze %dma_wait3A_59 : memref<1x4096xf32, #tpu.memory_space<hbm>> -> memref<4096xf32, #tpu.memory_space<hbm>>
      tpu.wait_dma2 semaphore(%run_scoped3A_52 : memref<!tpu.dma_semaphore, #tpu.memory_space<semaphore_mem>>) src(%arg12 : memref<4096xf32, #tpu.memory_space<vmem>>) dst(%dma_wait3A_60 : memref<4096xf32, #tpu.memory_space<hbm>>)
      tpu.yield
    }) : () -> ()
    %run_scoped3A_50 = arith.constant 2 : i32
    "tpu.region"() ({
      %run_scoped3A_52 = tpu.sem_alloc : memref<!tpu.dma_semaphore, #tpu.memory_space<semaphore_mem>>
      %dma_start3A_53 = tpu.memref_slice %arg5[%run_scoped3A_50, %add3A_46] : memref<3x131072xf32, #tpu.memory_space<hbm>> -> memref<1x4096xf32, #tpu.memory_space<hbm>>
      %dma_start3A_54 = tpu.memref_squeeze %dma_start3A_53 : memref<1x4096xf32, #tpu.memory_space<hbm>> -> memref<4096xf32, #tpu.memory_space<hbm>>
      %dma_start3A_55 = tpu.memref_slice %arg5[%run_scoped3A_50, %add3A_46] : memref<3x131072xf32, #tpu.memory_space<hbm>> -> memref<1x4096xf32, #tpu.memory_space<hbm>>
      %dma_start3A_56 = tpu.memref_squeeze %dma_start3A_55 : memref<1x4096xf32, #tpu.memory_space<hbm>> -> memref<4096xf32, #tpu.memory_space<hbm>>
      tpu.enqueue_dma source(%arg13 : memref<4096xf32, #tpu.memory_space<vmem>>) target(%dma_start3A_56 : memref<4096xf32, #tpu.memory_space<hbm>>) target_semaphore(%run_scoped3A_52 : memref<!tpu.dma_semaphore, #tpu.memory_space<semaphore_mem>>)
      %dma_wait3A_57 = tpu.memref_slice %arg5[%run_scoped3A_50, %add3A_46] : memref<3x131072xf32, #tpu.memory_space<hbm>> -> memref<1x4096xf32, #tpu.memory_space<hbm>>
      %dma_wait3A_58 = tpu.memref_squeeze %dma_wait3A_57 : memref<1x4096xf32, #tpu.memory_space<hbm>> -> memref<4096xf32, #tpu.memory_space<hbm>>
      %dma_wait3A_59 = tpu.memref_slice %arg5[%run_scoped3A_50, %add3A_46] : memref<3x131072xf32, #tpu.memory_space<hbm>> -> memref<1x4096xf32, #tpu.memory_space<hbm>>
      %dma_wait3A_60 = tpu.memref_squeeze %dma_wait3A_59 : memref<1x4096xf32, #tpu.memory_space<hbm>> -> memref<4096xf32, #tpu.memory_space<hbm>>
      tpu.wait_dma2 semaphore(%run_scoped3A_52 : memref<!tpu.dma_semaphore, #tpu.memory_space<semaphore_mem>>) src(%arg13 : memref<4096xf32, #tpu.memory_space<vmem>>) dst(%dma_wait3A_60 : memref<4096xf32, #tpu.memory_space<hbm>>)
      tpu.yield
    }) : () -> ()
    %scan3A_51 = arith.constant 1 : i32
    return
  }
}

#map = affine_map<(d0, d1) -> (0, 0)>
#map1 = affine_map<(d0, d1) -> (0)>
module attributes {stable_mosaic.version = 14 : i64} {
  func.func @_sc_gather_body(%arg0: i32, %arg1: i32, %arg2: memref<3x10000xf32, #tpu.memory_space<hbm>>, %arg3: memref<189440xi32, #tpu.memory_space<hbm>>, %arg4: memref<189440xi32, #tpu.memory_space<hbm>>, %arg5: memref<3x189440xf32, #tpu.memory_space<hbm>>, %arg6: memref<10000xf32, #tpu.memory_space<vmem>>, %arg7: memref<10000xf32, #tpu.memory_space<vmem>>, %arg8: memref<10000xf32, #tpu.memory_space<vmem>>, %arg9: memref<5920xi32, #tpu.memory_space<vmem>>, %arg10: memref<5920xi32, #tpu.memory_space<vmem>>, %arg11: memref<5920xf32, #tpu.memory_space<vmem>>, %arg12: memref<5920xf32, #tpu.memory_space<vmem>>, %arg13: memref<5920xf32, #tpu.memory_space<vmem>>, %arg14: memref<!tpu.dma_semaphore, #tpu.memory_space<semaphore_mem>>) attributes {dimension_semantics = [#tpu.dimension_semantics<core_parallel>, #tpu.dimension_semantics<subcore_parallel>], iteration_bounds = array<i64: 2, 16>, scalar_prefetch = 0 : i64, scratch_operands = 9 : i64, tpu.core_type = #tpu.core_type<sc_vector_subcore>, window_params = [{transform_indices = #map}, {transform_indices = #map1}, {transform_indices = #map1}, {transform_indices = #map}]} {
    %mul3A = arith.constant 2 : i32
    %mul3A_0 = arith.muli %arg1, %mul3A : i32
    %add3A = arith.addi %mul3A_0, %arg0 : i32
    %mul3A_1 = arith.constant 5920 : i32
    %mul3A_2 = arith.muli %add3A, %mul3A_1 : i32
    %dma_start3A = arith.constant 0 : i32
    %dma_start3A_3 = arith.constant 0 : i32
    %dma_start3A_4 = tpu.memref_slice %arg2[%dma_start3A, %dma_start3A_3] : memref<3x10000xf32, #tpu.memory_space<hbm>> -> memref<1x10000xf32, #tpu.memory_space<hbm>>
    %dma_start3A_5 = tpu.memref_squeeze %dma_start3A_4 : memref<1x10000xf32, #tpu.memory_space<hbm>> -> memref<10000xf32, #tpu.memory_space<hbm>>
    %dma_start3A_6 = arith.constant 0 : i32
    %dma_start3A_7 = tpu.memref_slice %arg2[%dma_start3A, %dma_start3A_6] : memref<3x10000xf32, #tpu.memory_space<hbm>> -> memref<1x10000xf32, #tpu.memory_space<hbm>>
    %dma_start3A_8 = tpu.memref_squeeze %dma_start3A_7 : memref<1x10000xf32, #tpu.memory_space<hbm>> -> memref<10000xf32, #tpu.memory_space<hbm>>
    tpu.enqueue_dma source(%dma_start3A_8 : memref<10000xf32, #tpu.memory_space<hbm>>) target(%arg6 : memref<10000xf32, #tpu.memory_space<vmem>>) target_semaphore(%arg14 : memref<!tpu.dma_semaphore, #tpu.memory_space<semaphore_mem>>)
    %dma_start3A_9 = arith.constant 1 : i32
    %dma_start3A_10 = arith.constant 0 : i32
    %dma_start3A_11 = tpu.memref_slice %arg2[%dma_start3A_9, %dma_start3A_10] : memref<3x10000xf32, #tpu.memory_space<hbm>> -> memref<1x10000xf32, #tpu.memory_space<hbm>>
    %dma_start3A_12 = tpu.memref_squeeze %dma_start3A_11 : memref<1x10000xf32, #tpu.memory_space<hbm>> -> memref<10000xf32, #tpu.memory_space<hbm>>
    %dma_start3A_13 = arith.constant 0 : i32
    %dma_start3A_14 = tpu.memref_slice %arg2[%dma_start3A_9, %dma_start3A_13] : memref<3x10000xf32, #tpu.memory_space<hbm>> -> memref<1x10000xf32, #tpu.memory_space<hbm>>
    %dma_start3A_15 = tpu.memref_squeeze %dma_start3A_14 : memref<1x10000xf32, #tpu.memory_space<hbm>> -> memref<10000xf32, #tpu.memory_space<hbm>>
    tpu.enqueue_dma source(%dma_start3A_15 : memref<10000xf32, #tpu.memory_space<hbm>>) target(%arg7 : memref<10000xf32, #tpu.memory_space<vmem>>) target_semaphore(%arg14 : memref<!tpu.dma_semaphore, #tpu.memory_space<semaphore_mem>>)
    %dma_start3A_16 = arith.constant 2 : i32
    %dma_start3A_17 = arith.constant 0 : i32
    %dma_start3A_18 = tpu.memref_slice %arg2[%dma_start3A_16, %dma_start3A_17] : memref<3x10000xf32, #tpu.memory_space<hbm>> -> memref<1x10000xf32, #tpu.memory_space<hbm>>
    %dma_start3A_19 = tpu.memref_squeeze %dma_start3A_18 : memref<1x10000xf32, #tpu.memory_space<hbm>> -> memref<10000xf32, #tpu.memory_space<hbm>>
    %dma_start3A_20 = arith.constant 0 : i32
    %dma_start3A_21 = tpu.memref_slice %arg2[%dma_start3A_16, %dma_start3A_20] : memref<3x10000xf32, #tpu.memory_space<hbm>> -> memref<1x10000xf32, #tpu.memory_space<hbm>>
    %dma_start3A_22 = tpu.memref_squeeze %dma_start3A_21 : memref<1x10000xf32, #tpu.memory_space<hbm>> -> memref<10000xf32, #tpu.memory_space<hbm>>
    tpu.enqueue_dma source(%dma_start3A_22 : memref<10000xf32, #tpu.memory_space<hbm>>) target(%arg8 : memref<10000xf32, #tpu.memory_space<vmem>>) target_semaphore(%arg14 : memref<!tpu.dma_semaphore, #tpu.memory_space<semaphore_mem>>)
    %dma_wait3A = arith.constant 0 : i32
    %dma_wait3A_23 = arith.constant 0 : i32
    %dma_wait3A_24 = tpu.memref_slice %arg2[%dma_wait3A, %dma_wait3A_23] : memref<3x10000xf32, #tpu.memory_space<hbm>> -> memref<1x10000xf32, #tpu.memory_space<hbm>>
    %dma_wait3A_25 = tpu.memref_squeeze %dma_wait3A_24 : memref<1x10000xf32, #tpu.memory_space<hbm>> -> memref<10000xf32, #tpu.memory_space<hbm>>
    %dma_wait3A_26 = arith.constant 0 : i32
    %dma_wait3A_27 = tpu.memref_slice %arg2[%dma_wait3A, %dma_wait3A_26] : memref<3x10000xf32, #tpu.memory_space<hbm>> -> memref<1x10000xf32, #tpu.memory_space<hbm>>
    %dma_wait3A_28 = tpu.memref_squeeze %dma_wait3A_27 : memref<1x10000xf32, #tpu.memory_space<hbm>> -> memref<10000xf32, #tpu.memory_space<hbm>>
    tpu.wait_dma2 semaphore(%arg14 : memref<!tpu.dma_semaphore, #tpu.memory_space<semaphore_mem>>) src(%dma_wait3A_28 : memref<10000xf32, #tpu.memory_space<hbm>>) dst(%arg6 : memref<10000xf32, #tpu.memory_space<vmem>>)
    %dma_wait3A_29 = arith.constant 1 : i32
    %dma_wait3A_30 = arith.constant 0 : i32
    %dma_wait3A_31 = tpu.memref_slice %arg2[%dma_wait3A_29, %dma_wait3A_30] : memref<3x10000xf32, #tpu.memory_space<hbm>> -> memref<1x10000xf32, #tpu.memory_space<hbm>>
    %dma_wait3A_32 = tpu.memref_squeeze %dma_wait3A_31 : memref<1x10000xf32, #tpu.memory_space<hbm>> -> memref<10000xf32, #tpu.memory_space<hbm>>
    %dma_wait3A_33 = arith.constant 0 : i32
    %dma_wait3A_34 = tpu.memref_slice %arg2[%dma_wait3A_29, %dma_wait3A_33] : memref<3x10000xf32, #tpu.memory_space<hbm>> -> memref<1x10000xf32, #tpu.memory_space<hbm>>
    %dma_wait3A_35 = tpu.memref_squeeze %dma_wait3A_34 : memref<1x10000xf32, #tpu.memory_space<hbm>> -> memref<10000xf32, #tpu.memory_space<hbm>>
    tpu.wait_dma2 semaphore(%arg14 : memref<!tpu.dma_semaphore, #tpu.memory_space<semaphore_mem>>) src(%dma_wait3A_35 : memref<10000xf32, #tpu.memory_space<hbm>>) dst(%arg7 : memref<10000xf32, #tpu.memory_space<vmem>>)
    %dma_wait3A_36 = arith.constant 2 : i32
    %dma_wait3A_37 = arith.constant 0 : i32
    %dma_wait3A_38 = tpu.memref_slice %arg2[%dma_wait3A_36, %dma_wait3A_37] : memref<3x10000xf32, #tpu.memory_space<hbm>> -> memref<1x10000xf32, #tpu.memory_space<hbm>>
    %dma_wait3A_39 = tpu.memref_squeeze %dma_wait3A_38 : memref<1x10000xf32, #tpu.memory_space<hbm>> -> memref<10000xf32, #tpu.memory_space<hbm>>
    %dma_wait3A_40 = arith.constant 0 : i32
    %dma_wait3A_41 = tpu.memref_slice %arg2[%dma_wait3A_36, %dma_wait3A_40] : memref<3x10000xf32, #tpu.memory_space<hbm>> -> memref<1x10000xf32, #tpu.memory_space<hbm>>
    %dma_wait3A_42 = tpu.memref_squeeze %dma_wait3A_41 : memref<1x10000xf32, #tpu.memory_space<hbm>> -> memref<10000xf32, #tpu.memory_space<hbm>>
    tpu.wait_dma2 semaphore(%arg14 : memref<!tpu.dma_semaphore, #tpu.memory_space<semaphore_mem>>) src(%dma_wait3A_42 : memref<10000xf32, #tpu.memory_space<hbm>>) dst(%arg8 : memref<10000xf32, #tpu.memory_space<vmem>>)
    %scan3A = arith.constant 0 : i32
    %scan3A_43 = arith.constant 0 : i32
    %mul3A_44 = arith.constant 5920 : i32
    %mul3A_45 = arith.muli %scan3A_43, %mul3A_44 : i32
    %add3A_46 = arith.addi %mul3A_2, %mul3A_45 : i32
    "tpu.region"() ({
      %run_scoped3A_52 = tpu.sem_alloc : memref<!tpu.dma_semaphore, #tpu.memory_space<semaphore_mem>>
      %dma_start3A_53 = tpu.memref_slice %arg3[%add3A_46] : memref<189440xi32, #tpu.memory_space<hbm>> -> memref<5920xi32, #tpu.memory_space<hbm>>
      %dma_start3A_54 = tpu.memref_slice %arg3[%add3A_46] : memref<189440xi32, #tpu.memory_space<hbm>> -> memref<5920xi32, #tpu.memory_space<hbm>>
      tpu.enqueue_dma source(%dma_start3A_54 : memref<5920xi32, #tpu.memory_space<hbm>>) target(%arg9 : memref<5920xi32, #tpu.memory_space<vmem>>) target_semaphore(%run_scoped3A_52 : memref<!tpu.dma_semaphore, #tpu.memory_space<semaphore_mem>>)
      %dma_wait3A_55 = tpu.memref_slice %arg3[%add3A_46] : memref<189440xi32, #tpu.memory_space<hbm>> -> memref<5920xi32, #tpu.memory_space<hbm>>
      %dma_wait3A_56 = tpu.memref_slice %arg3[%add3A_46] : memref<189440xi32, #tpu.memory_space<hbm>> -> memref<5920xi32, #tpu.memory_space<hbm>>
      tpu.wait_dma2 semaphore(%run_scoped3A_52 : memref<!tpu.dma_semaphore, #tpu.memory_space<semaphore_mem>>) src(%dma_wait3A_56 : memref<5920xi32, #tpu.memory_space<hbm>>) dst(%arg9 : memref<5920xi32, #tpu.memory_space<vmem>>)
      tpu.yield
    }) : () -> ()
    "tpu.region"() ({
      %run_scoped3A_52 = tpu.sem_alloc : memref<!tpu.dma_semaphore, #tpu.memory_space<semaphore_mem>>
      %dma_start3A_53 = tpu.memref_slice %arg4[%add3A_46] : memref<189440xi32, #tpu.memory_space<hbm>> -> memref<5920xi32, #tpu.memory_space<hbm>>
      %dma_start3A_54 = tpu.memref_slice %arg4[%add3A_46] : memref<189440xi32, #tpu.memory_space<hbm>> -> memref<5920xi32, #tpu.memory_space<hbm>>
      tpu.enqueue_dma source(%dma_start3A_54 : memref<5920xi32, #tpu.memory_space<hbm>>) target(%arg10 : memref<5920xi32, #tpu.memory_space<vmem>>) target_semaphore(%run_scoped3A_52 : memref<!tpu.dma_semaphore, #tpu.memory_space<semaphore_mem>>)
      %dma_wait3A_55 = tpu.memref_slice %arg4[%add3A_46] : memref<189440xi32, #tpu.memory_space<hbm>> -> memref<5920xi32, #tpu.memory_space<hbm>>
      %dma_wait3A_56 = tpu.memref_slice %arg4[%add3A_46] : memref<189440xi32, #tpu.memory_space<hbm>> -> memref<5920xi32, #tpu.memory_space<hbm>>
      tpu.wait_dma2 semaphore(%run_scoped3A_52 : memref<!tpu.dma_semaphore, #tpu.memory_space<semaphore_mem>>) src(%dma_wait3A_56 : memref<5920xi32, #tpu.memory_space<hbm>>) dst(%arg10 : memref<5920xi32, #tpu.memory_space<vmem>>)
      tpu.yield
    }) : () -> ()
    %parallel_loop3A = arith.constant 0 : i32
    %parallel_loop3A_47 = arith.constant 5920 : i32
    %parallel_loop3A_48 = arith.constant 16 : i32
    scf.for %parallel_loop3A_52 = %parallel_loop3A to %parallel_loop3A_47 step %parallel_loop3A_48  : i32 {
      %parallel_loop3A_53 = arith.index_cast %parallel_loop3A_52 : i32 to index
      %parallel_loop3A_54 = tpu.vector_load %arg9[%parallel_loop3A_53] {strides = array<i32>} : memref<5920xi32, #tpu.memory_space<vmem>>, vector<16xi32>,
      %parallel_loop3A_55 = arith.index_cast %parallel_loop3A_52 : i32 to index
      %parallel_loop3A_56 = tpu.vector_load %arg10[%parallel_loop3A_55] {strides = array<i32>} : memref<5920xi32, #tpu.memory_space<vmem>>, vector<16xi32>,
      %parallel_loop3A_57 = tpu.vector_load_idx %arg6[%parallel_loop3A_56] : memref<10000xf32, #tpu.memory_space<vmem>>[vector<16xi32>], vector<16xf32>,
      %parallel_loop3A_58 = tpu.vector_load_idx %arg6[%parallel_loop3A_54] : memref<10000xf32, #tpu.memory_space<vmem>>[vector<16xi32>], vector<16xf32>,
      %parallel_loop3A_59 = arith.subf %parallel_loop3A_57, %parallel_loop3A_58 : vector<16xf32>
      %parallel_loop3A_60 = arith.index_cast %parallel_loop3A_52 : i32 to index
      %parallel_loop3A_61 = tpu.vector_load %arg11[%parallel_loop3A_60] {strides = array<i32>} : memref<5920xf32, #tpu.memory_space<vmem>>, vector<16xf32>,
      tpu.vector_store %arg11[%parallel_loop3A_60], %parallel_loop3A_59 {strides = array<i32>} : memref<5920xf32, #tpu.memory_space<vmem>>, vector<16xf32>,
      %parallel_loop3A_62 = tpu.vector_load_idx %arg7[%parallel_loop3A_56] : memref<10000xf32, #tpu.memory_space<vmem>>[vector<16xi32>], vector<16xf32>,
      %parallel_loop3A_63 = tpu.vector_load_idx %arg7[%parallel_loop3A_54] : memref<10000xf32, #tpu.memory_space<vmem>>[vector<16xi32>], vector<16xf32>,
      %parallel_loop3A_64 = arith.subf %parallel_loop3A_62, %parallel_loop3A_63 : vector<16xf32>
      %parallel_loop3A_65 = arith.index_cast %parallel_loop3A_52 : i32 to index
      %parallel_loop3A_66 = tpu.vector_load %arg12[%parallel_loop3A_65] {strides = array<i32>} : memref<5920xf32, #tpu.memory_space<vmem>>, vector<16xf32>,
      tpu.vector_store %arg12[%parallel_loop3A_65], %parallel_loop3A_64 {strides = array<i32>} : memref<5920xf32, #tpu.memory_space<vmem>>, vector<16xf32>,
      %parallel_loop3A_67 = tpu.vector_load_idx %arg8[%parallel_loop3A_56] : memref<10000xf32, #tpu.memory_space<vmem>>[vector<16xi32>], vector<16xf32>,
      %parallel_loop3A_68 = tpu.vector_load_idx %arg8[%parallel_loop3A_54] : memref<10000xf32, #tpu.memory_space<vmem>>[vector<16xi32>], vector<16xf32>,
      %parallel_loop3A_69 = arith.subf %parallel_loop3A_67, %parallel_loop3A_68 : vector<16xf32>
      %parallel_loop3A_70 = arith.index_cast %parallel_loop3A_52 : i32 to index
      %parallel_loop3A_71 = tpu.vector_load %arg13[%parallel_loop3A_70] {strides = array<i32>} : memref<5920xf32, #tpu.memory_space<vmem>>, vector<16xf32>,
      tpu.vector_store %arg13[%parallel_loop3A_70], %parallel_loop3A_69 {strides = array<i32>} : memref<5920xf32, #tpu.memory_space<vmem>>, vector<16xf32>,
    } {sc.loop_unroll_factor = 8 : i64, sc.parallel_access}
    %run_scoped3A = arith.constant 0 : i32
    "tpu.region"() ({
      %run_scoped3A_52 = tpu.sem_alloc : memref<!tpu.dma_semaphore, #tpu.memory_space<semaphore_mem>>
      %dma_start3A_53 = tpu.memref_slice %arg5[%run_scoped3A, %add3A_46] : memref<3x189440xf32, #tpu.memory_space<hbm>> -> memref<1x5920xf32, #tpu.memory_space<hbm>>
      %dma_start3A_54 = tpu.memref_squeeze %dma_start3A_53 : memref<1x5920xf32, #tpu.memory_space<hbm>> -> memref<5920xf32, #tpu.memory_space<hbm>>
      %dma_start3A_55 = tpu.memref_slice %arg5[%run_scoped3A, %add3A_46] : memref<3x189440xf32, #tpu.memory_space<hbm>> -> memref<1x5920xf32, #tpu.memory_space<hbm>>
      %dma_start3A_56 = tpu.memref_squeeze %dma_start3A_55 : memref<1x5920xf32, #tpu.memory_space<hbm>> -> memref<5920xf32, #tpu.memory_space<hbm>>
      tpu.enqueue_dma source(%arg11 : memref<5920xf32, #tpu.memory_space<vmem>>) target(%dma_start3A_56 : memref<5920xf32, #tpu.memory_space<hbm>>) target_semaphore(%run_scoped3A_52 : memref<!tpu.dma_semaphore, #tpu.memory_space<semaphore_mem>>)
      %dma_wait3A_57 = tpu.memref_slice %arg5[%run_scoped3A, %add3A_46] : memref<3x189440xf32, #tpu.memory_space<hbm>> -> memref<1x5920xf32, #tpu.memory_space<hbm>>
      %dma_wait3A_58 = tpu.memref_squeeze %dma_wait3A_57 : memref<1x5920xf32, #tpu.memory_space<hbm>> -> memref<5920xf32, #tpu.memory_space<hbm>>
      %dma_wait3A_59 = tpu.memref_slice %arg5[%run_scoped3A, %add3A_46] : memref<3x189440xf32, #tpu.memory_space<hbm>> -> memref<1x5920xf32, #tpu.memory_space<hbm>>
      %dma_wait3A_60 = tpu.memref_squeeze %dma_wait3A_59 : memref<1x5920xf32, #tpu.memory_space<hbm>> -> memref<5920xf32, #tpu.memory_space<hbm>>
      tpu.wait_dma2 semaphore(%run_scoped3A_52 : memref<!tpu.dma_semaphore, #tpu.memory_space<semaphore_mem>>) src(%arg11 : memref<5920xf32, #tpu.memory_space<vmem>>) dst(%dma_wait3A_60 : memref<5920xf32, #tpu.memory_space<hbm>>)
      tpu.yield
    }) : () -> ()
    %run_scoped3A_49 = arith.constant 1 : i32
    "tpu.region"() ({
      %run_scoped3A_52 = tpu.sem_alloc : memref<!tpu.dma_semaphore, #tpu.memory_space<semaphore_mem>>
      %dma_start3A_53 = tpu.memref_slice %arg5[%run_scoped3A_49, %add3A_46] : memref<3x189440xf32, #tpu.memory_space<hbm>> -> memref<1x5920xf32, #tpu.memory_space<hbm>>
      %dma_start3A_54 = tpu.memref_squeeze %dma_start3A_53 : memref<1x5920xf32, #tpu.memory_space<hbm>> -> memref<5920xf32, #tpu.memory_space<hbm>>
      %dma_start3A_55 = tpu.memref_slice %arg5[%run_scoped3A_49, %add3A_46] : memref<3x189440xf32, #tpu.memory_space<hbm>> -> memref<1x5920xf32, #tpu.memory_space<hbm>>
      %dma_start3A_56 = tpu.memref_squeeze %dma_start3A_55 : memref<1x5920xf32, #tpu.memory_space<hbm>> -> memref<5920xf32, #tpu.memory_space<hbm>>
      tpu.enqueue_dma source(%arg12 : memref<5920xf32, #tpu.memory_space<vmem>>) target(%dma_start3A_56 : memref<5920xf32, #tpu.memory_space<hbm>>) target_semaphore(%run_scoped3A_52 : memref<!tpu.dma_semaphore, #tpu.memory_space<semaphore_mem>>)
      %dma_wait3A_57 = tpu.memref_slice %arg5[%run_scoped3A_49, %add3A_46] : memref<3x189440xf32, #tpu.memory_space<hbm>> -> memref<1x5920xf32, #tpu.memory_space<hbm>>
      %dma_wait3A_58 = tpu.memref_squeeze %dma_wait3A_57 : memref<1x5920xf32, #tpu.memory_space<hbm>> -> memref<5920xf32, #tpu.memory_space<hbm>>
      %dma_wait3A_59 = tpu.memref_slice %arg5[%run_scoped3A_49, %add3A_46] : memref<3x189440xf32, #tpu.memory_space<hbm>> -> memref<1x5920xf32, #tpu.memory_space<hbm>>
      %dma_wait3A_60 = tpu.memref_squeeze %dma_wait3A_59 : memref<1x5920xf32, #tpu.memory_space<hbm>> -> memref<5920xf32, #tpu.memory_space<hbm>>
      tpu.wait_dma2 semaphore(%run_scoped3A_52 : memref<!tpu.dma_semaphore, #tpu.memory_space<semaphore_mem>>) src(%arg12 : memref<5920xf32, #tpu.memory_space<vmem>>) dst(%dma_wait3A_60 : memref<5920xf32, #tpu.memory_space<hbm>>)
      tpu.yield
    }) : () -> ()
    %run_scoped3A_50 = arith.constant 2 : i32
    "tpu.region"() ({
      %run_scoped3A_52 = tpu.sem_alloc : memref<!tpu.dma_semaphore, #tpu.memory_space<semaphore_mem>>
      %dma_start3A_53 = tpu.memref_slice %arg5[%run_scoped3A_50, %add3A_46] : memref<3x189440xf32, #tpu.memory_space<hbm>> -> memref<1x5920xf32, #tpu.memory_space<hbm>>
      %dma_start3A_54 = tpu.memref_squeeze %dma_start3A_53 : memref<1x5920xf32, #tpu.memory_space<hbm>> -> memref<5920xf32, #tpu.memory_space<hbm>>
      %dma_start3A_55 = tpu.memref_slice %arg5[%run_scoped3A_50, %add3A_46] : memref<3x189440xf32, #tpu.memory_space<hbm>> -> memref<1x5920xf32, #tpu.memory_space<hbm>>
      %dma_start3A_56 = tpu.memref_squeeze %dma_start3A_55 : memref<1x5920xf32, #tpu.memory_space<hbm>> -> memref<5920xf32, #tpu.memory_space<hbm>>
      tpu.enqueue_dma source(%arg13 : memref<5920xf32, #tpu.memory_space<vmem>>) target(%dma_start3A_56 : memref<5920xf32, #tpu.memory_space<hbm>>) target_semaphore(%run_scoped3A_52 : memref<!tpu.dma_semaphore, #tpu.memory_space<semaphore_mem>>)
      %dma_wait3A_57 = tpu.memref_slice %arg5[%run_scoped3A_50, %add3A_46] : memref<3x189440xf32, #tpu.memory_space<hbm>> -> memref<1x5920xf32, #tpu.memory_space<hbm>>
      %dma_wait3A_58 = tpu.memref_squeeze %dma_wait3A_57 : memref<1x5920xf32, #tpu.memory_space<hbm>> -> memref<5920xf32, #tpu.memory_space<hbm>>
      %dma_wait3A_59 = tpu.memref_slice %arg5[%run_scoped3A_50, %add3A_46] : memref<3x189440xf32, #tpu.memory_space<hbm>> -> memref<1x5920xf32, #tpu.memory_space<hbm>>
      %dma_wait3A_60 = tpu.memref_squeeze %dma_wait3A_59 : memref<1x5920xf32, #tpu.memory_space<hbm>> -> memref<5920xf32, #tpu.memory_space<hbm>>
      tpu.wait_dma2 semaphore(%run_scoped3A_52 : memref<!tpu.dma_semaphore, #tpu.memory_space<semaphore_mem>>) src(%arg13 : memref<5920xf32, #tpu.memory_space<vmem>>) dst(%dma_wait3A_60 : memref<5920xf32, #tpu.memory_space<hbm>>)
      tpu.yield
    }) : () -> ()
    %scan3A_51 = arith.constant 1 : i32
    return
  }
}

module attributes {stable_mosaic.version = 14 : i64} {
  func.func @_tc_body(%arg0: i32, %arg1: memref<3x2048xf32, #tpu.memory_space<vmem>>, %arg2: memref<32x2048xf32, #tpu.memory_space<vmem>>, %arg3: memref<96x2048xf32, #tpu.memory_space<vmem>>, %arg4: memref<160x2048xf32, #tpu.memory_space<vmem>>, %arg5: memref<224x2048xf32, #tpu.memory_space<vmem>>) attributes {dimension_semantics = [#tpu.dimension_semantics<arbitrary>], iteration_bounds = array<i64: 64>, scalar_prefetch = 0 : i64, scratch_operands = 0 : i64, tpu.core_type = #tpu.core_type<tc>, window_params = [{transform_indices = @transform_0, window_bounds = array<i64: 3, 2048>}, {transform_indices = @transform_1, window_bounds = array<i64: 32, 2048>}, {transform_indices = @transform_2, window_bounds = array<i64: 96, 2048>}, {transform_indices = @transform_3, window_bounds = array<i64: 160, 2048>}, {transform_indices = @transform_4, window_bounds = array<i64: 224, 2048>}]} {
    %get3A = arith.constant 0 : index
    %get3A_0 = arith.constant 0 : index
    %get3A_1 = vector.load %arg1[%get3A, %get3A_0] : memref<3x2048xf32, #tpu.memory_space<vmem>>, vector<3x2048xf32>
    %slice3A = vector.extract_strided_slice %get3A_1 {offsets = [0, 0], sizes = [1, 2048], strides = [1, 1]} : vector<3x2048xf32> to vector<1x2048xf32>
    %slice3A_2 = vector.extract_strided_slice %get3A_1 {offsets = [1, 0], sizes = [1, 2048], strides = [1, 1]} : vector<3x2048xf32> to vector<1x2048xf32>
    %slice3A_3 = vector.extract_strided_slice %get3A_1 {offsets = [2, 0], sizes = [1, 2048], strides = [1, 1]} : vector<3x2048xf32> to vector<1x2048xf32>
    %mul3A = arith.mulf %slice3A, %slice3A : vector<1x2048xf32>
    %mul3A_4 = arith.mulf %slice3A_2, %slice3A_2 : vector<1x2048xf32>
    %add3A = arith.addf %mul3A, %mul3A_4 : vector<1x2048xf32>
    %mul3A_5 = arith.mulf %slice3A_3, %slice3A_3 : vector<1x2048xf32>
    %add3A_6 = arith.addf %add3A, %mul3A_5 : vector<1x2048xf32>
    %add3A_7 = arith.constant 9.99999996E-13 : f32
    %add3A_8 = vector.broadcast %add3A_7 : f32 to vector<1x2048xf32>
    %add3A_9 = arith.addf %add3A_6, %add3A_8 : vector<1x2048xf32>
    %sqrt3A = math.sqrt %add3A_9 : vector<1x2048xf32>
    %div3A = arith.constant 1.000000e+00 : f32
    %div3A_10 = vector.broadcast %div3A : f32 to vector<1x2048xf32>
    %div3A_11 = arith.divf %div3A_10, %sqrt3A : vector<1x2048xf32>
    %add3A_12 = arith.constant 9.99999996E-13 : f32
    %add3A_13 = vector.broadcast %add3A_12 : f32 to vector<1x2048xf32>
    %add3A_14 = arith.addf %sqrt3A, %add3A_13 : vector<1x2048xf32>
    %div3A_15 = arith.constant 0.632455527 : f32
    %div3A_16 = vector.broadcast %div3A_15 : f32 to vector<1x2048xf32>
    %div3A_17 = arith.divf %div3A_16, %add3A_14 : vector<1x2048xf32>
    %mul3A_18 = arith.constant 2.000000e-01 : f32
    %mul3A_19 = vector.broadcast %mul3A_18 : f32 to vector<1x2048xf32>
    %mul3A_20 = arith.mulf %sqrt3A, %mul3A_19 : vector<1x2048xf32>
    %min3A = arith.constant 1.000000e+00 : f32
    %min3A_21 = vector.broadcast %min3A : f32 to vector<1x2048xf32>
    %min3A_22 = arith.minimumf %mul3A_20, %min3A_21 : vector<1x2048xf32>
    %mul3A_23 = arith.constant 3.14159274 : f32
    %mul3A_24 = vector.broadcast %mul3A_23 : f32 to vector<1x2048xf32>
    %mul3A_25 = arith.mulf %mul3A_24, %min3A_22 : vector<1x2048xf32>
    %cos3A = math.cos %mul3A_25 : vector<1x2048xf32>
    %mul3A_26 = arith.constant 5.000000e-01 : f32
    %mul3A_27 = vector.broadcast %mul3A_26 : f32 to vector<1x2048xf32>
    %mul3A_28 = arith.mulf %mul3A_27, %cos3A : vector<1x2048xf32>
    %add3A_29 = arith.constant 5.000000e-01 : f32
    %add3A_30 = vector.broadcast %add3A_29 : f32 to vector<1x2048xf32>
    %add3A_31 = arith.addf %mul3A_28, %add3A_30 : vector<1x2048xf32>
    %mul3A_32 = arith.constant 2.000000e-01 : f32
    %mul3A_33 = vector.broadcast %mul3A_32 : f32 to vector<1x2048xf32>
    %mul3A_34 = arith.mulf %sqrt3A, %mul3A_33 : vector<1x2048xf32>
    %jit3A = arith.constant 9.99999996E-13 : f32
    %jit3A_35 = arith.constant 1.000000e+00 : f32
    %max3A = vector.broadcast %jit3A : f32 to vector<1x2048xf32>
    %max3A_36 = arith.maximumf %max3A, %mul3A_34 : vector<1x2048xf32>
    %min3A_37 = vector.broadcast %jit3A_35 : f32 to vector<1x2048xf32>
    %min3A_38 = arith.minimumf %min3A_37, %max3A_36 : vector<1x2048xf32>
    %mul3A_39 = arith.mulf %add3A_31, %div3A_17 : vector<1x2048xf32>
    %mul3A_40 = arith.mulf %mul3A_39, %min3A_38 : vector<1x2048xf32>
    %mul3A_41 = arith.mulf %mul3A_40, %min3A_38 : vector<1x2048xf32>
    %mul3A_42 = arith.mulf %mul3A_41, %min3A_38 : vector<1x2048xf32>
    %mul3A_43 = arith.mulf %slice3A, %div3A_11 : vector<1x2048xf32>
    %mul3A_44 = arith.mulf %slice3A_2, %div3A_11 : vector<1x2048xf32>
    %mul3A_45 = arith.mulf %slice3A_3, %div3A_11 : vector<1x2048xf32>
    %mul3A_46 = arith.mulf %mul3A_43, %mul3A_43 : vector<1x2048xf32>
    %mul3A_47 = arith.mulf %mul3A_44, %mul3A_44 : vector<1x2048xf32>
    %mul3A_48 = arith.mulf %mul3A_45, %mul3A_45 : vector<1x2048xf32>
    %mul3A_49 = arith.constant 0.282094806 : f32
    %mul3A_50 = vector.broadcast %mul3A_49 : f32 to vector<1x2048xf32>
    %mul3A_51 = arith.mulf %mul3A_39, %mul3A_50 : vector<1x2048xf32>
    %mul3A_52 = arith.constant 0.488602519 : f32
    %mul3A_53 = vector.broadcast %mul3A_52 : f32 to vector<1x2048xf32>
    %mul3A_54 = arith.mulf %mul3A_53, %mul3A_44 : vector<1x2048xf32>
    %mul3A_55 = arith.mulf %mul3A_40, %mul3A_54 : vector<1x2048xf32>
    %mul3A_56 = arith.constant 0.488602519 : f32
    %mul3A_57 = vector.broadcast %mul3A_56 : f32 to vector<1x2048xf32>
    %mul3A_58 = arith.mulf %mul3A_57, %mul3A_45 : vector<1x2048xf32>
    %mul3A_59 = arith.mulf %mul3A_40, %mul3A_58 : vector<1x2048xf32>
    %mul3A_60 = arith.constant 0.488602519 : f32
    %mul3A_61 = vector.broadcast %mul3A_60 : f32 to vector<1x2048xf32>
    %mul3A_62 = arith.mulf %mul3A_61, %mul3A_43 : vector<1x2048xf32>
    %mul3A_63 = arith.mulf %mul3A_40, %mul3A_62 : vector<1x2048xf32>
    %mul3A_64 = arith.constant 1.09254849 : f32
    %mul3A_65 = vector.broadcast %mul3A_64 : f32 to vector<1x2048xf32>
    %mul3A_66 = arith.mulf %mul3A_65, %mul3A_43 : vector<1x2048xf32>
    %mul3A_67 = arith.mulf %mul3A_66, %mul3A_44 : vector<1x2048xf32>
    %mul3A_68 = arith.mulf %mul3A_41, %mul3A_67 : vector<1x2048xf32>
    %mul3A_69 = arith.constant 1.09254849 : f32
    %mul3A_70 = vector.broadcast %mul3A_69 : f32 to vector<1x2048xf32>
    %mul3A_71 = arith.mulf %mul3A_70, %mul3A_44 : vector<1x2048xf32>
    %mul3A_72 = arith.mulf %mul3A_71, %mul3A_45 : vector<1x2048xf32>
    %mul3A_73 = arith.mulf %mul3A_41, %mul3A_72 : vector<1x2048xf32>
    %mul3A_74 = arith.constant 3.000000e+00 : f32
    %mul3A_75 = vector.broadcast %mul3A_74 : f32 to vector<1x2048xf32>
    %mul3A_76 = arith.mulf %mul3A_75, %mul3A_48 : vector<1x2048xf32>
    %sub3A = arith.constant 1.000000e+00 : f32
    %sub3A_77 = vector.broadcast %sub3A : f32 to vector<1x2048xf32>
    %sub3A_78 = arith.subf %mul3A_76, %sub3A_77 : vector<1x2048xf32>
    %mul3A_79 = arith.constant 0.31539157 : f32
    %mul3A_80 = vector.broadcast %mul3A_79 : f32 to vector<1x2048xf32>
    %mul3A_81 = arith.mulf %mul3A_80, %sub3A_78 : vector<1x2048xf32>
    %mul3A_82 = arith.mulf %mul3A_41, %mul3A_81 : vector<1x2048xf32>
    %mul3A_83 = arith.constant 1.09254849 : f32
    %mul3A_84 = vector.broadcast %mul3A_83 : f32 to vector<1x2048xf32>
    %mul3A_85 = arith.mulf %mul3A_84, %mul3A_43 : vector<1x2048xf32>
    %mul3A_86 = arith.mulf %mul3A_85, %mul3A_45 : vector<1x2048xf32>
    %mul3A_87 = arith.mulf %mul3A_41, %mul3A_86 : vector<1x2048xf32>
    %sub3A_88 = arith.subf %mul3A_46, %mul3A_47 : vector<1x2048xf32>
    %mul3A_89 = arith.constant 0.546274245 : f32
    %mul3A_90 = vector.broadcast %mul3A_89 : f32 to vector<1x2048xf32>
    %mul3A_91 = arith.mulf %mul3A_90, %sub3A_88 : vector<1x2048xf32>
    %mul3A_92 = arith.mulf %mul3A_41, %mul3A_91 : vector<1x2048xf32>
    %mul3A_93 = arith.constant 0.590043604 : f32
    %mul3A_94 = vector.broadcast %mul3A_93 : f32 to vector<1x2048xf32>
    %mul3A_95 = arith.mulf %mul3A_94, %mul3A_44 : vector<1x2048xf32>
    %mul3A_96 = arith.constant 3.000000e+00 : f32
    %mul3A_97 = vector.broadcast %mul3A_96 : f32 to vector<1x2048xf32>
    %mul3A_98 = arith.mulf %mul3A_97, %mul3A_46 : vector<1x2048xf32>
    %sub3A_99 = arith.subf %mul3A_98, %mul3A_47 : vector<1x2048xf32>
    %mul3A_100 = arith.mulf %mul3A_95, %sub3A_99 : vector<1x2048xf32>
    %mul3A_101 = arith.mulf %mul3A_42, %mul3A_100 : vector<1x2048xf32>
    %mul3A_102 = arith.constant 2.89061141 : f32
    %mul3A_103 = vector.broadcast %mul3A_102 : f32 to vector<1x2048xf32>
    %mul3A_104 = arith.mulf %mul3A_103, %mul3A_43 : vector<1x2048xf32>
    %mul3A_105 = arith.mulf %mul3A_104, %mul3A_44 : vector<1x2048xf32>
    %mul3A_106 = arith.mulf %mul3A_105, %mul3A_45 : vector<1x2048xf32>
    %mul3A_107 = arith.mulf %mul3A_42, %mul3A_106 : vector<1x2048xf32>
    %mul3A_108 = arith.constant 0.457045794 : f32
    %mul3A_109 = vector.broadcast %mul3A_108 : f32 to vector<1x2048xf32>
    %mul3A_110 = arith.mulf %mul3A_109, %mul3A_44 : vector<1x2048xf32>
    %mul3A_111 = arith.constant 5.000000e+00 : f32
    %mul3A_112 = vector.broadcast %mul3A_111 : f32 to vector<1x2048xf32>
    %mul3A_113 = arith.mulf %mul3A_112, %mul3A_48 : vector<1x2048xf32>
    %sub3A_114 = arith.constant 1.000000e+00 : f32
    %sub3A_115 = vector.broadcast %sub3A_114 : f32 to vector<1x2048xf32>
    %sub3A_116 = arith.subf %mul3A_113, %sub3A_115 : vector<1x2048xf32>
    %mul3A_117 = arith.mulf %mul3A_110, %sub3A_116 : vector<1x2048xf32>
    %mul3A_118 = arith.mulf %mul3A_42, %mul3A_117 : vector<1x2048xf32>
    %mul3A_119 = arith.constant 0.373176336 : f32
    %mul3A_120 = vector.broadcast %mul3A_119 : f32 to vector<1x2048xf32>
    %mul3A_121 = arith.mulf %mul3A_120, %mul3A_45 : vector<1x2048xf32>
    %mul3A_122 = arith.constant 5.000000e+00 : f32
    %mul3A_123 = vector.broadcast %mul3A_122 : f32 to vector<1x2048xf32>
    %mul3A_124 = arith.mulf %mul3A_123, %mul3A_48 : vector<1x2048xf32>
    %sub3A_125 = arith.constant 3.000000e+00 : f32
    %sub3A_126 = vector.broadcast %sub3A_125 : f32 to vector<1x2048xf32>
    %sub3A_127 = arith.subf %mul3A_124, %sub3A_126 : vector<1x2048xf32>
    %mul3A_128 = arith.mulf %mul3A_121, %sub3A_127 : vector<1x2048xf32>
    %mul3A_129 = arith.mulf %mul3A_42, %mul3A_128 : vector<1x2048xf32>
    %mul3A_130 = arith.constant 0.457045794 : f32
    %mul3A_131 = vector.broadcast %mul3A_130 : f32 to vector<1x2048xf32>
    %mul3A_132 = arith.mulf %mul3A_131, %mul3A_43 : vector<1x2048xf32>
    %mul3A_133 = arith.constant 5.000000e+00 : f32
    %mul3A_134 = vector.broadcast %mul3A_133 : f32 to vector<1x2048xf32>
    %mul3A_135 = arith.mulf %mul3A_134, %mul3A_48 : vector<1x2048xf32>
    %sub3A_136 = arith.constant 1.000000e+00 : f32
    %sub3A_137 = vector.broadcast %sub3A_136 : f32 to vector<1x2048xf32>
    %sub3A_138 = arith.subf %mul3A_135, %sub3A_137 : vector<1x2048xf32>
    %mul3A_139 = arith.mulf %mul3A_132, %sub3A_138 : vector<1x2048xf32>
    %mul3A_140 = arith.mulf %mul3A_42, %mul3A_139 : vector<1x2048xf32>
    %mul3A_141 = arith.constant 1.44530571 : f32
    %mul3A_142 = vector.broadcast %mul3A_141 : f32 to vector<1x2048xf32>
    %mul3A_143 = arith.mulf %mul3A_142, %mul3A_45 : vector<1x2048xf32>
    %sub3A_144 = arith.subf %mul3A_46, %mul3A_47 : vector<1x2048xf32>
    %mul3A_145 = arith.mulf %mul3A_143, %sub3A_144 : vector<1x2048xf32>
    %mul3A_146 = arith.mulf %mul3A_42, %mul3A_145 : vector<1x2048xf32>
    %mul3A_147 = arith.constant 0.590043604 : f32
    %mul3A_148 = vector.broadcast %mul3A_147 : f32 to vector<1x2048xf32>
    %mul3A_149 = arith.mulf %mul3A_148, %mul3A_43 : vector<1x2048xf32>
    %sub3A_150 = arith.subf %mul3A_46, %mul3A_47 : vector<1x2048xf32>
    %mul3A_151 = arith.mulf %mul3A_149, %sub3A_150 : vector<1x2048xf32>
    %mul3A_152 = arith.mulf %mul3A_42, %mul3A_151 : vector<1x2048xf32>
    %mul3A_153 = arith.constant 0.628318548 : f32
    %mul3A_154 = vector.broadcast %mul3A_153 : f32 to vector<1x2048xf32>
    %mul3A_155 = arith.mulf %sqrt3A, %mul3A_154 : vector<1x2048xf32>
    %iota3A = tpu.iota {dimensions = array<i32: 0>} : vector<32x1xi32>
    %add3A_156 = arith.constant 1 : i32
    %add3A_157 = vector.broadcast %add3A_156 : i32 to vector<32x1xi32>
    %add3A_158 = arith.addi %iota3A, %add3A_157 : vector<32x1xi32>
    %convert_element_type3A = arith.sitofp %add3A_158 : vector<32x1xi32> to vector<32x1xf32>
    %mul3A_159 = vector.broadcast %convert_element_type3A : vector<32x1xf32> to vector<32x2048xf32>
    %mul3A_160 = vector.broadcast %mul3A_155 : vector<1x2048xf32> to vector<32x2048xf32>
    %mul3A_161 = arith.mulf %mul3A_159, %mul3A_160 : vector<32x2048xf32>
    %sin3A = math.sin %mul3A_161 : vector<32x2048xf32>
    %mul3A_162 = vector.broadcast %mul3A_51 : vector<1x2048xf32> to vector<32x2048xf32>
    %mul3A_163 = arith.mulf %sin3A, %mul3A_162 : vector<32x2048xf32>
    %swap3A = arith.constant 0 : index
    %swap3A_164 = arith.constant 0 : index
    %swap3A_165 = vector.load %arg2[%swap3A, %swap3A_164] : memref<32x2048xf32, #tpu.memory_space<vmem>>, vector<32x2048xf32>
    tpu.vector_store %arg2[%swap3A, %swap3A_164], %mul3A_163 {strides = array<i32>} : memref<32x2048xf32, #tpu.memory_space<vmem>>, vector<32x2048xf32>,
    %mul3A_166 = vector.broadcast %mul3A_55 : vector<1x2048xf32> to vector<32x2048xf32>
    %mul3A_167 = arith.mulf %sin3A, %mul3A_166 : vector<32x2048xf32>
    %swap3A_168 = arith.constant 0 : index
    %swap3A_169 = arith.constant 0 : index
    %swap3A_170 = vector.load %arg3[%swap3A_168, %swap3A_169] : memref<96x2048xf32, #tpu.memory_space<vmem>>, vector<32x2048xf32>
    tpu.vector_store %arg3[%swap3A_168, %swap3A_169], %mul3A_167 {strides = array<i32>} : memref<96x2048xf32, #tpu.memory_space<vmem>>, vector<32x2048xf32>,
    %mul3A_171 = vector.broadcast %mul3A_59 : vector<1x2048xf32> to vector<32x2048xf32>
    %mul3A_172 = arith.mulf %sin3A, %mul3A_171 : vector<32x2048xf32>
    %swap3A_173 = arith.constant 32 : index
    %swap3A_174 = arith.constant 0 : index
    %swap3A_175 = vector.load %arg3[%swap3A_173, %swap3A_174] : memref<96x2048xf32, #tpu.memory_space<vmem>>, vector<32x2048xf32>
    tpu.vector_store %arg3[%swap3A_173, %swap3A_174], %mul3A_172 {strides = array<i32>} : memref<96x2048xf32, #tpu.memory_space<vmem>>, vector<32x2048xf32>,
    %mul3A_176 = vector.broadcast %mul3A_63 : vector<1x2048xf32> to vector<32x2048xf32>
    %mul3A_177 = arith.mulf %sin3A, %mul3A_176 : vector<32x2048xf32>
    %swap3A_178 = arith.constant 64 : index
    %swap3A_179 = arith.constant 0 : index
    %swap3A_180 = vector.load %arg3[%swap3A_178, %swap3A_179] : memref<96x2048xf32, #tpu.memory_space<vmem>>, vector<32x2048xf32>
    tpu.vector_store %arg3[%swap3A_178, %swap3A_179], %mul3A_177 {strides = array<i32>} : memref<96x2048xf32, #tpu.memory_space<vmem>>, vector<32x2048xf32>,
    %mul3A_181 = vector.broadcast %mul3A_68 : vector<1x2048xf32> to vector<32x2048xf32>
    %mul3A_182 = arith.mulf %sin3A, %mul3A_181 : vector<32x2048xf32>
    %swap3A_183 = arith.constant 0 : index
    %swap3A_184 = arith.constant 0 : index
    %swap3A_185 = vector.load %arg4[%swap3A_183, %swap3A_184] : memref<160x2048xf32, #tpu.memory_space<vmem>>, vector<32x2048xf32>
    tpu.vector_store %arg4[%swap3A_183, %swap3A_184], %mul3A_182 {strides = array<i32>} : memref<160x2048xf32, #tpu.memory_space<vmem>>, vector<32x2048xf32>,
    %mul3A_186 = vector.broadcast %mul3A_73 : vector<1x2048xf32> to vector<32x2048xf32>
    %mul3A_187 = arith.mulf %sin3A, %mul3A_186 : vector<32x2048xf32>
    %swap3A_188 = arith.constant 32 : index
    %swap3A_189 = arith.constant 0 : index
    %swap3A_190 = vector.load %arg4[%swap3A_188, %swap3A_189] : memref<160x2048xf32, #tpu.memory_space<vmem>>, vector<32x2048xf32>
    tpu.vector_store %arg4[%swap3A_188, %swap3A_189], %mul3A_187 {strides = array<i32>} : memref<160x2048xf32, #tpu.memory_space<vmem>>, vector<32x2048xf32>,
    %mul3A_191 = vector.broadcast %mul3A_82 : vector<1x2048xf32> to vector<32x2048xf32>
    %mul3A_192 = arith.mulf %sin3A, %mul3A_191 : vector<32x2048xf32>
    %swap3A_193 = arith.constant 64 : index
    %swap3A_194 = arith.constant 0 : index
    %swap3A_195 = vector.load %arg4[%swap3A_193, %swap3A_194] : memref<160x2048xf32, #tpu.memory_space<vmem>>, vector<32x2048xf32>
    tpu.vector_store %arg4[%swap3A_193, %swap3A_194], %mul3A_192 {strides = array<i32>} : memref<160x2048xf32, #tpu.memory_space<vmem>>, vector<32x2048xf32>,
    %mul3A_196 = vector.broadcast %mul3A_87 : vector<1x2048xf32> to vector<32x2048xf32>
    %mul3A_197 = arith.mulf %sin3A, %mul3A_196 : vector<32x2048xf32>
    %swap3A_198 = arith.constant 96 : index
    %swap3A_199 = arith.constant 0 : index
    %swap3A_200 = vector.load %arg4[%swap3A_198, %swap3A_199] : memref<160x2048xf32, #tpu.memory_space<vmem>>, vector<32x2048xf32>
    tpu.vector_store %arg4[%swap3A_198, %swap3A_199], %mul3A_197 {strides = array<i32>} : memref<160x2048xf32, #tpu.memory_space<vmem>>, vector<32x2048xf32>,
    %mul3A_201 = vector.broadcast %mul3A_92 : vector<1x2048xf32> to vector<32x2048xf32>
    %mul3A_202 = arith.mulf %sin3A, %mul3A_201 : vector<32x2048xf32>
    %swap3A_203 = arith.constant 128 : index
    %swap3A_204 = arith.constant 0 : index
    %swap3A_205 = vector.load %arg4[%swap3A_203, %swap3A_204] : memref<160x2048xf32, #tpu.memory_space<vmem>>, vector<32x2048xf32>
    tpu.vector_store %arg4[%swap3A_203, %swap3A_204], %mul3A_202 {strides = array<i32>} : memref<160x2048xf32, #tpu.memory_space<vmem>>, vector<32x2048xf32>,
    %mul3A_206 = vector.broadcast %mul3A_101 : vector<1x2048xf32> to vector<32x2048xf32>
    %mul3A_207 = arith.mulf %sin3A, %mul3A_206 : vector<32x2048xf32>
    %swap3A_208 = arith.constant 0 : index
    %swap3A_209 = arith.constant 0 : index
    %swap3A_210 = vector.load %arg5[%swap3A_208, %swap3A_209] : memref<224x2048xf32, #tpu.memory_space<vmem>>, vector<32x2048xf32>
    tpu.vector_store %arg5[%swap3A_208, %swap3A_209], %mul3A_207 {strides = array<i32>} : memref<224x2048xf32, #tpu.memory_space<vmem>>, vector<32x2048xf32>,
    %mul3A_211 = vector.broadcast %mul3A_107 : vector<1x2048xf32> to vector<32x2048xf32>
    %mul3A_212 = arith.mulf %sin3A, %mul3A_211 : vector<32x2048xf32>
    %swap3A_213 = arith.constant 32 : index
    %swap3A_214 = arith.constant 0 : index
    %swap3A_215 = vector.load %arg5[%swap3A_213, %swap3A_214] : memref<224x2048xf32, #tpu.memory_space<vmem>>, vector<32x2048xf32>
    tpu.vector_store %arg5[%swap3A_213, %swap3A_214], %mul3A_212 {strides = array<i32>} : memref<224x2048xf32, #tpu.memory_space<vmem>>, vector<32x2048xf32>,
    %mul3A_216 = vector.broadcast %mul3A_118 : vector<1x2048xf32> to vector<32x2048xf32>
    %mul3A_217 = arith.mulf %sin3A, %mul3A_216 : vector<32x2048xf32>
    %swap3A_218 = arith.constant 64 : index
    %swap3A_219 = arith.constant 0 : index
    %swap3A_220 = vector.load %arg5[%swap3A_218, %swap3A_219] : memref<224x2048xf32, #tpu.memory_space<vmem>>, vector<32x2048xf32>
    tpu.vector_store %arg5[%swap3A_218, %swap3A_219], %mul3A_217 {strides = array<i32>} : memref<224x2048xf32, #tpu.memory_space<vmem>>, vector<32x2048xf32>,
    %mul3A_221 = vector.broadcast %mul3A_129 : vector<1x2048xf32> to vector<32x2048xf32>
    %mul3A_222 = arith.mulf %sin3A, %mul3A_221 : vector<32x2048xf32>
    %swap3A_223 = arith.constant 96 : index
    %swap3A_224 = arith.constant 0 : index
    %swap3A_225 = vector.load %arg5[%swap3A_223, %swap3A_224] : memref<224x2048xf32, #tpu.memory_space<vmem>>, vector<32x2048xf32>
    tpu.vector_store %arg5[%swap3A_223, %swap3A_224], %mul3A_222 {strides = array<i32>} : memref<224x2048xf32, #tpu.memory_space<vmem>>, vector<32x2048xf32>,
    %mul3A_226 = vector.broadcast %mul3A_140 : vector<1x2048xf32> to vector<32x2048xf32>
    %mul3A_227 = arith.mulf %sin3A, %mul3A_226 : vector<32x2048xf32>
    %swap3A_228 = arith.constant 128 : index
    %swap3A_229 = arith.constant 0 : index
    %swap3A_230 = vector.load %arg5[%swap3A_228, %swap3A_229] : memref<224x2048xf32, #tpu.memory_space<vmem>>, vector<32x2048xf32>
    tpu.vector_store %arg5[%swap3A_228, %swap3A_229], %mul3A_227 {strides = array<i32>} : memref<224x2048xf32, #tpu.memory_space<vmem>>, vector<32x2048xf32>,
    %mul3A_231 = vector.broadcast %mul3A_146 : vector<1x2048xf32> to vector<32x2048xf32>
    %mul3A_232 = arith.mulf %sin3A, %mul3A_231 : vector<32x2048xf32>
    %swap3A_233 = arith.constant 160 : index
    %swap3A_234 = arith.constant 0 : index
    %swap3A_235 = vector.load %arg5[%swap3A_233, %swap3A_234] : memref<224x2048xf32, #tpu.memory_space<vmem>>, vector<32x2048xf32>
    tpu.vector_store %arg5[%swap3A_233, %swap3A_234], %mul3A_232 {strides = array<i32>} : memref<224x2048xf32, #tpu.memory_space<vmem>>, vector<32x2048xf32>,
    %mul3A_236 = vector.broadcast %mul3A_152 : vector<1x2048xf32> to vector<32x2048xf32>
    %mul3A_237 = arith.mulf %sin3A, %mul3A_236 : vector<32x2048xf32>
    %swap3A_238 = arith.constant 192 : index
    %swap3A_239 = arith.constant 0 : index
    %swap3A_240 = vector.load %arg5[%swap3A_238, %swap3A_239] : memref<224x2048xf32, #tpu.memory_space<vmem>>, vector<32x2048xf32>
    tpu.vector_store %arg5[%swap3A_238, %swap3A_239], %mul3A_237 {strides = array<i32>} : memref<224x2048xf32, #tpu.memory_space<vmem>>, vector<32x2048xf32>,
    return
  }
  func.func @transform_0(%arg0: i32) -> (i32, i32) {
    %c0_i32 = arith.constant 0 : i32
    %c0_i32_0 = arith.constant 0 : i32
    return %c0_i32, %arg0 : i32, i32
  }
  func.func @transform_1(%arg0: i32) -> (i32, i32) {
    %add3A = arith.constant 0 : i32
    %add3A_0 = arith.addi %arg0, %add3A : i32
    %c0_i32 = arith.constant 0 : i32
    %c0_i32_1 = arith.constant 0 : i32
    return %c0_i32, %add3A_0 : i32, i32
  }
  func.func @transform_2(%arg0: i32) -> (i32, i32) {
    %add3A = arith.constant 0 : i32
    %add3A_0 = arith.addi %arg0, %add3A : i32
    %c0_i32 = arith.constant 0 : i32
    %c0_i32_1 = arith.constant 0 : i32
    return %c0_i32, %add3A_0 : i32, i32
  }
  func.func @transform_3(%arg0: i32) -> (i32, i32) {
    %add3A = arith.constant 0 : i32
    %add3A_0 = arith.addi %arg0, %add3A : i32
    %c0_i32 = arith.constant 0 : i32
    %c0_i32_1 = arith.constant 0 : i32
    return %c0_i32, %add3A_0 : i32, i32
  }
  func.func @transform_4(%arg0: i32) -> (i32, i32) {
    %add3A = arith.constant 0 : i32
    %add3A_0 = arith.addi %arg0, %add3A : i32
    %c0_i32 = arith.constant 0 : i32
    %c0_i32_1 = arith.constant 0 : i32
    return %c0_i32, %add3A_0 : i32, i32
  }
}

module attributes {stable_mosaic.version = 14 : i64} {
  func.func @_tc_body_alias(%arg0: i32, %arg1: memref<3x2048xf32, #tpu.memory_space<vmem>>, %arg2: memref<32x640000xf32, #tpu.memory_space<any>>, %arg3: memref<96x640000xf32, #tpu.memory_space<any>>, %arg4: memref<160x640000xf32, #tpu.memory_space<any>>, %arg5: memref<224x640000xf32, #tpu.memory_space<any>>, %arg6: memref<32x2048xf32, #tpu.memory_space<vmem>>, %arg7: memref<96x2048xf32, #tpu.memory_space<vmem>>, %arg8: memref<160x2048xf32, #tpu.memory_space<vmem>>, %arg9: memref<224x2048xf32, #tpu.memory_space<vmem>>) attributes {dimension_semantics = [#tpu.dimension_semantics<arbitrary>], iteration_bounds = array<i64: 64>, scalar_prefetch = 0 : i64, scratch_operands = 0 : i64, tpu.core_type = #tpu.core_type<tc>, window_params = [{transform_indices = @transform_0, window_bounds = array<i64: 3, 2048>}, {}, {}, {}, {}, {transform_indices = @transform_5, window_bounds = array<i64: 32, 2048>}, {transform_indices = @transform_6, window_bounds = array<i64: 96, 2048>}, {transform_indices = @transform_7, window_bounds = array<i64: 160, 2048>}, {transform_indices = @transform_8, window_bounds = array<i64: 224, 2048>}]} {
    %get3A = arith.constant 0 : index
    %get3A_0 = arith.constant 0 : index
    %get3A_1 = vector.load %arg1[%get3A, %get3A_0] : memref<3x2048xf32, #tpu.memory_space<vmem>>, vector<3x2048xf32>
    %slice3A = vector.extract_strided_slice %get3A_1 {offsets = [0, 0], sizes = [1, 2048], strides = [1, 1]} : vector<3x2048xf32> to vector<1x2048xf32>
    %slice3A_2 = vector.extract_strided_slice %get3A_1 {offsets = [1, 0], sizes = [1, 2048], strides = [1, 1]} : vector<3x2048xf32> to vector<1x2048xf32>
    %slice3A_3 = vector.extract_strided_slice %get3A_1 {offsets = [2, 0], sizes = [1, 2048], strides = [1, 1]} : vector<3x2048xf32> to vector<1x2048xf32>
    %mul3A = arith.mulf %slice3A, %slice3A : vector<1x2048xf32>
    %mul3A_4 = arith.mulf %slice3A_2, %slice3A_2 : vector<1x2048xf32>
    %add3A = arith.addf %mul3A, %mul3A_4 : vector<1x2048xf32>
    %mul3A_5 = arith.mulf %slice3A_3, %slice3A_3 : vector<1x2048xf32>
    %add3A_6 = arith.addf %add3A, %mul3A_5 : vector<1x2048xf32>
    %add3A_7 = arith.constant 9.99999996E-13 : f32
    %add3A_8 = vector.broadcast %add3A_7 : f32 to vector<1x2048xf32>
    %add3A_9 = arith.addf %add3A_6, %add3A_8 : vector<1x2048xf32>
    %sqrt3A = math.sqrt %add3A_9 : vector<1x2048xf32>
    %div3A = arith.constant 1.000000e+00 : f32
    %div3A_10 = vector.broadcast %div3A : f32 to vector<1x2048xf32>
    %div3A_11 = arith.divf %div3A_10, %sqrt3A : vector<1x2048xf32>
    %add3A_12 = arith.constant 9.99999996E-13 : f32
    %add3A_13 = vector.broadcast %add3A_12 : f32 to vector<1x2048xf32>
    %add3A_14 = arith.addf %sqrt3A, %add3A_13 : vector<1x2048xf32>
    %div3A_15 = arith.constant 0.632455527 : f32
    %div3A_16 = vector.broadcast %div3A_15 : f32 to vector<1x2048xf32>
    %div3A_17 = arith.divf %div3A_16, %add3A_14 : vector<1x2048xf32>
    %mul3A_18 = arith.constant 2.000000e-01 : f32
    %mul3A_19 = vector.broadcast %mul3A_18 : f32 to vector<1x2048xf32>
    %mul3A_20 = arith.mulf %sqrt3A, %mul3A_19 : vector<1x2048xf32>
    %min3A = arith.constant 1.000000e+00 : f32
    %min3A_21 = vector.broadcast %min3A : f32 to vector<1x2048xf32>
    %min3A_22 = arith.minimumf %mul3A_20, %min3A_21 : vector<1x2048xf32>
    %mul3A_23 = arith.constant 3.14159274 : f32
    %mul3A_24 = vector.broadcast %mul3A_23 : f32 to vector<1x2048xf32>
    %mul3A_25 = arith.mulf %mul3A_24, %min3A_22 : vector<1x2048xf32>
    %cos3A = math.cos %mul3A_25 : vector<1x2048xf32>
    %mul3A_26 = arith.constant 5.000000e-01 : f32
    %mul3A_27 = vector.broadcast %mul3A_26 : f32 to vector<1x2048xf32>
    %mul3A_28 = arith.mulf %mul3A_27, %cos3A : vector<1x2048xf32>
    %add3A_29 = arith.constant 5.000000e-01 : f32
    %add3A_30 = vector.broadcast %add3A_29 : f32 to vector<1x2048xf32>
    %add3A_31 = arith.addf %mul3A_28, %add3A_30 : vector<1x2048xf32>
    %mul3A_32 = arith.constant 2.000000e-01 : f32
    %mul3A_33 = vector.broadcast %mul3A_32 : f32 to vector<1x2048xf32>
    %mul3A_34 = arith.mulf %sqrt3A, %mul3A_33 : vector<1x2048xf32>
    %jit3A = arith.constant 9.99999996E-13 : f32
    %jit3A_35 = arith.constant 1.000000e+00 : f32
    %max3A = vector.broadcast %jit3A : f32 to vector<1x2048xf32>
    %max3A_36 = arith.maximumf %max3A, %mul3A_34 : vector<1x2048xf32>
    %min3A_37 = vector.broadcast %jit3A_35 : f32 to vector<1x2048xf32>
    %min3A_38 = arith.minimumf %min3A_37, %max3A_36 : vector<1x2048xf32>
    %mul3A_39 = arith.mulf %add3A_31, %div3A_17 : vector<1x2048xf32>
    %mul3A_40 = arith.mulf %mul3A_39, %min3A_38 : vector<1x2048xf32>
    %mul3A_41 = arith.mulf %mul3A_40, %min3A_38 : vector<1x2048xf32>
    %mul3A_42 = arith.mulf %mul3A_41, %min3A_38 : vector<1x2048xf32>
    %mul3A_43 = arith.mulf %slice3A, %div3A_11 : vector<1x2048xf32>
    %mul3A_44 = arith.mulf %slice3A_2, %div3A_11 : vector<1x2048xf32>
    %mul3A_45 = arith.mulf %slice3A_3, %div3A_11 : vector<1x2048xf32>
    %mul3A_46 = arith.mulf %mul3A_43, %mul3A_43 : vector<1x2048xf32>
    %mul3A_47 = arith.mulf %mul3A_44, %mul3A_44 : vector<1x2048xf32>
    %mul3A_48 = arith.mulf %mul3A_45, %mul3A_45 : vector<1x2048xf32>
    %mul3A_49 = arith.constant 0.282094806 : f32
    %mul3A_50 = vector.broadcast %mul3A_49 : f32 to vector<1x2048xf32>
    %mul3A_51 = arith.mulf %mul3A_39, %mul3A_50 : vector<1x2048xf32>
    %mul3A_52 = arith.constant 0.488602519 : f32
    %mul3A_53 = vector.broadcast %mul3A_52 : f32 to vector<1x2048xf32>
    %mul3A_54 = arith.mulf %mul3A_53, %mul3A_44 : vector<1x2048xf32>
    %mul3A_55 = arith.mulf %mul3A_40, %mul3A_54 : vector<1x2048xf32>
    %mul3A_56 = arith.constant 0.488602519 : f32
    %mul3A_57 = vector.broadcast %mul3A_56 : f32 to vector<1x2048xf32>
    %mul3A_58 = arith.mulf %mul3A_57, %mul3A_45 : vector<1x2048xf32>
    %mul3A_59 = arith.mulf %mul3A_40, %mul3A_58 : vector<1x2048xf32>
    %mul3A_60 = arith.constant 0.488602519 : f32
    %mul3A_61 = vector.broadcast %mul3A_60 : f32 to vector<1x2048xf32>
    %mul3A_62 = arith.mulf %mul3A_61, %mul3A_43 : vector<1x2048xf32>
    %mul3A_63 = arith.mulf %mul3A_40, %mul3A_62 : vector<1x2048xf32>
    %mul3A_64 = arith.constant 1.09254849 : f32
    %mul3A_65 = vector.broadcast %mul3A_64 : f32 to vector<1x2048xf32>
    %mul3A_66 = arith.mulf %mul3A_65, %mul3A_43 : vector<1x2048xf32>
    %mul3A_67 = arith.mulf %mul3A_66, %mul3A_44 : vector<1x2048xf32>
    %mul3A_68 = arith.mulf %mul3A_41, %mul3A_67 : vector<1x2048xf32>
    %mul3A_69 = arith.constant 1.09254849 : f32
    %mul3A_70 = vector.broadcast %mul3A_69 : f32 to vector<1x2048xf32>
    %mul3A_71 = arith.mulf %mul3A_70, %mul3A_44 : vector<1x2048xf32>
    %mul3A_72 = arith.mulf %mul3A_71, %mul3A_45 : vector<1x2048xf32>
    %mul3A_73 = arith.mulf %mul3A_41, %mul3A_72 : vector<1x2048xf32>
    %mul3A_74 = arith.constant 3.000000e+00 : f32
    %mul3A_75 = vector.broadcast %mul3A_74 : f32 to vector<1x2048xf32>
    %mul3A_76 = arith.mulf %mul3A_75, %mul3A_48 : vector<1x2048xf32>
    %sub3A = arith.constant 1.000000e+00 : f32
    %sub3A_77 = vector.broadcast %sub3A : f32 to vector<1x2048xf32>
    %sub3A_78 = arith.subf %mul3A_76, %sub3A_77 : vector<1x2048xf32>
    %mul3A_79 = arith.constant 0.31539157 : f32
    %mul3A_80 = vector.broadcast %mul3A_79 : f32 to vector<1x2048xf32>
    %mul3A_81 = arith.mulf %mul3A_80, %sub3A_78 : vector<1x2048xf32>
    %mul3A_82 = arith.mulf %mul3A_41, %mul3A_81 : vector<1x2048xf32>
    %mul3A_83 = arith.constant 1.09254849 : f32
    %mul3A_84 = vector.broadcast %mul3A_83 : f32 to vector<1x2048xf32>
    %mul3A_85 = arith.mulf %mul3A_84, %mul3A_43 : vector<1x2048xf32>
    %mul3A_86 = arith.mulf %mul3A_85, %mul3A_45 : vector<1x2048xf32>
    %mul3A_87 = arith.mulf %mul3A_41, %mul3A_86 : vector<1x2048xf32>
    %sub3A_88 = arith.subf %mul3A_46, %mul3A_47 : vector<1x2048xf32>
    %mul3A_89 = arith.constant 0.546274245 : f32
    %mul3A_90 = vector.broadcast %mul3A_89 : f32 to vector<1x2048xf32>
    %mul3A_91 = arith.mulf %mul3A_90, %sub3A_88 : vector<1x2048xf32>
    %mul3A_92 = arith.mulf %mul3A_41, %mul3A_91 : vector<1x2048xf32>
    %mul3A_93 = arith.constant 0.590043604 : f32
    %mul3A_94 = vector.broadcast %mul3A_93 : f32 to vector<1x2048xf32>
    %mul3A_95 = arith.mulf %mul3A_94, %mul3A_44 : vector<1x2048xf32>
    %mul3A_96 = arith.constant 3.000000e+00 : f32
    %mul3A_97 = vector.broadcast %mul3A_96 : f32 to vector<1x2048xf32>
    %mul3A_98 = arith.mulf %mul3A_97, %mul3A_46 : vector<1x2048xf32>
    %sub3A_99 = arith.subf %mul3A_98, %mul3A_47 : vector<1x2048xf32>
    %mul3A_100 = arith.mulf %mul3A_95, %sub3A_99 : vector<1x2048xf32>
    %mul3A_101 = arith.mulf %mul3A_42, %mul3A_100 : vector<1x2048xf32>
    %mul3A_102 = arith.constant 2.89061141 : f32
    %mul3A_103 = vector.broadcast %mul3A_102 : f32 to vector<1x2048xf32>
    %mul3A_104 = arith.mulf %mul3A_103, %mul3A_43 : vector<1x2048xf32>
    %mul3A_105 = arith.mulf %mul3A_104, %mul3A_44 : vector<1x2048xf32>
    %mul3A_106 = arith.mulf %mul3A_105, %mul3A_45 : vector<1x2048xf32>
    %mul3A_107 = arith.mulf %mul3A_42, %mul3A_106 : vector<1x2048xf32>
    %mul3A_108 = arith.constant 0.457045794 : f32
    %mul3A_109 = vector.broadcast %mul3A_108 : f32 to vector<1x2048xf32>
    %mul3A_110 = arith.mulf %mul3A_109, %mul3A_44 : vector<1x2048xf32>
    %mul3A_111 = arith.constant 5.000000e+00 : f32
    %mul3A_112 = vector.broadcast %mul3A_111 : f32 to vector<1x2048xf32>
    %mul3A_113 = arith.mulf %mul3A_112, %mul3A_48 : vector<1x2048xf32>
    %sub3A_114 = arith.constant 1.000000e+00 : f32
    %sub3A_115 = vector.broadcast %sub3A_114 : f32 to vector<1x2048xf32>
    %sub3A_116 = arith.subf %mul3A_113, %sub3A_115 : vector<1x2048xf32>
    %mul3A_117 = arith.mulf %mul3A_110, %sub3A_116 : vector<1x2048xf32>
    %mul3A_118 = arith.mulf %mul3A_42, %mul3A_117 : vector<1x2048xf32>
    %mul3A_119 = arith.constant 0.373176336 : f32
    %mul3A_120 = vector.broadcast %mul3A_119 : f32 to vector<1x2048xf32>
    %mul3A_121 = arith.mulf %mul3A_120, %mul3A_45 : vector<1x2048xf32>
    %mul3A_122 = arith.constant 5.000000e+00 : f32
    %mul3A_123 = vector.broadcast %mul3A_122 : f32 to vector<1x2048xf32>
    %mul3A_124 = arith.mulf %mul3A_123, %mul3A_48 : vector<1x2048xf32>
    %sub3A_125 = arith.constant 3.000000e+00 : f32
    %sub3A_126 = vector.broadcast %sub3A_125 : f32 to vector<1x2048xf32>
    %sub3A_127 = arith.subf %mul3A_124, %sub3A_126 : vector<1x2048xf32>
    %mul3A_128 = arith.mulf %mul3A_121, %sub3A_127 : vector<1x2048xf32>
    %mul3A_129 = arith.mulf %mul3A_42, %mul3A_128 : vector<1x2048xf32>
    %mul3A_130 = arith.constant 0.457045794 : f32
    %mul3A_131 = vector.broadcast %mul3A_130 : f32 to vector<1x2048xf32>
    %mul3A_132 = arith.mulf %mul3A_131, %mul3A_43 : vector<1x2048xf32>
    %mul3A_133 = arith.constant 5.000000e+00 : f32
    %mul3A_134 = vector.broadcast %mul3A_133 : f32 to vector<1x2048xf32>
    %mul3A_135 = arith.mulf %mul3A_134, %mul3A_48 : vector<1x2048xf32>
    %sub3A_136 = arith.constant 1.000000e+00 : f32
    %sub3A_137 = vector.broadcast %sub3A_136 : f32 to vector<1x2048xf32>
    %sub3A_138 = arith.subf %mul3A_135, %sub3A_137 : vector<1x2048xf32>
    %mul3A_139 = arith.mulf %mul3A_132, %sub3A_138 : vector<1x2048xf32>
    %mul3A_140 = arith.mulf %mul3A_42, %mul3A_139 : vector<1x2048xf32>
    %mul3A_141 = arith.constant 1.44530571 : f32
    %mul3A_142 = vector.broadcast %mul3A_141 : f32 to vector<1x2048xf32>
    %mul3A_143 = arith.mulf %mul3A_142, %mul3A_45 : vector<1x2048xf32>
    %sub3A_144 = arith.subf %mul3A_46, %mul3A_47 : vector<1x2048xf32>
    %mul3A_145 = arith.mulf %mul3A_143, %sub3A_144 : vector<1x2048xf32>
    %mul3A_146 = arith.mulf %mul3A_42, %mul3A_145 : vector<1x2048xf32>
    %mul3A_147 = arith.constant 0.590043604 : f32
    %mul3A_148 = vector.broadcast %mul3A_147 : f32 to vector<1x2048xf32>
    %mul3A_149 = arith.mulf %mul3A_148, %mul3A_43 : vector<1x2048xf32>
    %sub3A_150 = arith.subf %mul3A_46, %mul3A_47 : vector<1x2048xf32>
    %mul3A_151 = arith.mulf %mul3A_149, %sub3A_150 : vector<1x2048xf32>
    %mul3A_152 = arith.mulf %mul3A_42, %mul3A_151 : vector<1x2048xf32>
    %mul3A_153 = arith.constant 0.628318548 : f32
    %mul3A_154 = vector.broadcast %mul3A_153 : f32 to vector<1x2048xf32>
    %mul3A_155 = arith.mulf %sqrt3A, %mul3A_154 : vector<1x2048xf32>
    %iota3A = tpu.iota {dimensions = array<i32: 0>} : vector<32x1xi32>
    %add3A_156 = arith.constant 1 : i32
    %add3A_157 = vector.broadcast %add3A_156 : i32 to vector<32x1xi32>
    %add3A_158 = arith.addi %iota3A, %add3A_157 : vector<32x1xi32>
    %convert_element_type3A = arith.sitofp %add3A_158 : vector<32x1xi32> to vector<32x1xf32>
    %mul3A_159 = vector.broadcast %convert_element_type3A : vector<32x1xf32> to vector<32x2048xf32>
    %mul3A_160 = vector.broadcast %mul3A_155 : vector<1x2048xf32> to vector<32x2048xf32>
    %mul3A_161 = arith.mulf %mul3A_159, %mul3A_160 : vector<32x2048xf32>
    %sin3A = math.sin %mul3A_161 : vector<32x2048xf32>
    %mul3A_162 = vector.broadcast %mul3A_51 : vector<1x2048xf32> to vector<32x2048xf32>
    %mul3A_163 = arith.mulf %sin3A, %mul3A_162 : vector<32x2048xf32>
    %swap3A = arith.constant 0 : index
    %swap3A_164 = arith.constant 0 : index
    %swap3A_165 = vector.load %arg6[%swap3A, %swap3A_164] : memref<32x2048xf32, #tpu.memory_space<vmem>>, vector<32x2048xf32>
    tpu.vector_store %arg6[%swap3A, %swap3A_164], %mul3A_163 {strides = array<i32>} : memref<32x2048xf32, #tpu.memory_space<vmem>>, vector<32x2048xf32>,
    %mul3A_166 = vector.broadcast %mul3A_55 : vector<1x2048xf32> to vector<32x2048xf32>
    %mul3A_167 = arith.mulf %sin3A, %mul3A_166 : vector<32x2048xf32>
    %swap3A_168 = arith.constant 0 : index
    %swap3A_169 = arith.constant 0 : index
    %swap3A_170 = vector.load %arg7[%swap3A_168, %swap3A_169] : memref<96x2048xf32, #tpu.memory_space<vmem>>, vector<32x2048xf32>
    tpu.vector_store %arg7[%swap3A_168, %swap3A_169], %mul3A_167 {strides = array<i32>} : memref<96x2048xf32, #tpu.memory_space<vmem>>, vector<32x2048xf32>,
    %mul3A_171 = vector.broadcast %mul3A_59 : vector<1x2048xf32> to vector<32x2048xf32>
    %mul3A_172 = arith.mulf %sin3A, %mul3A_171 : vector<32x2048xf32>
    %swap3A_173 = arith.constant 32 : index
    %swap3A_174 = arith.constant 0 : index
    %swap3A_175 = vector.load %arg7[%swap3A_173, %swap3A_174] : memref<96x2048xf32, #tpu.memory_space<vmem>>, vector<32x2048xf32>
    tpu.vector_store %arg7[%swap3A_173, %swap3A_174], %mul3A_172 {strides = array<i32>} : memref<96x2048xf32, #tpu.memory_space<vmem>>, vector<32x2048xf32>,
    %mul3A_176 = vector.broadcast %mul3A_63 : vector<1x2048xf32> to vector<32x2048xf32>
    %mul3A_177 = arith.mulf %sin3A, %mul3A_176 : vector<32x2048xf32>
    %swap3A_178 = arith.constant 64 : index
    %swap3A_179 = arith.constant 0 : index
    %swap3A_180 = vector.load %arg7[%swap3A_178, %swap3A_179] : memref<96x2048xf32, #tpu.memory_space<vmem>>, vector<32x2048xf32>
    tpu.vector_store %arg7[%swap3A_178, %swap3A_179], %mul3A_177 {strides = array<i32>} : memref<96x2048xf32, #tpu.memory_space<vmem>>, vector<32x2048xf32>,
    %mul3A_181 = vector.broadcast %mul3A_68 : vector<1x2048xf32> to vector<32x2048xf32>
    %mul3A_182 = arith.mulf %sin3A, %mul3A_181 : vector<32x2048xf32>
    %swap3A_183 = arith.constant 0 : index
    %swap3A_184 = arith.constant 0 : index
    %swap3A_185 = vector.load %arg8[%swap3A_183, %swap3A_184] : memref<160x2048xf32, #tpu.memory_space<vmem>>, vector<32x2048xf32>
    tpu.vector_store %arg8[%swap3A_183, %swap3A_184], %mul3A_182 {strides = array<i32>} : memref<160x2048xf32, #tpu.memory_space<vmem>>, vector<32x2048xf32>,
    %mul3A_186 = vector.broadcast %mul3A_73 : vector<1x2048xf32> to vector<32x2048xf32>
    %mul3A_187 = arith.mulf %sin3A, %mul3A_186 : vector<32x2048xf32>
    %swap3A_188 = arith.constant 32 : index
    %swap3A_189 = arith.constant 0 : index
    %swap3A_190 = vector.load %arg8[%swap3A_188, %swap3A_189] : memref<160x2048xf32, #tpu.memory_space<vmem>>, vector<32x2048xf32>
    tpu.vector_store %arg8[%swap3A_188, %swap3A_189], %mul3A_187 {strides = array<i32>} : memref<160x2048xf32, #tpu.memory_space<vmem>>, vector<32x2048xf32>,
    %mul3A_191 = vector.broadcast %mul3A_82 : vector<1x2048xf32> to vector<32x2048xf32>
    %mul3A_192 = arith.mulf %sin3A, %mul3A_191 : vector<32x2048xf32>
    %swap3A_193 = arith.constant 64 : index
    %swap3A_194 = arith.constant 0 : index
    %swap3A_195 = vector.load %arg8[%swap3A_193, %swap3A_194] : memref<160x2048xf32, #tpu.memory_space<vmem>>, vector<32x2048xf32>
    tpu.vector_store %arg8[%swap3A_193, %swap3A_194], %mul3A_192 {strides = array<i32>} : memref<160x2048xf32, #tpu.memory_space<vmem>>, vector<32x2048xf32>,
    %mul3A_196 = vector.broadcast %mul3A_87 : vector<1x2048xf32> to vector<32x2048xf32>
    %mul3A_197 = arith.mulf %sin3A, %mul3A_196 : vector<32x2048xf32>
    %swap3A_198 = arith.constant 96 : index
    %swap3A_199 = arith.constant 0 : index
    %swap3A_200 = vector.load %arg8[%swap3A_198, %swap3A_199] : memref<160x2048xf32, #tpu.memory_space<vmem>>, vector<32x2048xf32>
    tpu.vector_store %arg8[%swap3A_198, %swap3A_199], %mul3A_197 {strides = array<i32>} : memref<160x2048xf32, #tpu.memory_space<vmem>>, vector<32x2048xf32>,
    %mul3A_201 = vector.broadcast %mul3A_92 : vector<1x2048xf32> to vector<32x2048xf32>
    %mul3A_202 = arith.mulf %sin3A, %mul3A_201 : vector<32x2048xf32>
    %swap3A_203 = arith.constant 128 : index
    %swap3A_204 = arith.constant 0 : index
    %swap3A_205 = vector.load %arg8[%swap3A_203, %swap3A_204] : memref<160x2048xf32, #tpu.memory_space<vmem>>, vector<32x2048xf32>
    tpu.vector_store %arg8[%swap3A_203, %swap3A_204], %mul3A_202 {strides = array<i32>} : memref<160x2048xf32, #tpu.memory_space<vmem>>, vector<32x2048xf32>,
    %mul3A_206 = vector.broadcast %mul3A_101 : vector<1x2048xf32> to vector<32x2048xf32>
    %mul3A_207 = arith.mulf %sin3A, %mul3A_206 : vector<32x2048xf32>
    %swap3A_208 = arith.constant 0 : index
    %swap3A_209 = arith.constant 0 : index
    %swap3A_210 = vector.load %arg9[%swap3A_208, %swap3A_209] : memref<224x2048xf32, #tpu.memory_space<vmem>>, vector<32x2048xf32>
    tpu.vector_store %arg9[%swap3A_208, %swap3A_209], %mul3A_207 {strides = array<i32>} : memref<224x2048xf32, #tpu.memory_space<vmem>>, vector<32x2048xf32>,
    %mul3A_211 = vector.broadcast %mul3A_107 : vector<1x2048xf32> to vector<32x2048xf32>
    %mul3A_212 = arith.mulf %sin3A, %mul3A_211 : vector<32x2048xf32>
    %swap3A_213 = arith.constant 32 : index
    %swap3A_214 = arith.constant 0 : index
    %swap3A_215 = vector.load %arg9[%swap3A_213, %swap3A_214] : memref<224x2048xf32, #tpu.memory_space<vmem>>, vector<32x2048xf32>
    tpu.vector_store %arg9[%swap3A_213, %swap3A_214], %mul3A_212 {strides = array<i32>} : memref<224x2048xf32, #tpu.memory_space<vmem>>, vector<32x2048xf32>,
    %mul3A_216 = vector.broadcast %mul3A_118 : vector<1x2048xf32> to vector<32x2048xf32>
    %mul3A_217 = arith.mulf %sin3A, %mul3A_216 : vector<32x2048xf32>
    %swap3A_218 = arith.constant 64 : index
    %swap3A_219 = arith.constant 0 : index
    %swap3A_220 = vector.load %arg9[%swap3A_218, %swap3A_219] : memref<224x2048xf32, #tpu.memory_space<vmem>>, vector<32x2048xf32>
    tpu.vector_store %arg9[%swap3A_218, %swap3A_219], %mul3A_217 {strides = array<i32>} : memref<224x2048xf32, #tpu.memory_space<vmem>>, vector<32x2048xf32>,
    %mul3A_221 = vector.broadcast %mul3A_129 : vector<1x2048xf32> to vector<32x2048xf32>
    %mul3A_222 = arith.mulf %sin3A, %mul3A_221 : vector<32x2048xf32>
    %swap3A_223 = arith.constant 96 : index
    %swap3A_224 = arith.constant 0 : index
    %swap3A_225 = vector.load %arg9[%swap3A_223, %swap3A_224] : memref<224x2048xf32, #tpu.memory_space<vmem>>, vector<32x2048xf32>
    tpu.vector_store %arg9[%swap3A_223, %swap3A_224], %mul3A_222 {strides = array<i32>} : memref<224x2048xf32, #tpu.memory_space<vmem>>, vector<32x2048xf32>,
    %mul3A_226 = vector.broadcast %mul3A_140 : vector<1x2048xf32> to vector<32x2048xf32>
    %mul3A_227 = arith.mulf %sin3A, %mul3A_226 : vector<32x2048xf32>
    %swap3A_228 = arith.constant 128 : index
    %swap3A_229 = arith.constant 0 : index
    %swap3A_230 = vector.load %arg9[%swap3A_228, %swap3A_229] : memref<224x2048xf32, #tpu.memory_space<vmem>>, vector<32x2048xf32>
    tpu.vector_store %arg9[%swap3A_228, %swap3A_229], %mul3A_227 {strides = array<i32>} : memref<224x2048xf32, #tpu.memory_space<vmem>>, vector<32x2048xf32>,
    %mul3A_231 = vector.broadcast %mul3A_146 : vector<1x2048xf32> to vector<32x2048xf32>
    %mul3A_232 = arith.mulf %sin3A, %mul3A_231 : vector<32x2048xf32>
    %swap3A_233 = arith.constant 160 : index
    %swap3A_234 = arith.constant 0 : index
    %swap3A_235 = vector.load %arg9[%swap3A_233, %swap3A_234] : memref<224x2048xf32, #tpu.memory_space<vmem>>, vector<32x2048xf32>
    tpu.vector_store %arg9[%swap3A_233, %swap3A_234], %mul3A_232 {strides = array<i32>} : memref<224x2048xf32, #tpu.memory_space<vmem>>, vector<32x2048xf32>,
    %mul3A_236 = vector.broadcast %mul3A_152 : vector<1x2048xf32> to vector<32x2048xf32>
    %mul3A_237 = arith.mulf %sin3A, %mul3A_236 : vector<32x2048xf32>
    %swap3A_238 = arith.constant 192 : index
    %swap3A_239 = arith.constant 0 : index
    %swap3A_240 = vector.load %arg9[%swap3A_238, %swap3A_239] : memref<224x2048xf32, #tpu.memory_space<vmem>>, vector<32x2048xf32>
    tpu.vector_store %arg9[%swap3A_238, %swap3A_239], %mul3A_237 {strides = array<i32>} : memref<224x2048xf32, #tpu.memory_space<vmem>>, vector<32x2048xf32>,
    return
  }
  func.func @transform_0(%arg0: i32) -> (i32, i32) {
    %c0_i32 = arith.constant 0 : i32
    %c0_i32_0 = arith.constant 0 : i32
    return %c0_i32, %arg0 : i32, i32
  }
  func.func @transform_5(%arg0: i32) -> (i32, i32) {
    %add3A = arith.constant 64 : i32
    %add3A_0 = arith.addi %arg0, %add3A : i32
    %c0_i32 = arith.constant 0 : i32
    %c0_i32_1 = arith.constant 0 : i32
    return %c0_i32, %add3A_0 : i32, i32
  }
  func.func @transform_6(%arg0: i32) -> (i32, i32) {
    %add3A = arith.constant 64 : i32
    %add3A_0 = arith.addi %arg0, %add3A : i32
    %c0_i32 = arith.constant 0 : i32
    %c0_i32_1 = arith.constant 0 : i32
    return %c0_i32, %add3A_0 : i32, i32
  }
  func.func @transform_7(%arg0: i32) -> (i32, i32) {
    %add3A = arith.constant 64 : i32
    %add3A_0 = arith.addi %arg0, %add3A : i32
    %c0_i32 = arith.constant 0 : i32
    %c0_i32_1 = arith.constant 0 : i32
    return %c0_i32, %add3A_0 : i32, i32
  }
  func.func @transform_8(%arg0: i32) -> (i32, i32) {
    %add3A = arith.constant 64 : i32
    %add3A_0 = arith.addi %arg0, %add3A : i32
    %c0_i32 = arith.constant 0 : i32
    %c0_i32_1 = arith.constant 0 : i32
    return %c0_i32, %add3A_0 : i32, i32
  }
}

module attributes {stable_mosaic.version = 14 : i64} {
  func.func @_tc_body_alias(%arg0: i32, %arg1: memref<3x2048xf32, #tpu.memory_space<vmem>>, %arg2: memref<32x640000xf32, #tpu.memory_space<any>>, %arg3: memref<96x640000xf32, #tpu.memory_space<any>>, %arg4: memref<160x640000xf32, #tpu.memory_space<any>>, %arg5: memref<224x640000xf32, #tpu.memory_space<any>>, %arg6: memref<32x2048xf32, #tpu.memory_space<vmem>>, %arg7: memref<96x2048xf32, #tpu.memory_space<vmem>>, %arg8: memref<160x2048xf32, #tpu.memory_space<vmem>>, %arg9: memref<224x2048xf32, #tpu.memory_space<vmem>>) attributes {dimension_semantics = [#tpu.dimension_semantics<arbitrary>], iteration_bounds = array<i64: 92>, scalar_prefetch = 0 : i64, scratch_operands = 0 : i64, tpu.core_type = #tpu.core_type<tc>, window_params = [{transform_indices = @transform_0, window_bounds = array<i64: 3, 2048>}, {}, {}, {}, {}, {transform_indices = @transform_5, window_bounds = array<i64: 32, 2048>}, {transform_indices = @transform_6, window_bounds = array<i64: 96, 2048>}, {transform_indices = @transform_7, window_bounds = array<i64: 160, 2048>}, {transform_indices = @transform_8, window_bounds = array<i64: 224, 2048>}]} {
    %get3A = arith.constant 0 : index
    %get3A_0 = arith.constant 0 : index
    %get3A_1 = vector.load %arg1[%get3A, %get3A_0] : memref<3x2048xf32, #tpu.memory_space<vmem>>, vector<3x2048xf32>
    %slice3A = vector.extract_strided_slice %get3A_1 {offsets = [0, 0], sizes = [1, 2048], strides = [1, 1]} : vector<3x2048xf32> to vector<1x2048xf32>
    %slice3A_2 = vector.extract_strided_slice %get3A_1 {offsets = [1, 0], sizes = [1, 2048], strides = [1, 1]} : vector<3x2048xf32> to vector<1x2048xf32>
    %slice3A_3 = vector.extract_strided_slice %get3A_1 {offsets = [2, 0], sizes = [1, 2048], strides = [1, 1]} : vector<3x2048xf32> to vector<1x2048xf32>
    %mul3A = arith.mulf %slice3A, %slice3A : vector<1x2048xf32>
    %mul3A_4 = arith.mulf %slice3A_2, %slice3A_2 : vector<1x2048xf32>
    %add3A = arith.addf %mul3A, %mul3A_4 : vector<1x2048xf32>
    %mul3A_5 = arith.mulf %slice3A_3, %slice3A_3 : vector<1x2048xf32>
    %add3A_6 = arith.addf %add3A, %mul3A_5 : vector<1x2048xf32>
    %add3A_7 = arith.constant 9.99999996E-13 : f32
    %add3A_8 = vector.broadcast %add3A_7 : f32 to vector<1x2048xf32>
    %add3A_9 = arith.addf %add3A_6, %add3A_8 : vector<1x2048xf32>
    %sqrt3A = math.sqrt %add3A_9 : vector<1x2048xf32>
    %div3A = arith.constant 1.000000e+00 : f32
    %div3A_10 = vector.broadcast %div3A : f32 to vector<1x2048xf32>
    %div3A_11 = arith.divf %div3A_10, %sqrt3A : vector<1x2048xf32>
    %add3A_12 = arith.constant 9.99999996E-13 : f32
    %add3A_13 = vector.broadcast %add3A_12 : f32 to vector<1x2048xf32>
    %add3A_14 = arith.addf %sqrt3A, %add3A_13 : vector<1x2048xf32>
    %div3A_15 = arith.constant 0.632455527 : f32
    %div3A_16 = vector.broadcast %div3A_15 : f32 to vector<1x2048xf32>
    %div3A_17 = arith.divf %div3A_16, %add3A_14 : vector<1x2048xf32>
    %mul3A_18 = arith.constant 2.000000e-01 : f32
    %mul3A_19 = vector.broadcast %mul3A_18 : f32 to vector<1x2048xf32>
    %mul3A_20 = arith.mulf %sqrt3A, %mul3A_19 : vector<1x2048xf32>
    %min3A = arith.constant 1.000000e+00 : f32
    %min3A_21 = vector.broadcast %min3A : f32 to vector<1x2048xf32>
    %min3A_22 = arith.minimumf %mul3A_20, %min3A_21 : vector<1x2048xf32>
    %mul3A_23 = arith.constant 3.14159274 : f32
    %mul3A_24 = vector.broadcast %mul3A_23 : f32 to vector<1x2048xf32>
    %mul3A_25 = arith.mulf %mul3A_24, %min3A_22 : vector<1x2048xf32>
    %cos3A = math.cos %mul3A_25 : vector<1x2048xf32>
    %mul3A_26 = arith.constant 5.000000e-01 : f32
    %mul3A_27 = vector.broadcast %mul3A_26 : f32 to vector<1x2048xf32>
    %mul3A_28 = arith.mulf %mul3A_27, %cos3A : vector<1x2048xf32>
    %add3A_29 = arith.constant 5.000000e-01 : f32
    %add3A_30 = vector.broadcast %add3A_29 : f32 to vector<1x2048xf32>
    %add3A_31 = arith.addf %mul3A_28, %add3A_30 : vector<1x2048xf32>
    %mul3A_32 = arith.constant 2.000000e-01 : f32
    %mul3A_33 = vector.broadcast %mul3A_32 : f32 to vector<1x2048xf32>
    %mul3A_34 = arith.mulf %sqrt3A, %mul3A_33 : vector<1x2048xf32>
    %jit3A = arith.constant 9.99999996E-13 : f32
    %jit3A_35 = arith.constant 1.000000e+00 : f32
    %max3A = vector.broadcast %jit3A : f32 to vector<1x2048xf32>
    %max3A_36 = arith.maximumf %max3A, %mul3A_34 : vector<1x2048xf32>
    %min3A_37 = vector.broadcast %jit3A_35 : f32 to vector<1x2048xf32>
    %min3A_38 = arith.minimumf %min3A_37, %max3A_36 : vector<1x2048xf32>
    %mul3A_39 = arith.mulf %add3A_31, %div3A_17 : vector<1x2048xf32>
    %mul3A_40 = arith.mulf %mul3A_39, %min3A_38 : vector<1x2048xf32>
    %mul3A_41 = arith.mulf %mul3A_40, %min3A_38 : vector<1x2048xf32>
    %mul3A_42 = arith.mulf %mul3A_41, %min3A_38 : vector<1x2048xf32>
    %mul3A_43 = arith.mulf %slice3A, %div3A_11 : vector<1x2048xf32>
    %mul3A_44 = arith.mulf %slice3A_2, %div3A_11 : vector<1x2048xf32>
    %mul3A_45 = arith.mulf %slice3A_3, %div3A_11 : vector<1x2048xf32>
    %mul3A_46 = arith.mulf %mul3A_43, %mul3A_43 : vector<1x2048xf32>
    %mul3A_47 = arith.mulf %mul3A_44, %mul3A_44 : vector<1x2048xf32>
    %mul3A_48 = arith.mulf %mul3A_45, %mul3A_45 : vector<1x2048xf32>
    %mul3A_49 = arith.constant 0.282094806 : f32
    %mul3A_50 = vector.broadcast %mul3A_49 : f32 to vector<1x2048xf32>
    %mul3A_51 = arith.mulf %mul3A_39, %mul3A_50 : vector<1x2048xf32>
    %mul3A_52 = arith.constant 0.488602519 : f32
    %mul3A_53 = vector.broadcast %mul3A_52 : f32 to vector<1x2048xf32>
    %mul3A_54 = arith.mulf %mul3A_53, %mul3A_44 : vector<1x2048xf32>
    %mul3A_55 = arith.mulf %mul3A_40, %mul3A_54 : vector<1x2048xf32>
    %mul3A_56 = arith.constant 0.488602519 : f32
    %mul3A_57 = vector.broadcast %mul3A_56 : f32 to vector<1x2048xf32>
    %mul3A_58 = arith.mulf %mul3A_57, %mul3A_45 : vector<1x2048xf32>
    %mul3A_59 = arith.mulf %mul3A_40, %mul3A_58 : vector<1x2048xf32>
    %mul3A_60 = arith.constant 0.488602519 : f32
    %mul3A_61 = vector.broadcast %mul3A_60 : f32 to vector<1x2048xf32>
    %mul3A_62 = arith.mulf %mul3A_61, %mul3A_43 : vector<1x2048xf32>
    %mul3A_63 = arith.mulf %mul3A_40, %mul3A_62 : vector<1x2048xf32>
    %mul3A_64 = arith.constant 1.09254849 : f32
    %mul3A_65 = vector.broadcast %mul3A_64 : f32 to vector<1x2048xf32>
    %mul3A_66 = arith.mulf %mul3A_65, %mul3A_43 : vector<1x2048xf32>
    %mul3A_67 = arith.mulf %mul3A_66, %mul3A_44 : vector<1x2048xf32>
    %mul3A_68 = arith.mulf %mul3A_41, %mul3A_67 : vector<1x2048xf32>
    %mul3A_69 = arith.constant 1.09254849 : f32
    %mul3A_70 = vector.broadcast %mul3A_69 : f32 to vector<1x2048xf32>
    %mul3A_71 = arith.mulf %mul3A_70, %mul3A_44 : vector<1x2048xf32>
    %mul3A_72 = arith.mulf %mul3A_71, %mul3A_45 : vector<1x2048xf32>
    %mul3A_73 = arith.mulf %mul3A_41, %mul3A_72 : vector<1x2048xf32>
    %mul3A_74 = arith.constant 3.000000e+00 : f32
    %mul3A_75 = vector.broadcast %mul3A_74 : f32 to vector<1x2048xf32>
    %mul3A_76 = arith.mulf %mul3A_75, %mul3A_48 : vector<1x2048xf32>
    %sub3A = arith.constant 1.000000e+00 : f32
    %sub3A_77 = vector.broadcast %sub3A : f32 to vector<1x2048xf32>
    %sub3A_78 = arith.subf %mul3A_76, %sub3A_77 : vector<1x2048xf32>
    %mul3A_79 = arith.constant 0.31539157 : f32
    %mul3A_80 = vector.broadcast %mul3A_79 : f32 to vector<1x2048xf32>
    %mul3A_81 = arith.mulf %mul3A_80, %sub3A_78 : vector<1x2048xf32>
    %mul3A_82 = arith.mulf %mul3A_41, %mul3A_81 : vector<1x2048xf32>
    %mul3A_83 = arith.constant 1.09254849 : f32
    %mul3A_84 = vector.broadcast %mul3A_83 : f32 to vector<1x2048xf32>
    %mul3A_85 = arith.mulf %mul3A_84, %mul3A_43 : vector<1x2048xf32>
    %mul3A_86 = arith.mulf %mul3A_85, %mul3A_45 : vector<1x2048xf32>
    %mul3A_87 = arith.mulf %mul3A_41, %mul3A_86 : vector<1x2048xf32>
    %sub3A_88 = arith.subf %mul3A_46, %mul3A_47 : vector<1x2048xf32>
    %mul3A_89 = arith.constant 0.546274245 : f32
    %mul3A_90 = vector.broadcast %mul3A_89 : f32 to vector<1x2048xf32>
    %mul3A_91 = arith.mulf %mul3A_90, %sub3A_88 : vector<1x2048xf32>
    %mul3A_92 = arith.mulf %mul3A_41, %mul3A_91 : vector<1x2048xf32>
    %mul3A_93 = arith.constant 0.590043604 : f32
    %mul3A_94 = vector.broadcast %mul3A_93 : f32 to vector<1x2048xf32>
    %mul3A_95 = arith.mulf %mul3A_94, %mul3A_44 : vector<1x2048xf32>
    %mul3A_96 = arith.constant 3.000000e+00 : f32
    %mul3A_97 = vector.broadcast %mul3A_96 : f32 to vector<1x2048xf32>
    %mul3A_98 = arith.mulf %mul3A_97, %mul3A_46 : vector<1x2048xf32>
    %sub3A_99 = arith.subf %mul3A_98, %mul3A_47 : vector<1x2048xf32>
    %mul3A_100 = arith.mulf %mul3A_95, %sub3A_99 : vector<1x2048xf32>
    %mul3A_101 = arith.mulf %mul3A_42, %mul3A_100 : vector<1x2048xf32>
    %mul3A_102 = arith.constant 2.89061141 : f32
    %mul3A_103 = vector.broadcast %mul3A_102 : f32 to vector<1x2048xf32>
    %mul3A_104 = arith.mulf %mul3A_103, %mul3A_43 : vector<1x2048xf32>
    %mul3A_105 = arith.mulf %mul3A_104, %mul3A_44 : vector<1x2048xf32>
    %mul3A_106 = arith.mulf %mul3A_105, %mul3A_45 : vector<1x2048xf32>
    %mul3A_107 = arith.mulf %mul3A_42, %mul3A_106 : vector<1x2048xf32>
    %mul3A_108 = arith.constant 0.457045794 : f32
    %mul3A_109 = vector.broadcast %mul3A_108 : f32 to vector<1x2048xf32>
    %mul3A_110 = arith.mulf %mul3A_109, %mul3A_44 : vector<1x2048xf32>
    %mul3A_111 = arith.constant 5.000000e+00 : f32
    %mul3A_112 = vector.broadcast %mul3A_111 : f32 to vector<1x2048xf32>
    %mul3A_113 = arith.mulf %mul3A_112, %mul3A_48 : vector<1x2048xf32>
    %sub3A_114 = arith.constant 1.000000e+00 : f32
    %sub3A_115 = vector.broadcast %sub3A_114 : f32 to vector<1x2048xf32>
    %sub3A_116 = arith.subf %mul3A_113, %sub3A_115 : vector<1x2048xf32>
    %mul3A_117 = arith.mulf %mul3A_110, %sub3A_116 : vector<1x2048xf32>
    %mul3A_118 = arith.mulf %mul3A_42, %mul3A_117 : vector<1x2048xf32>
    %mul3A_119 = arith.constant 0.373176336 : f32
    %mul3A_120 = vector.broadcast %mul3A_119 : f32 to vector<1x2048xf32>
    %mul3A_121 = arith.mulf %mul3A_120, %mul3A_45 : vector<1x2048xf32>
    %mul3A_122 = arith.constant 5.000000e+00 : f32
    %mul3A_123 = vector.broadcast %mul3A_122 : f32 to vector<1x2048xf32>
    %mul3A_124 = arith.mulf %mul3A_123, %mul3A_48 : vector<1x2048xf32>
    %sub3A_125 = arith.constant 3.000000e+00 : f32
    %sub3A_126 = vector.broadcast %sub3A_125 : f32 to vector<1x2048xf32>
    %sub3A_127 = arith.subf %mul3A_124, %sub3A_126 : vector<1x2048xf32>
    %mul3A_128 = arith.mulf %mul3A_121, %sub3A_127 : vector<1x2048xf32>
    %mul3A_129 = arith.mulf %mul3A_42, %mul3A_128 : vector<1x2048xf32>
    %mul3A_130 = arith.constant 0.457045794 : f32
    %mul3A_131 = vector.broadcast %mul3A_130 : f32 to vector<1x2048xf32>
    %mul3A_132 = arith.mulf %mul3A_131, %mul3A_43 : vector<1x2048xf32>
    %mul3A_133 = arith.constant 5.000000e+00 : f32
    %mul3A_134 = vector.broadcast %mul3A_133 : f32 to vector<1x2048xf32>
    %mul3A_135 = arith.mulf %mul3A_134, %mul3A_48 : vector<1x2048xf32>
    %sub3A_136 = arith.constant 1.000000e+00 : f32
    %sub3A_137 = vector.broadcast %sub3A_136 : f32 to vector<1x2048xf32>
    %sub3A_138 = arith.subf %mul3A_135, %sub3A_137 : vector<1x2048xf32>
    %mul3A_139 = arith.mulf %mul3A_132, %sub3A_138 : vector<1x2048xf32>
    %mul3A_140 = arith.mulf %mul3A_42, %mul3A_139 : vector<1x2048xf32>
    %mul3A_141 = arith.constant 1.44530571 : f32
    %mul3A_142 = vector.broadcast %mul3A_141 : f32 to vector<1x2048xf32>
    %mul3A_143 = arith.mulf %mul3A_142, %mul3A_45 : vector<1x2048xf32>
    %sub3A_144 = arith.subf %mul3A_46, %mul3A_47 : vector<1x2048xf32>
    %mul3A_145 = arith.mulf %mul3A_143, %sub3A_144 : vector<1x2048xf32>
    %mul3A_146 = arith.mulf %mul3A_42, %mul3A_145 : vector<1x2048xf32>
    %mul3A_147 = arith.constant 0.590043604 : f32
    %mul3A_148 = vector.broadcast %mul3A_147 : f32 to vector<1x2048xf32>
    %mul3A_149 = arith.mulf %mul3A_148, %mul3A_43 : vector<1x2048xf32>
    %sub3A_150 = arith.subf %mul3A_46, %mul3A_47 : vector<1x2048xf32>
    %mul3A_151 = arith.mulf %mul3A_149, %sub3A_150 : vector<1x2048xf32>
    %mul3A_152 = arith.mulf %mul3A_42, %mul3A_151 : vector<1x2048xf32>
    %mul3A_153 = arith.constant 0.628318548 : f32
    %mul3A_154 = vector.broadcast %mul3A_153 : f32 to vector<1x2048xf32>
    %mul3A_155 = arith.mulf %sqrt3A, %mul3A_154 : vector<1x2048xf32>
    %iota3A = tpu.iota {dimensions = array<i32: 0>} : vector<32x1xi32>
    %add3A_156 = arith.constant 1 : i32
    %add3A_157 = vector.broadcast %add3A_156 : i32 to vector<32x1xi32>
    %add3A_158 = arith.addi %iota3A, %add3A_157 : vector<32x1xi32>
    %convert_element_type3A = arith.sitofp %add3A_158 : vector<32x1xi32> to vector<32x1xf32>
    %mul3A_159 = vector.broadcast %convert_element_type3A : vector<32x1xf32> to vector<32x2048xf32>
    %mul3A_160 = vector.broadcast %mul3A_155 : vector<1x2048xf32> to vector<32x2048xf32>
    %mul3A_161 = arith.mulf %mul3A_159, %mul3A_160 : vector<32x2048xf32>
    %sin3A = math.sin %mul3A_161 : vector<32x2048xf32>
    %mul3A_162 = vector.broadcast %mul3A_51 : vector<1x2048xf32> to vector<32x2048xf32>
    %mul3A_163 = arith.mulf %sin3A, %mul3A_162 : vector<32x2048xf32>
    %swap3A = arith.constant 0 : index
    %swap3A_164 = arith.constant 0 : index
    %swap3A_165 = vector.load %arg6[%swap3A, %swap3A_164] : memref<32x2048xf32, #tpu.memory_space<vmem>>, vector<32x2048xf32>
    tpu.vector_store %arg6[%swap3A, %swap3A_164], %mul3A_163 {strides = array<i32>} : memref<32x2048xf32, #tpu.memory_space<vmem>>, vector<32x2048xf32>,
    %mul3A_166 = vector.broadcast %mul3A_55 : vector<1x2048xf32> to vector<32x2048xf32>
    %mul3A_167 = arith.mulf %sin3A, %mul3A_166 : vector<32x2048xf32>
    %swap3A_168 = arith.constant 0 : index
    %swap3A_169 = arith.constant 0 : index
    %swap3A_170 = vector.load %arg7[%swap3A_168, %swap3A_169] : memref<96x2048xf32, #tpu.memory_space<vmem>>, vector<32x2048xf32>
    tpu.vector_store %arg7[%swap3A_168, %swap3A_169], %mul3A_167 {strides = array<i32>} : memref<96x2048xf32, #tpu.memory_space<vmem>>, vector<32x2048xf32>,
    %mul3A_171 = vector.broadcast %mul3A_59 : vector<1x2048xf32> to vector<32x2048xf32>
    %mul3A_172 = arith.mulf %sin3A, %mul3A_171 : vector<32x2048xf32>
    %swap3A_173 = arith.constant 32 : index
    %swap3A_174 = arith.constant 0 : index
    %swap3A_175 = vector.load %arg7[%swap3A_173, %swap3A_174] : memref<96x2048xf32, #tpu.memory_space<vmem>>, vector<32x2048xf32>
    tpu.vector_store %arg7[%swap3A_173, %swap3A_174], %mul3A_172 {strides = array<i32>} : memref<96x2048xf32, #tpu.memory_space<vmem>>, vector<32x2048xf32>,
    %mul3A_176 = vector.broadcast %mul3A_63 : vector<1x2048xf32> to vector<32x2048xf32>
    %mul3A_177 = arith.mulf %sin3A, %mul3A_176 : vector<32x2048xf32>
    %swap3A_178 = arith.constant 64 : index
    %swap3A_179 = arith.constant 0 : index
    %swap3A_180 = vector.load %arg7[%swap3A_178, %swap3A_179] : memref<96x2048xf32, #tpu.memory_space<vmem>>, vector<32x2048xf32>
    tpu.vector_store %arg7[%swap3A_178, %swap3A_179], %mul3A_177 {strides = array<i32>} : memref<96x2048xf32, #tpu.memory_space<vmem>>, vector<32x2048xf32>,
    %mul3A_181 = vector.broadcast %mul3A_68 : vector<1x2048xf32> to vector<32x2048xf32>
    %mul3A_182 = arith.mulf %sin3A, %mul3A_181 : vector<32x2048xf32>
    %swap3A_183 = arith.constant 0 : index
    %swap3A_184 = arith.constant 0 : index
    %swap3A_185 = vector.load %arg8[%swap3A_183, %swap3A_184] : memref<160x2048xf32, #tpu.memory_space<vmem>>, vector<32x2048xf32>
    tpu.vector_store %arg8[%swap3A_183, %swap3A_184], %mul3A_182 {strides = array<i32>} : memref<160x2048xf32, #tpu.memory_space<vmem>>, vector<32x2048xf32>,
    %mul3A_186 = vector.broadcast %mul3A_73 : vector<1x2048xf32> to vector<32x2048xf32>
    %mul3A_187 = arith.mulf %sin3A, %mul3A_186 : vector<32x2048xf32>
    %swap3A_188 = arith.constant 32 : index
    %swap3A_189 = arith.constant 0 : index
    %swap3A_190 = vector.load %arg8[%swap3A_188, %swap3A_189] : memref<160x2048xf32, #tpu.memory_space<vmem>>, vector<32x2048xf32>
    tpu.vector_store %arg8[%swap3A_188, %swap3A_189], %mul3A_187 {strides = array<i32>} : memref<160x2048xf32, #tpu.memory_space<vmem>>, vector<32x2048xf32>,
    %mul3A_191 = vector.broadcast %mul3A_82 : vector<1x2048xf32> to vector<32x2048xf32>
    %mul3A_192 = arith.mulf %sin3A, %mul3A_191 : vector<32x2048xf32>
    %swap3A_193 = arith.constant 64 : index
    %swap3A_194 = arith.constant 0 : index
    %swap3A_195 = vector.load %arg8[%swap3A_193, %swap3A_194] : memref<160x2048xf32, #tpu.memory_space<vmem>>, vector<32x2048xf32>
    tpu.vector_store %arg8[%swap3A_193, %swap3A_194], %mul3A_192 {strides = array<i32>} : memref<160x2048xf32, #tpu.memory_space<vmem>>, vector<32x2048xf32>,
    %mul3A_196 = vector.broadcast %mul3A_87 : vector<1x2048xf32> to vector<32x2048xf32>
    %mul3A_197 = arith.mulf %sin3A, %mul3A_196 : vector<32x2048xf32>
    %swap3A_198 = arith.constant 96 : index
    %swap3A_199 = arith.constant 0 : index
    %swap3A_200 = vector.load %arg8[%swap3A_198, %swap3A_199] : memref<160x2048xf32, #tpu.memory_space<vmem>>, vector<32x2048xf32>
    tpu.vector_store %arg8[%swap3A_198, %swap3A_199], %mul3A_197 {strides = array<i32>} : memref<160x2048xf32, #tpu.memory_space<vmem>>, vector<32x2048xf32>,
    %mul3A_201 = vector.broadcast %mul3A_92 : vector<1x2048xf32> to vector<32x2048xf32>
    %mul3A_202 = arith.mulf %sin3A, %mul3A_201 : vector<32x2048xf32>
    %swap3A_203 = arith.constant 128 : index
    %swap3A_204 = arith.constant 0 : index
    %swap3A_205 = vector.load %arg8[%swap3A_203, %swap3A_204] : memref<160x2048xf32, #tpu.memory_space<vmem>>, vector<32x2048xf32>
    tpu.vector_store %arg8[%swap3A_203, %swap3A_204], %mul3A_202 {strides = array<i32>} : memref<160x2048xf32, #tpu.memory_space<vmem>>, vector<32x2048xf32>,
    %mul3A_206 = vector.broadcast %mul3A_101 : vector<1x2048xf32> to vector<32x2048xf32>
    %mul3A_207 = arith.mulf %sin3A, %mul3A_206 : vector<32x2048xf32>
    %swap3A_208 = arith.constant 0 : index
    %swap3A_209 = arith.constant 0 : index
    %swap3A_210 = vector.load %arg9[%swap3A_208, %swap3A_209] : memref<224x2048xf32, #tpu.memory_space<vmem>>, vector<32x2048xf32>
    tpu.vector_store %arg9[%swap3A_208, %swap3A_209], %mul3A_207 {strides = array<i32>} : memref<224x2048xf32, #tpu.memory_space<vmem>>, vector<32x2048xf32>,
    %mul3A_211 = vector.broadcast %mul3A_107 : vector<1x2048xf32> to vector<32x2048xf32>
    %mul3A_212 = arith.mulf %sin3A, %mul3A_211 : vector<32x2048xf32>
    %swap3A_213 = arith.constant 32 : index
    %swap3A_214 = arith.constant 0 : index
    %swap3A_215 = vector.load %arg9[%swap3A_213, %swap3A_214] : memref<224x2048xf32, #tpu.memory_space<vmem>>, vector<32x2048xf32>
    tpu.vector_store %arg9[%swap3A_213, %swap3A_214], %mul3A_212 {strides = array<i32>} : memref<224x2048xf32, #tpu.memory_space<vmem>>, vector<32x2048xf32>,
    %mul3A_216 = vector.broadcast %mul3A_118 : vector<1x2048xf32> to vector<32x2048xf32>
    %mul3A_217 = arith.mulf %sin3A, %mul3A_216 : vector<32x2048xf32>
    %swap3A_218 = arith.constant 64 : index
    %swap3A_219 = arith.constant 0 : index
    %swap3A_220 = vector.load %arg9[%swap3A_218, %swap3A_219] : memref<224x2048xf32, #tpu.memory_space<vmem>>, vector<32x2048xf32>
    tpu.vector_store %arg9[%swap3A_218, %swap3A_219], %mul3A_217 {strides = array<i32>} : memref<224x2048xf32, #tpu.memory_space<vmem>>, vector<32x2048xf32>,
    %mul3A_221 = vector.broadcast %mul3A_129 : vector<1x2048xf32> to vector<32x2048xf32>
    %mul3A_222 = arith.mulf %sin3A, %mul3A_221 : vector<32x2048xf32>
    %swap3A_223 = arith.constant 96 : index
    %swap3A_224 = arith.constant 0 : index
    %swap3A_225 = vector.load %arg9[%swap3A_223, %swap3A_224] : memref<224x2048xf32, #tpu.memory_space<vmem>>, vector<32x2048xf32>
    tpu.vector_store %arg9[%swap3A_223, %swap3A_224], %mul3A_222 {strides = array<i32>} : memref<224x2048xf32, #tpu.memory_space<vmem>>, vector<32x2048xf32>,
    %mul3A_226 = vector.broadcast %mul3A_140 : vector<1x2048xf32> to vector<32x2048xf32>
    %mul3A_227 = arith.mulf %sin3A, %mul3A_226 : vector<32x2048xf32>
    %swap3A_228 = arith.constant 128 : index
    %swap3A_229 = arith.constant 0 : index
    %swap3A_230 = vector.load %arg9[%swap3A_228, %swap3A_229] : memref<224x2048xf32, #tpu.memory_space<vmem>>, vector<32x2048xf32>
    tpu.vector_store %arg9[%swap3A_228, %swap3A_229], %mul3A_227 {strides = array<i32>} : memref<224x2048xf32, #tpu.memory_space<vmem>>, vector<32x2048xf32>,
    %mul3A_231 = vector.broadcast %mul3A_146 : vector<1x2048xf32> to vector<32x2048xf32>
    %mul3A_232 = arith.mulf %sin3A, %mul3A_231 : vector<32x2048xf32>
    %swap3A_233 = arith.constant 160 : index
    %swap3A_234 = arith.constant 0 : index
    %swap3A_235 = vector.load %arg9[%swap3A_233, %swap3A_234] : memref<224x2048xf32, #tpu.memory_space<vmem>>, vector<32x2048xf32>
    tpu.vector_store %arg9[%swap3A_233, %swap3A_234], %mul3A_232 {strides = array<i32>} : memref<224x2048xf32, #tpu.memory_space<vmem>>, vector<32x2048xf32>,
    %mul3A_236 = vector.broadcast %mul3A_152 : vector<1x2048xf32> to vector<32x2048xf32>
    %mul3A_237 = arith.mulf %sin3A, %mul3A_236 : vector<32x2048xf32>
    %swap3A_238 = arith.constant 192 : index
    %swap3A_239 = arith.constant 0 : index
    %swap3A_240 = vector.load %arg9[%swap3A_238, %swap3A_239] : memref<224x2048xf32, #tpu.memory_space<vmem>>, vector<32x2048xf32>
    tpu.vector_store %arg9[%swap3A_238, %swap3A_239], %mul3A_237 {strides = array<i32>} : memref<224x2048xf32, #tpu.memory_space<vmem>>, vector<32x2048xf32>,
    return
  }
  func.func @transform_0(%arg0: i32) -> (i32, i32) {
    %c0_i32 = arith.constant 0 : i32
    %c0_i32_0 = arith.constant 0 : i32
    return %c0_i32, %arg0 : i32, i32
  }
  func.func @transform_5(%arg0: i32) -> (i32, i32) {
    %add3A = arith.constant 128 : i32
    %add3A_0 = arith.addi %arg0, %add3A : i32
    %c0_i32 = arith.constant 0 : i32
    %c0_i32_1 = arith.constant 0 : i32
    return %c0_i32, %add3A_0 : i32, i32
  }
  func.func @transform_6(%arg0: i32) -> (i32, i32) {
    %add3A = arith.constant 128 : i32
    %add3A_0 = arith.addi %arg0, %add3A : i32
    %c0_i32 = arith.constant 0 : i32
    %c0_i32_1 = arith.constant 0 : i32
    return %c0_i32, %add3A_0 : i32, i32
  }
  func.func @transform_7(%arg0: i32) -> (i32, i32) {
    %add3A = arith.constant 128 : i32
    %add3A_0 = arith.addi %arg0, %add3A : i32
    %c0_i32 = arith.constant 0 : i32
    %c0_i32_1 = arith.constant 0 : i32
    return %c0_i32, %add3A_0 : i32, i32
  }
  func.func @transform_8(%arg0: i32) -> (i32, i32) {
    %add3A = arith.constant 128 : i32
    %add3A_0 = arith.addi %arg0, %add3A : i32
    %c0_i32 = arith.constant 0 : i32
    %c0_i32_1 = arith.constant 0 : i32
    return %c0_i32, %add3A_0 : i32, i32
  }
}

module attributes {stable_mosaic.version = 14 : i64} {
  func.func @_tc_body_alias(%arg0: i32, %arg1: memref<3x1280xf32, #tpu.memory_space<vmem>>, %arg2: memref<32x640000xf32, #tpu.memory_space<any>>, %arg3: memref<96x640000xf32, #tpu.memory_space<any>>, %arg4: memref<160x640000xf32, #tpu.memory_space<any>>, %arg5: memref<224x640000xf32, #tpu.memory_space<any>>, %arg6: memref<32x1280xf32, #tpu.memory_space<vmem>>, %arg7: memref<96x1280xf32, #tpu.memory_space<vmem>>, %arg8: memref<160x1280xf32, #tpu.memory_space<vmem>>, %arg9: memref<224x1280xf32, #tpu.memory_space<vmem>>) attributes {dimension_semantics = [#tpu.dimension_semantics<arbitrary>], iteration_bounds = array<i64: 148>, scalar_prefetch = 0 : i64, scratch_operands = 0 : i64, tpu.core_type = #tpu.core_type<tc>, window_params = [{transform_indices = @transform_0, window_bounds = array<i64: 3, 1280>}, {}, {}, {}, {}, {transform_indices = @transform_5, window_bounds = array<i64: 32, 1280>}, {transform_indices = @transform_6, window_bounds = array<i64: 96, 1280>}, {transform_indices = @transform_7, window_bounds = array<i64: 160, 1280>}, {transform_indices = @transform_8, window_bounds = array<i64: 224, 1280>}]} {
    %get3A = arith.constant 0 : index
    %get3A_0 = arith.constant 0 : index
    %get3A_1 = vector.load %arg1[%get3A, %get3A_0] : memref<3x1280xf32, #tpu.memory_space<vmem>>, vector<3x1280xf32>
    %slice3A = vector.extract_strided_slice %get3A_1 {offsets = [0, 0], sizes = [1, 1280], strides = [1, 1]} : vector<3x1280xf32> to vector<1x1280xf32>
    %slice3A_2 = vector.extract_strided_slice %get3A_1 {offsets = [1, 0], sizes = [1, 1280], strides = [1, 1]} : vector<3x1280xf32> to vector<1x1280xf32>
    %slice3A_3 = vector.extract_strided_slice %get3A_1 {offsets = [2, 0], sizes = [1, 1280], strides = [1, 1]} : vector<3x1280xf32> to vector<1x1280xf32>
    %mul3A = arith.mulf %slice3A, %slice3A : vector<1x1280xf32>
    %mul3A_4 = arith.mulf %slice3A_2, %slice3A_2 : vector<1x1280xf32>
    %add3A = arith.addf %mul3A, %mul3A_4 : vector<1x1280xf32>
    %mul3A_5 = arith.mulf %slice3A_3, %slice3A_3 : vector<1x1280xf32>
    %add3A_6 = arith.addf %add3A, %mul3A_5 : vector<1x1280xf32>
    %add3A_7 = arith.constant 9.99999996E-13 : f32
    %add3A_8 = vector.broadcast %add3A_7 : f32 to vector<1x1280xf32>
    %add3A_9 = arith.addf %add3A_6, %add3A_8 : vector<1x1280xf32>
    %sqrt3A = math.sqrt %add3A_9 : vector<1x1280xf32>
    %div3A = arith.constant 1.000000e+00 : f32
    %div3A_10 = vector.broadcast %div3A : f32 to vector<1x1280xf32>
    %div3A_11 = arith.divf %div3A_10, %sqrt3A : vector<1x1280xf32>
    %add3A_12 = arith.constant 9.99999996E-13 : f32
    %add3A_13 = vector.broadcast %add3A_12 : f32 to vector<1x1280xf32>
    %add3A_14 = arith.addf %sqrt3A, %add3A_13 : vector<1x1280xf32>
    %div3A_15 = arith.constant 0.632455527 : f32
    %div3A_16 = vector.broadcast %div3A_15 : f32 to vector<1x1280xf32>
    %div3A_17 = arith.divf %div3A_16, %add3A_14 : vector<1x1280xf32>
    %mul3A_18 = arith.constant 2.000000e-01 : f32
    %mul3A_19 = vector.broadcast %mul3A_18 : f32 to vector<1x1280xf32>
    %mul3A_20 = arith.mulf %sqrt3A, %mul3A_19 : vector<1x1280xf32>
    %min3A = arith.constant 1.000000e+00 : f32
    %min3A_21 = vector.broadcast %min3A : f32 to vector<1x1280xf32>
    %min3A_22 = arith.minimumf %mul3A_20, %min3A_21 : vector<1x1280xf32>
    %mul3A_23 = arith.constant 3.14159274 : f32
    %mul3A_24 = vector.broadcast %mul3A_23 : f32 to vector<1x1280xf32>
    %mul3A_25 = arith.mulf %mul3A_24, %min3A_22 : vector<1x1280xf32>
    %cos3A = math.cos %mul3A_25 : vector<1x1280xf32>
    %mul3A_26 = arith.constant 5.000000e-01 : f32
    %mul3A_27 = vector.broadcast %mul3A_26 : f32 to vector<1x1280xf32>
    %mul3A_28 = arith.mulf %mul3A_27, %cos3A : vector<1x1280xf32>
    %add3A_29 = arith.constant 5.000000e-01 : f32
    %add3A_30 = vector.broadcast %add3A_29 : f32 to vector<1x1280xf32>
    %add3A_31 = arith.addf %mul3A_28, %add3A_30 : vector<1x1280xf32>
    %mul3A_32 = arith.constant 2.000000e-01 : f32
    %mul3A_33 = vector.broadcast %mul3A_32 : f32 to vector<1x1280xf32>
    %mul3A_34 = arith.mulf %sqrt3A, %mul3A_33 : vector<1x1280xf32>
    %jit3A = arith.constant 9.99999996E-13 : f32
    %jit3A_35 = arith.constant 1.000000e+00 : f32
    %max3A = vector.broadcast %jit3A : f32 to vector<1x1280xf32>
    %max3A_36 = arith.maximumf %max3A, %mul3A_34 : vector<1x1280xf32>
    %min3A_37 = vector.broadcast %jit3A_35 : f32 to vector<1x1280xf32>
    %min3A_38 = arith.minimumf %min3A_37, %max3A_36 : vector<1x1280xf32>
    %mul3A_39 = arith.mulf %add3A_31, %div3A_17 : vector<1x1280xf32>
    %mul3A_40 = arith.mulf %mul3A_39, %min3A_38 : vector<1x1280xf32>
    %mul3A_41 = arith.mulf %mul3A_40, %min3A_38 : vector<1x1280xf32>
    %mul3A_42 = arith.mulf %mul3A_41, %min3A_38 : vector<1x1280xf32>
    %mul3A_43 = arith.mulf %slice3A, %div3A_11 : vector<1x1280xf32>
    %mul3A_44 = arith.mulf %slice3A_2, %div3A_11 : vector<1x1280xf32>
    %mul3A_45 = arith.mulf %slice3A_3, %div3A_11 : vector<1x1280xf32>
    %mul3A_46 = arith.mulf %mul3A_43, %mul3A_43 : vector<1x1280xf32>
    %mul3A_47 = arith.mulf %mul3A_44, %mul3A_44 : vector<1x1280xf32>
    %mul3A_48 = arith.mulf %mul3A_45, %mul3A_45 : vector<1x1280xf32>
    %mul3A_49 = arith.constant 0.282094806 : f32
    %mul3A_50 = vector.broadcast %mul3A_49 : f32 to vector<1x1280xf32>
    %mul3A_51 = arith.mulf %mul3A_39, %mul3A_50 : vector<1x1280xf32>
    %mul3A_52 = arith.constant 0.488602519 : f32
    %mul3A_53 = vector.broadcast %mul3A_52 : f32 to vector<1x1280xf32>
    %mul3A_54 = arith.mulf %mul3A_53, %mul3A_44 : vector<1x1280xf32>
    %mul3A_55 = arith.mulf %mul3A_40, %mul3A_54 : vector<1x1280xf32>
    %mul3A_56 = arith.constant 0.488602519 : f32
    %mul3A_57 = vector.broadcast %mul3A_56 : f32 to vector<1x1280xf32>
    %mul3A_58 = arith.mulf %mul3A_57, %mul3A_45 : vector<1x1280xf32>
    %mul3A_59 = arith.mulf %mul3A_40, %mul3A_58 : vector<1x1280xf32>
    %mul3A_60 = arith.constant 0.488602519 : f32
    %mul3A_61 = vector.broadcast %mul3A_60 : f32 to vector<1x1280xf32>
    %mul3A_62 = arith.mulf %mul3A_61, %mul3A_43 : vector<1x1280xf32>
    %mul3A_63 = arith.mulf %mul3A_40, %mul3A_62 : vector<1x1280xf32>
    %mul3A_64 = arith.constant 1.09254849 : f32
    %mul3A_65 = vector.broadcast %mul3A_64 : f32 to vector<1x1280xf32>
    %mul3A_66 = arith.mulf %mul3A_65, %mul3A_43 : vector<1x1280xf32>
    %mul3A_67 = arith.mulf %mul3A_66, %mul3A_44 : vector<1x1280xf32>
    %mul3A_68 = arith.mulf %mul3A_41, %mul3A_67 : vector<1x1280xf32>
    %mul3A_69 = arith.constant 1.09254849 : f32
    %mul3A_70 = vector.broadcast %mul3A_69 : f32 to vector<1x1280xf32>
    %mul3A_71 = arith.mulf %mul3A_70, %mul3A_44 : vector<1x1280xf32>
    %mul3A_72 = arith.mulf %mul3A_71, %mul3A_45 : vector<1x1280xf32>
    %mul3A_73 = arith.mulf %mul3A_41, %mul3A_72 : vector<1x1280xf32>
    %mul3A_74 = arith.constant 3.000000e+00 : f32
    %mul3A_75 = vector.broadcast %mul3A_74 : f32 to vector<1x1280xf32>
    %mul3A_76 = arith.mulf %mul3A_75, %mul3A_48 : vector<1x1280xf32>
    %sub3A = arith.constant 1.000000e+00 : f32
    %sub3A_77 = vector.broadcast %sub3A : f32 to vector<1x1280xf32>
    %sub3A_78 = arith.subf %mul3A_76, %sub3A_77 : vector<1x1280xf32>
    %mul3A_79 = arith.constant 0.31539157 : f32
    %mul3A_80 = vector.broadcast %mul3A_79 : f32 to vector<1x1280xf32>
    %mul3A_81 = arith.mulf %mul3A_80, %sub3A_78 : vector<1x1280xf32>
    %mul3A_82 = arith.mulf %mul3A_41, %mul3A_81 : vector<1x1280xf32>
    %mul3A_83 = arith.constant 1.09254849 : f32
    %mul3A_84 = vector.broadcast %mul3A_83 : f32 to vector<1x1280xf32>
    %mul3A_85 = arith.mulf %mul3A_84, %mul3A_43 : vector<1x1280xf32>
    %mul3A_86 = arith.mulf %mul3A_85, %mul3A_45 : vector<1x1280xf32>
    %mul3A_87 = arith.mulf %mul3A_41, %mul3A_86 : vector<1x1280xf32>
    %sub3A_88 = arith.subf %mul3A_46, %mul3A_47 : vector<1x1280xf32>
    %mul3A_89 = arith.constant 0.546274245 : f32
    %mul3A_90 = vector.broadcast %mul3A_89 : f32 to vector<1x1280xf32>
    %mul3A_91 = arith.mulf %mul3A_90, %sub3A_88 : vector<1x1280xf32>
    %mul3A_92 = arith.mulf %mul3A_41, %mul3A_91 : vector<1x1280xf32>
    %mul3A_93 = arith.constant 0.590043604 : f32
    %mul3A_94 = vector.broadcast %mul3A_93 : f32 to vector<1x1280xf32>
    %mul3A_95 = arith.mulf %mul3A_94, %mul3A_44 : vector<1x1280xf32>
    %mul3A_96 = arith.constant 3.000000e+00 : f32
    %mul3A_97 = vector.broadcast %mul3A_96 : f32 to vector<1x1280xf32>
    %mul3A_98 = arith.mulf %mul3A_97, %mul3A_46 : vector<1x1280xf32>
    %sub3A_99 = arith.subf %mul3A_98, %mul3A_47 : vector<1x1280xf32>
    %mul3A_100 = arith.mulf %mul3A_95, %sub3A_99 : vector<1x1280xf32>
    %mul3A_101 = arith.mulf %mul3A_42, %mul3A_100 : vector<1x1280xf32>
    %mul3A_102 = arith.constant 2.89061141 : f32
    %mul3A_103 = vector.broadcast %mul3A_102 : f32 to vector<1x1280xf32>
    %mul3A_104 = arith.mulf %mul3A_103, %mul3A_43 : vector<1x1280xf32>
    %mul3A_105 = arith.mulf %mul3A_104, %mul3A_44 : vector<1x1280xf32>
    %mul3A_106 = arith.mulf %mul3A_105, %mul3A_45 : vector<1x1280xf32>
    %mul3A_107 = arith.mulf %mul3A_42, %mul3A_106 : vector<1x1280xf32>
    %mul3A_108 = arith.constant 0.457045794 : f32
    %mul3A_109 = vector.broadcast %mul3A_108 : f32 to vector<1x1280xf32>
    %mul3A_110 = arith.mulf %mul3A_109, %mul3A_44 : vector<1x1280xf32>
    %mul3A_111 = arith.constant 5.000000e+00 : f32
    %mul3A_112 = vector.broadcast %mul3A_111 : f32 to vector<1x1280xf32>
    %mul3A_113 = arith.mulf %mul3A_112, %mul3A_48 : vector<1x1280xf32>
    %sub3A_114 = arith.constant 1.000000e+00 : f32
    %sub3A_115 = vector.broadcast %sub3A_114 : f32 to vector<1x1280xf32>
    %sub3A_116 = arith.subf %mul3A_113, %sub3A_115 : vector<1x1280xf32>
    %mul3A_117 = arith.mulf %mul3A_110, %sub3A_116 : vector<1x1280xf32>
    %mul3A_118 = arith.mulf %mul3A_42, %mul3A_117 : vector<1x1280xf32>
    %mul3A_119 = arith.constant 0.373176336 : f32
    %mul3A_120 = vector.broadcast %mul3A_119 : f32 to vector<1x1280xf32>
    %mul3A_121 = arith.mulf %mul3A_120, %mul3A_45 : vector<1x1280xf32>
    %mul3A_122 = arith.constant 5.000000e+00 : f32
    %mul3A_123 = vector.broadcast %mul3A_122 : f32 to vector<1x1280xf32>
    %mul3A_124 = arith.mulf %mul3A_123, %mul3A_48 : vector<1x1280xf32>
    %sub3A_125 = arith.constant 3.000000e+00 : f32
    %sub3A_126 = vector.broadcast %sub3A_125 : f32 to vector<1x1280xf32>
    %sub3A_127 = arith.subf %mul3A_124, %sub3A_126 : vector<1x1280xf32>
    %mul3A_128 = arith.mulf %mul3A_121, %sub3A_127 : vector<1x1280xf32>
    %mul3A_129 = arith.mulf %mul3A_42, %mul3A_128 : vector<1x1280xf32>
    %mul3A_130 = arith.constant 0.457045794 : f32
    %mul3A_131 = vector.broadcast %mul3A_130 : f32 to vector<1x1280xf32>
    %mul3A_132 = arith.mulf %mul3A_131, %mul3A_43 : vector<1x1280xf32>
    %mul3A_133 = arith.constant 5.000000e+00 : f32
    %mul3A_134 = vector.broadcast %mul3A_133 : f32 to vector<1x1280xf32>
    %mul3A_135 = arith.mulf %mul3A_134, %mul3A_48 : vector<1x1280xf32>
    %sub3A_136 = arith.constant 1.000000e+00 : f32
    %sub3A_137 = vector.broadcast %sub3A_136 : f32 to vector<1x1280xf32>
    %sub3A_138 = arith.subf %mul3A_135, %sub3A_137 : vector<1x1280xf32>
    %mul3A_139 = arith.mulf %mul3A_132, %sub3A_138 : vector<1x1280xf32>
    %mul3A_140 = arith.mulf %mul3A_42, %mul3A_139 : vector<1x1280xf32>
    %mul3A_141 = arith.constant 1.44530571 : f32
    %mul3A_142 = vector.broadcast %mul3A_141 : f32 to vector<1x1280xf32>
    %mul3A_143 = arith.mulf %mul3A_142, %mul3A_45 : vector<1x1280xf32>
    %sub3A_144 = arith.subf %mul3A_46, %mul3A_47 : vector<1x1280xf32>
    %mul3A_145 = arith.mulf %mul3A_143, %sub3A_144 : vector<1x1280xf32>
    %mul3A_146 = arith.mulf %mul3A_42, %mul3A_145 : vector<1x1280xf32>
    %mul3A_147 = arith.constant 0.590043604 : f32
    %mul3A_148 = vector.broadcast %mul3A_147 : f32 to vector<1x1280xf32>
    %mul3A_149 = arith.mulf %mul3A_148, %mul3A_43 : vector<1x1280xf32>
    %sub3A_150 = arith.subf %mul3A_46, %mul3A_47 : vector<1x1280xf32>
    %mul3A_151 = arith.mulf %mul3A_149, %sub3A_150 : vector<1x1280xf32>
    %mul3A_152 = arith.mulf %mul3A_42, %mul3A_151 : vector<1x1280xf32>
    %mul3A_153 = arith.constant 0.628318548 : f32
    %mul3A_154 = vector.broadcast %mul3A_153 : f32 to vector<1x1280xf32>
    %mul3A_155 = arith.mulf %sqrt3A, %mul3A_154 : vector<1x1280xf32>
    %iota3A = tpu.iota {dimensions = array<i32: 0>} : vector<32x1xi32>
    %add3A_156 = arith.constant 1 : i32
    %add3A_157 = vector.broadcast %add3A_156 : i32 to vector<32x1xi32>
    %add3A_158 = arith.addi %iota3A, %add3A_157 : vector<32x1xi32>
    %convert_element_type3A = arith.sitofp %add3A_158 : vector<32x1xi32> to vector<32x1xf32>
    %mul3A_159 = vector.broadcast %convert_element_type3A : vector<32x1xf32> to vector<32x1280xf32>
    %mul3A_160 = vector.broadcast %mul3A_155 : vector<1x1280xf32> to vector<32x1280xf32>
    %mul3A_161 = arith.mulf %mul3A_159, %mul3A_160 : vector<32x1280xf32>
    %sin3A = math.sin %mul3A_161 : vector<32x1280xf32>
    %mul3A_162 = vector.broadcast %mul3A_51 : vector<1x1280xf32> to vector<32x1280xf32>
    %mul3A_163 = arith.mulf %sin3A, %mul3A_162 : vector<32x1280xf32>
    %swap3A = arith.constant 0 : index
    %swap3A_164 = arith.constant 0 : index
    %swap3A_165 = vector.load %arg6[%swap3A, %swap3A_164] : memref<32x1280xf32, #tpu.memory_space<vmem>>, vector<32x1280xf32>
    tpu.vector_store %arg6[%swap3A, %swap3A_164], %mul3A_163 {strides = array<i32>} : memref<32x1280xf32, #tpu.memory_space<vmem>>, vector<32x1280xf32>,
    %mul3A_166 = vector.broadcast %mul3A_55 : vector<1x1280xf32> to vector<32x1280xf32>
    %mul3A_167 = arith.mulf %sin3A, %mul3A_166 : vector<32x1280xf32>
    %swap3A_168 = arith.constant 0 : index
    %swap3A_169 = arith.constant 0 : index
    %swap3A_170 = vector.load %arg7[%swap3A_168, %swap3A_169] : memref<96x1280xf32, #tpu.memory_space<vmem>>, vector<32x1280xf32>
    tpu.vector_store %arg7[%swap3A_168, %swap3A_169], %mul3A_167 {strides = array<i32>} : memref<96x1280xf32, #tpu.memory_space<vmem>>, vector<32x1280xf32>,
    %mul3A_171 = vector.broadcast %mul3A_59 : vector<1x1280xf32> to vector<32x1280xf32>
    %mul3A_172 = arith.mulf %sin3A, %mul3A_171 : vector<32x1280xf32>
    %swap3A_173 = arith.constant 32 : index
    %swap3A_174 = arith.constant 0 : index
    %swap3A_175 = vector.load %arg7[%swap3A_173, %swap3A_174] : memref<96x1280xf32, #tpu.memory_space<vmem>>, vector<32x1280xf32>
    tpu.vector_store %arg7[%swap3A_173, %swap3A_174], %mul3A_172 {strides = array<i32>} : memref<96x1280xf32, #tpu.memory_space<vmem>>, vector<32x1280xf32>,
    %mul3A_176 = vector.broadcast %mul3A_63 : vector<1x1280xf32> to vector<32x1280xf32>
    %mul3A_177 = arith.mulf %sin3A, %mul3A_176 : vector<32x1280xf32>
    %swap3A_178 = arith.constant 64 : index
    %swap3A_179 = arith.constant 0 : index
    %swap3A_180 = vector.load %arg7[%swap3A_178, %swap3A_179] : memref<96x1280xf32, #tpu.memory_space<vmem>>, vector<32x1280xf32>
    tpu.vector_store %arg7[%swap3A_178, %swap3A_179], %mul3A_177 {strides = array<i32>} : memref<96x1280xf32, #tpu.memory_space<vmem>>, vector<32x1280xf32>,
    %mul3A_181 = vector.broadcast %mul3A_68 : vector<1x1280xf32> to vector<32x1280xf32>
    %mul3A_182 = arith.mulf %sin3A, %mul3A_181 : vector<32x1280xf32>
    %swap3A_183 = arith.constant 0 : index
    %swap3A_184 = arith.constant 0 : index
    %swap3A_185 = vector.load %arg8[%swap3A_183, %swap3A_184] : memref<160x1280xf32, #tpu.memory_space<vmem>>, vector<32x1280xf32>
    tpu.vector_store %arg8[%swap3A_183, %swap3A_184], %mul3A_182 {strides = array<i32>} : memref<160x1280xf32, #tpu.memory_space<vmem>>, vector<32x1280xf32>,
    %mul3A_186 = vector.broadcast %mul3A_73 : vector<1x1280xf32> to vector<32x1280xf32>
    %mul3A_187 = arith.mulf %sin3A, %mul3A_186 : vector<32x1280xf32>
    %swap3A_188 = arith.constant 32 : index
    %swap3A_189 = arith.constant 0 : index
    %swap3A_190 = vector.load %arg8[%swap3A_188, %swap3A_189] : memref<160x1280xf32, #tpu.memory_space<vmem>>, vector<32x1280xf32>
    tpu.vector_store %arg8[%swap3A_188, %swap3A_189], %mul3A_187 {strides = array<i32>} : memref<160x1280xf32, #tpu.memory_space<vmem>>, vector<32x1280xf32>,
    %mul3A_191 = vector.broadcast %mul3A_82 : vector<1x1280xf32> to vector<32x1280xf32>
    %mul3A_192 = arith.mulf %sin3A, %mul3A_191 : vector<32x1280xf32>
    %swap3A_193 = arith.constant 64 : index
    %swap3A_194 = arith.constant 0 : index
    %swap3A_195 = vector.load %arg8[%swap3A_193, %swap3A_194] : memref<160x1280xf32, #tpu.memory_space<vmem>>, vector<32x1280xf32>
    tpu.vector_store %arg8[%swap3A_193, %swap3A_194], %mul3A_192 {strides = array<i32>} : memref<160x1280xf32, #tpu.memory_space<vmem>>, vector<32x1280xf32>,
    %mul3A_196 = vector.broadcast %mul3A_87 : vector<1x1280xf32> to vector<32x1280xf32>
    %mul3A_197 = arith.mulf %sin3A, %mul3A_196 : vector<32x1280xf32>
    %swap3A_198 = arith.constant 96 : index
    %swap3A_199 = arith.constant 0 : index
    %swap3A_200 = vector.load %arg8[%swap3A_198, %swap3A_199] : memref<160x1280xf32, #tpu.memory_space<vmem>>, vector<32x1280xf32>
    tpu.vector_store %arg8[%swap3A_198, %swap3A_199], %mul3A_197 {strides = array<i32>} : memref<160x1280xf32, #tpu.memory_space<vmem>>, vector<32x1280xf32>,
    %mul3A_201 = vector.broadcast %mul3A_92 : vector<1x1280xf32> to vector<32x1280xf32>
    %mul3A_202 = arith.mulf %sin3A, %mul3A_201 : vector<32x1280xf32>
    %swap3A_203 = arith.constant 128 : index
    %swap3A_204 = arith.constant 0 : index
    %swap3A_205 = vector.load %arg8[%swap3A_203, %swap3A_204] : memref<160x1280xf32, #tpu.memory_space<vmem>>, vector<32x1280xf32>
    tpu.vector_store %arg8[%swap3A_203, %swap3A_204], %mul3A_202 {strides = array<i32>} : memref<160x1280xf32, #tpu.memory_space<vmem>>, vector<32x1280xf32>,
    %mul3A_206 = vector.broadcast %mul3A_101 : vector<1x1280xf32> to vector<32x1280xf32>
    %mul3A_207 = arith.mulf %sin3A, %mul3A_206 : vector<32x1280xf32>
    %swap3A_208 = arith.constant 0 : index
    %swap3A_209 = arith.constant 0 : index
    %swap3A_210 = vector.load %arg9[%swap3A_208, %swap3A_209] : memref<224x1280xf32, #tpu.memory_space<vmem>>, vector<32x1280xf32>
    tpu.vector_store %arg9[%swap3A_208, %swap3A_209], %mul3A_207 {strides = array<i32>} : memref<224x1280xf32, #tpu.memory_space<vmem>>, vector<32x1280xf32>,
    %mul3A_211 = vector.broadcast %mul3A_107 : vector<1x1280xf32> to vector<32x1280xf32>
    %mul3A_212 = arith.mulf %sin3A, %mul3A_211 : vector<32x1280xf32>
    %swap3A_213 = arith.constant 32 : index
    %swap3A_214 = arith.constant 0 : index
    %swap3A_215 = vector.load %arg9[%swap3A_213, %swap3A_214] : memref<224x1280xf32, #tpu.memory_space<vmem>>, vector<32x1280xf32>
    tpu.vector_store %arg9[%swap3A_213, %swap3A_214], %mul3A_212 {strides = array<i32>} : memref<224x1280xf32, #tpu.memory_space<vmem>>, vector<32x1280xf32>,
    %mul3A_216 = vector.broadcast %mul3A_118 : vector<1x1280xf32> to vector<32x1280xf32>
    %mul3A_217 = arith.mulf %sin3A, %mul3A_216 : vector<32x1280xf32>
    %swap3A_218 = arith.constant 64 : index
    %swap3A_219 = arith.constant 0 : index
    %swap3A_220 = vector.load %arg9[%swap3A_218, %swap3A_219] : memref<224x1280xf32, #tpu.memory_space<vmem>>, vector<32x1280xf32>
    tpu.vector_store %arg9[%swap3A_218, %swap3A_219], %mul3A_217 {strides = array<i32>} : memref<224x1280xf32, #tpu.memory_space<vmem>>, vector<32x1280xf32>,
    %mul3A_221 = vector.broadcast %mul3A_129 : vector<1x1280xf32> to vector<32x1280xf32>
    %mul3A_222 = arith.mulf %sin3A, %mul3A_221 : vector<32x1280xf32>
    %swap3A_223 = arith.constant 96 : index
    %swap3A_224 = arith.constant 0 : index
    %swap3A_225 = vector.load %arg9[%swap3A_223, %swap3A_224] : memref<224x1280xf32, #tpu.memory_space<vmem>>, vector<32x1280xf32>
    tpu.vector_store %arg9[%swap3A_223, %swap3A_224], %mul3A_222 {strides = array<i32>} : memref<224x1280xf32, #tpu.memory_space<vmem>>, vector<32x1280xf32>,
    %mul3A_226 = vector.broadcast %mul3A_140 : vector<1x1280xf32> to vector<32x1280xf32>
    %mul3A_227 = arith.mulf %sin3A, %mul3A_226 : vector<32x1280xf32>
    %swap3A_228 = arith.constant 128 : index
    %swap3A_229 = arith.constant 0 : index
    %swap3A_230 = vector.load %arg9[%swap3A_228, %swap3A_229] : memref<224x1280xf32, #tpu.memory_space<vmem>>, vector<32x1280xf32>
    tpu.vector_store %arg9[%swap3A_228, %swap3A_229], %mul3A_227 {strides = array<i32>} : memref<224x1280xf32, #tpu.memory_space<vmem>>, vector<32x1280xf32>,
    %mul3A_231 = vector.broadcast %mul3A_146 : vector<1x1280xf32> to vector<32x1280xf32>
    %mul3A_232 = arith.mulf %sin3A, %mul3A_231 : vector<32x1280xf32>
    %swap3A_233 = arith.constant 160 : index
    %swap3A_234 = arith.constant 0 : index
    %swap3A_235 = vector.load %arg9[%swap3A_233, %swap3A_234] : memref<224x1280xf32, #tpu.memory_space<vmem>>, vector<32x1280xf32>
    tpu.vector_store %arg9[%swap3A_233, %swap3A_234], %mul3A_232 {strides = array<i32>} : memref<224x1280xf32, #tpu.memory_space<vmem>>, vector<32x1280xf32>,
    %mul3A_236 = vector.broadcast %mul3A_152 : vector<1x1280xf32> to vector<32x1280xf32>
    %mul3A_237 = arith.mulf %sin3A, %mul3A_236 : vector<32x1280xf32>
    %swap3A_238 = arith.constant 192 : index
    %swap3A_239 = arith.constant 0 : index
    %swap3A_240 = vector.load %arg9[%swap3A_238, %swap3A_239] : memref<224x1280xf32, #tpu.memory_space<vmem>>, vector<32x1280xf32>
    tpu.vector_store %arg9[%swap3A_238, %swap3A_239], %mul3A_237 {strides = array<i32>} : memref<224x1280xf32, #tpu.memory_space<vmem>>, vector<32x1280xf32>,
    return
  }
  func.func @transform_0(%arg0: i32) -> (i32, i32) {
    %c0_i32 = arith.constant 0 : i32
    %c0_i32_0 = arith.constant 0 : i32
    return %c0_i32, %arg0 : i32, i32
  }
  func.func @transform_5(%arg0: i32) -> (i32, i32) {
    %add3A = arith.constant 352 : i32
    %add3A_0 = arith.addi %arg0, %add3A : i32
    %c0_i32 = arith.constant 0 : i32
    %c0_i32_1 = arith.constant 0 : i32
    return %c0_i32, %add3A_0 : i32, i32
  }
  func.func @transform_6(%arg0: i32) -> (i32, i32) {
    %add3A = arith.constant 352 : i32
    %add3A_0 = arith.addi %arg0, %add3A : i32
    %c0_i32 = arith.constant 0 : i32
    %c0_i32_1 = arith.constant 0 : i32
    return %c0_i32, %add3A_0 : i32, i32
  }
  func.func @transform_7(%arg0: i32) -> (i32, i32) {
    %add3A = arith.constant 352 : i32
    %add3A_0 = arith.addi %arg0, %add3A : i32
    %c0_i32 = arith.constant 0 : i32
    %c0_i32_1 = arith.constant 0 : i32
    return %c0_i32, %add3A_0 : i32, i32
  }
  func.func @transform_8(%arg0: i32) -> (i32, i32) {
    %add3A = arith.constant 352 : i32
    %add3A_0 = arith.addi %arg0, %add3A : i32
    %c0_i32 = arith.constant 0 : i32
    %c0_i32_1 = arith.constant 0 : i32
    return %c0_i32, %add3A_0 : i32, i32
  }
}

</mosaic_0001>

<sc_bundles>
// kernel: kernel.10.cloned.1.call-start
scs
__scs_entry_jumppad:
0x0: {  	(pc) =	sbr.rel $0x88, $3  }
0x1: {  	(tag) =	ssettag $0x0;
	lr =	simm.s32 $0x1  }
0x2: {  	[smem:$0x3F9F] =	sst lr;
	_ =	strace $0xD0000000  }
0x3: {  	_ = 	snop  }
0x4: {  	_ = 	snop  }
0x5: {  	_ = 	snop  }
0x6: {  	_ = 	snop  }
0x7: {  	_ = 	snop  }
__scs_overlays_trampoline_lowered:
0x8: {  	[smem:$0x3FAE] =	sst s0  }
0x9: {  	[smem:$0x3FAF] =	sst s1  }
0xa: {  	[smem:$0x3FB0] =	sst s2  }
0xb: {  	[smem:$0x3FB1] =	sst s3  }
0xc: {  	[smem:$0x3FB2] =	sst s4  }
0xd: {  	[smem:$0x3FB3] =	sst s5  }
0xe: {  	[smem:$0x3FB4] =	sst s6  }
0xf: {  	[smem:$0x3FB5] =	sst s7  }
0x10: {  	[smem:$0x3FB6] =	sst s8  }
0x11: {  	[smem:$0x3FB7] =	sst s9;
	s0 =	simm.s32 @!p0 $0x0  }
0x12: {  	s1 =	sld [smem:$0x3F9D];
	s0 =	simm.s32 @p0 $0x1  }
0x13: {  	[smem:$0x3FB8] =	sst s0;
	s0 =	simm.s32 @!p1 $0x0  }
0x14: {  	s2 =	sld [smem:$0x3F9C];
	s0 =	simm.s32 @p1 $0x1  }
0x15: {  	[smem:$0x3FB9] =	sst s0;
	s0 =	simm.s32 @!p2 $0x0  }
0x16: {  	s3 =	sld [smem:$0x3FDB];
	s0 =	simm.s32 @p2 $0x1  }
0x17: {  	s4 =	simm.s32 $0x1BF5;
	[smem:$0x3FBB] =	sst s0  }
0x18: {  	s0 =	sld [smem:$0x3F9E];
	_ =	swait.ge [sflag:s4], $0x0  }
0x19: {  	s7 =	sld [smem:$0x3F9F]  }
0x1a: {  	s8 =	sadd.s32 $0xFFFFE003, lr  }
0x1b: {  	s9 =	sadd.s32 $0xFFFFFEF7, lr;
	s5 =	simm.s32 $0xFFFFFFFF;
	p2 =	slt.u32 s8, $0xFFFFF086  }
0x1c: {  	p1 =	slt.u32 s9, $0xF7A;
	s5 =	simm.s32 @!p2 $0x0  }
0x1d: {  	s5 =	simm.s32 @p1 $0x1;
	p0 =	seq.s32 s7, s2  }
0x1e: {  	s7 =	smul.u32 @!p0 $0xF7A, s2;
	p2 =	seq.s32 @!p0 s5, $0x0  }
0x1f: {  	s9 =	smul.u32 $0xF7A, s1;
	s8 =	simm.s32 @!p0 $0x1BF5;
	p2 =	por !p2, p0  }
0x20: {  	[sflag:s8] =	ssyncset.s32 @!p0 $0xFFFFF086;
	s6 =	sadd.s32 @!p0 s3, s7;
	s7 =	simm.s32 @!p0 $0x108  }
0x21: {  	s3 =	sadd.s32 s3, s9;
	s6 =	sadd.s32 @!p0 $0x88, s6;
	s7 =	simm.s32 @p2 $0x1082  }
0x22: {  	[simem:s7], [sflag:s8] =	dma.local @!p0 [hbm:s6], $0xF7A  }
0x23: {  	s9 =	sor.u32 $0xD0000000, s2;
	s6 =	simm.s32 $0x108;
	_ =	swait.ge @!p0 [sflag:s8], $0x0  }
0x24: {  	s3 =	sadd.s32 $0x88, s3;
	s6 =	simm.s32 @!p1 $0x1082;
	[sflag:s4] =	ssyncset.s32 $0xFFFFF086  }
0x25: {  	[simem:s6], [sflag:s4] =	dma.local [hbm:s3], $0xF7A  }
0x26: {  	[smem:$0x3F9F] =	sst s1;
	(tag) =	ssettag s2;
	_ =	strace s9  }
0x27: {  	s1 =	sld [smem:$0x3FAF]  }
0x28: {  	s2 =	sld [smem:$0x3FB0]  }
0x29: {  	s4 =	sld [smem:$0x3FB2]  }
0x2a: {  	p0 =	seq.s32 s5, $0x0;
	s5 =	sld [smem:$0x3FB3]  }
0x2b: {  	s6 =	sld [smem:$0x3FB4]  }
0x2c: {  	s7 =	sld [smem:$0x3FB5]  }
0x2d: {  	s3 =	simm.s32 $0x108;
	s8 =	sld [smem:$0x3FB6]  }
0x2e: {  	s3 =	simm.s32 @!p0 $0x1082;
	s9 =	sld [smem:$0x3FB7]  }
0x2f: {  	lr =	sadd.s32 s0, s3;
	s0 =	sld [smem:$0x3FAE]  }
0x30: {  	s3 =	sld [smem:$0x3FB1]  }
0x31: {  	[smem:$0x3FBA] =	sst s10  }
0x32: {  	s10 =	sld [smem:$0x3FB8];
	_ =	sdelay $0x3  }
0x33: {  	p0 =	seq.s32 s10, $0x1;
	s10 =	sld [smem:$0x3FBA];
	_ =	sdelay $0x3  }
0x34: {  	[smem:$0x3FBA] =	sst s10  }
0x35: {  	s10 =	sld [smem:$0x3FB9];
	_ =	sdelay $0x3  }
0x36: {  	p1 =	seq.s32 s10, $0x1;
	s10 =	sld [smem:$0x3FBA];
	_ =	sdelay $0x3  }
0x37: {  	[smem:$0x3FBA] =	sst s10  }
0x38: {  	s10 =	sld [smem:$0x3FBB]  }
0x39: {  	_ = 	snop;
	(pc) =	sbr.ind lr, $3  }
0x3a: {  	_ = 	snop  }
0x3b: {  	_ = 	snop  }
0x3c: {  	p2 =	seq.s32 s10, $0x1;
	s10 =	sld [smem:$0x3FBA]  }
0x3d: {  	_ =	shalt  }
0x3e: {  	_ =	shalt  }
0x3f: {  	_ =	shalt  }
0x40: {  	_ =	shalt  }
0x41: {  	_ =	shalt  }
0x42: {  	_ =	shalt  }
0x43: {  	_ =	shalt  }
0x44: {  	_ =	shalt  }
0x45: {  	_ =	shalt  }
0x46: {  	_ =	shalt  }
0x47: {  	_ =	shalt  }
0x48: {  	_ =	shalt  }
0x49: {  	_ =	shalt  }
0x4a: {  	_ =	shalt  }
0x4b: {  	_ =	shalt  }
0x4c: {  	_ =	shalt  }
0x4d: {  	_ =	shalt  }
0x4e: {  	_ =	shalt  }
0x4f: {  	_ =	shalt  }
0x50: {  	_ =	shalt  }
0x51: {  	_ =	shalt  }
0x52: {  	_ =	shalt  }
0x53: {  	_ =	shalt  }
0x54: {  	_ =	shalt  }
0x55: {  	_ =	shalt  }
0x56: {  	_ =	shalt  }
0x57: {  	_ =	shalt  }
0x58: {  	_ =	shalt  }
0x59: {  	_ =	shalt  }
0x5a: {  	_ =	shalt  }
0x5b: {  	_ =	shalt  }
0x5c: {  	_ =	shalt  }
0x5d: {  	_ =	shalt  }
0x5e: {  	_ =	shalt  }
0x5f: {  	_ =	shalt  }
0x60: {  	_ =	shalt  }
0x61: {  	_ =	shalt  }
0x62: {  	_ =	shalt  }
0x63: {  	_ =	shalt  }
0x64: {  	_ =	shalt  }
0x65: {  	_ =	shalt  }
0x66: {  	_ =	shalt  }
0x67: {  	_ =	shalt  }
0x68: {  	_ =	shalt  }
0x69: {  	_ =	shalt  }
0x6a: {  	_ =	shalt  }
0x6b: {  	_ =	shalt  }
0x6c: {  	_ =	shalt  }
0x6d: {  	_ =	shalt  }
0x6e: {  	_ =	shalt  }
0x6f: {  	_ =	shalt  }
0x70: {  	_ =	shalt  }
0x71: {  	_ =	shalt  }
0x72: {  	_ =	shalt  }
0x73: {  	_ =	shalt  }
0x74: {  	_ =	shalt  }
0x75: {  	_ =	shalt  }
0x76: {  	_ =	shalt  }
0x77: {  	_ =	shalt  }
0x78: {  	_ =	shalt  }
0x79: {  	_ =	shalt  }
0x7a: {  	_ =	shalt  }
0x7b: {  	_ =	shalt  }
0x7c: {  	_ =	shalt  }
0x7d: {  	_ =	shalt  }
0x7e: {  	_ =	shalt  }
0x7f: {  	_ =	shalt  }
0x80: {  	_ =	shalt  }
0x81: {  	_ =	shalt  }
0x82: {  	_ =	shalt  }
0x83: {  	_ =	shalt  }
0x84: {  	_ =	shalt  }
0x85: {  	_ =	shalt  }
0x86: {  	_ =	shalt  }
0x87: {  	_ =	shalt  }
.Lfunc_end0:
.L_simem_size_0:
called_computation_lowered:
.L_overlay_start_0:
0x88: {  	s2 =	sld [smem:$0x3FD9]  }
0x89: {  	s3 =	sld [smem:$0x3FFE];
	_ =	sdelay $0x1  }
0x8a: {  	s1 =	srdreg.scid  }
0x8b: {  	s0 =	sand.u32 $0x1, s1  }
0x8c: {  	s14 =	sshll.u32 s0, $0xA;
	s2 =	sadd.s32 s3, s2  }
0x8d: {  	s2 =	sadd.s32 s2, s14  }
0x8e: {  	[smem:$0x3FC6] =	sst s2  }
0x8f: {  	_ = 	snop  }
0x90: {  	s2 =	sld [smem:$0x3FD0];
	_ =	sdelay $0x2  }
0x91: {  	s15 =	simm.s32 $0xD;
	s4 =	simm.s32 $0x10  }
0x92: {  	[smem:s4], [sflag:s15] =	dma.local [hbm:s2], $0x1  }
0x93: {  	_ =	swait.eq [sflag:s15], $0x1  }
0x94: {  	s16 =	sld [smem:$0x10];
	[sflag:s15] =	ssyncset.done $0x0  }
0x95: {  	s17 =	sld [smem:$0x11];
	[sflag:s15] =	ssyncadd.s32 $0xFFFFFFFF  }
0x96: {  	s18 =	sld [smem:$0x12];
	(tm) =	ssettm $0x1  }
0x97: {  	s5 =	sld [smem:$0x3FFB];
	_ =	sdelay $0x3  }
0x98: {  	_ =	strace s5  }
0x99: {  	s5 =	sld [smem:$0x3FFC];
	_ =	sdelay $0x3  }
0x9a: {  	_ =	strace s5  }
0x9b: {  	s5 =	sld [smem:$0x3FFD];
	_ =	sdelay $0x3  }
0x9c: {  	_ =	strace s5  }
0x9d: {  	_ =	strace $0x8FFFFFFF  }
0x9e: {  	s19 =	sld [smem:$0x3FDB];
	_ =	sdelay $0x1  }
0x9f: {  	s6 =	simm.s32 $_scs_section_size  }
0xa0: {  	s7 =	simm.s32 $_size__tile_overlayer_lowered;
	s8 =	simm.s32 $_tile_overlayer_lowered  }
0xa1: {  	s22 =	simm.s32 $0x1BFF;
	s21 =	sshll.u32 s8, $0x1;
	s5 =	sadd.s32 s6, s19  }
0xa2: {  	s9 =	simm.s32 $0x0;
	s20 =	sshll.u32 s7, $0x1;
	s7 =	sadd.s32 s21, s5  }
0xa3: {  	[timem:s9], [sflag:s22] =	dma.local [hbm:s7], s20  }
0xa4: {  	_ =	swait.ge [sflag:s22], s20  }
0xa5: {  	s6 =	ssub.s32 $0x0, s20;
	[sflag:s22] =	ssyncset.done $0x0  }
0xa6: {  	[sflag:s22] =	ssyncadd.s32 s6;
	_ =	sdelay $0x1  }
0xa7: {  	s23 =	simm.s32 $0x1B8B  }
0xa8: {  	_ =	swait.ge [sflag:s23], $0x1  }
0xa9: {  	[sflag:s23] =	ssyncset.done $0x0  }
0xaa: {  	s25 =	simm.s32 $0x1B8E;
	s24 =	sld [smem:$0x3FFE];
	[sflag:s23] =	ssyncadd.s32 $0xFFFFFFFF  }
0xab: {  	s26 =	simm.s32 $execute0_lowered;
	[smem:$0x3FD2] =	sst s25  }
0xac: {  	s7 =	sshll.u32 s26, $0x1;
	_ =	strace $0x80000046;
	[dreg:$0x1] =	wrdreg $0xFFFFFFFF  }
0xad: {  	s28 =	simm.s32 $_size_execute0_lowered;
	s5 =	sadd.s32 s5, s7;
	[dreg:$0x0] =	wrdreg $0x0  }
0xae: {  	s7 =	sshll.u32 s28, $0x1;
	[dreg:$0x2] =	wrdreg s5  }
0xaf: {  	[dreg:$0x3] =	wrdreg s7  }
0xb0: {  	[dreg:$0x4] =	wrdreg $0xC0  }
0xb1: {  	_ =	task [dreg:s9], $0x5FFFF  }
0xb2: {  	[dreg:$0x1] =	wrdreg $0xFFFFFFFF  }
0xb3: {  	[dreg:$0x0] =	wrdreg $0x60  }
0xb4: {  	[dreg:$0x2] =	wrdreg s24  }
0xb5: {  	[dreg:$0x3] =	wrdreg s18  }
0xb6: {  	[dreg:$0x4] =	wrdreg s17  }
0xb7: {  	[dreg:$0x5] =	wrdreg s16  }
0xb8: {  	[dreg:$0x6] =	wrdreg $0x9  }
0xb9: {  	_ =	task.clear_ibuf [dreg:s9], $0x7FFFF;
	_ =	strace $0x90000046  }
0xba: {  	s29 =	simm.s32 $0x9;
	_ =	strace $0x80000048  }
0xbb: {  	_ =	swait.ge [sflag:s29], $0x1  }
0xbc: {  	[sflag:s29] =	ssyncadd.s32 $0xFFFFFFFF  }
0xbd: {  	_ =	strace $0x90000048  }
0xbe: {  	_ =	sfence  }
0xbf: {  	s30 =	sld [smem:$0x0];
	_ =	sdelay $0x2  }
0xc0: {  	s31 =	sshll.u32 s1, $0xD;
	s1 =	sshrl.u32 s1, $0x2  }
0xc1: {  	s3 =	sand.u32 $0x4000, s31;
	s1 =	sadd.s32 s1, s30  }
0xc2: {  	s0 =	sor.u32 s3, s0;
	s1 =	sshll.u32 s1, $0x11  }
0xc3: {  	s0 =	sor.u32 s1, s0  }
0xc4: {  	s0 =	sadd.s32 $0x8F2B, s0  }
0xc5: {  	[sflag:s0] =	ssyncadd.remote.s32 $0x1  }
0xc6: {  	_ =	sfence.sel $0xFFFF  }
0xc7: {  	[dreg:$0x0] =	wrdreg $0xFFFFFFFF;
	(pc) =	sbr.abs _section_cstart, $3  }
0xc8: {  	[dreg:$0x1] =	wrdreg $0xFFFFFFFF  }
0xc9: {  	_ =	task.clear_ibuf [dreg:s9], $0x2FFFF;
	_ =	strace $0x9FFFFFFF  }
0xca: {  	(tm) =	ssettm $0x7FFFFFFF  }
0xcb: {  	_ =	shalt  }
tec
execute0_lowered:
.L_overlay_start_1:
0x0: {  	(tag) =	ssettag $0x1  }
0x1: {  	s5 =	rddreg [dreg:$0x0]  }
0x2: {  	s7 =	rddreg [dreg:$0x1]  }
0x3: {  	s8 =	rddreg [dreg:$0x2]  }
0x4: {  	s6 =	rddreg [dreg:$0x3]  }
0x5: {  	s0 =	rddreg [dreg:$0x4];
	s1 =	simm.s32 $0x0  }
0x6: {  	s2 =	srdreg.scid;
	s13 =	simm.s32 $0x4E20;
	s14 =	simm.s32 $0x1  }
0x7: {  	s15 =	simm.s32 $0x7530;
	s16 =	simm.s32 $0x2;
	s17 =	simm.s32 $0x8530  }
0x8: {  	s18 =	simm.s32 $0x9530;
	s19 =	simm.s32 $0xA530;
	s20 =	simm.s32 $0xB530  }
0x9: {  	s21 =	simm.s32 $0x0;
	[smem:$0x7FF] =	sst s1;
	s3 =	sand.u32 $0x1, s2  }
0xa: {  	s2 =	stileid.u32;
	_ =	strace $0x80000047;
	s4 =	ssub.s32 $0x2, s3  }
0xb: {  	s10 =	sshll.u32 s2, $0xA;
	s11 =	sshll.u32 s3, $0x9;
	s9 =	sshrl.u32 s4, $0x1  }
0xc: {  	s3 =	sadd.s32 $0xA200, s5;
	s31 =	sor.u32 s11, s10;
	s12 =	ssub.s32 s4, s9  }
0xd: {  	s4 =	sadd.s32 $0xA6E2, s5;
	s5 =	sadd.s32 $0xABC4, s5;
	s6 =	sadd.s32 s6, s31  }
0xe: {  	s7 =	sadd.s32 s7, s31;
	s8 =	sadd.s32 s8, s31;
	s9 =	sadd.s32 $0x4000, s6  }
0xf: {  	s10 =	sadd.s32 $0x8000, s6;
	s11 =	smax.u32 s12, $0x1;
	s12 =	simm.s32 $0x2710  }
.LBB2_1:
0x10: {  	[tilespmem:s1], [sflag:$0x1] =	stream.linear.gather [hbm4b:s3+s1], $0x2710, $0x38;
	[tilespmem:$0xC530] =	vst v63  }
0x11: {  	_ = 	snop  }
0x12: {  	[tilespmem:s12], [sflag:$0x1] =	stream.linear.gather [hbm4b:s4+s1], $0x2710, $0x38;
	[tilespmem:$0xC530] =	vst v63  }
0x13: {  	_ = 	snop  }
0x14: {  	[tilespmem:s13], [sflag:$0x1] =	stream.linear.gather [hbm4b:s5+s1], $0x2710, $0x38;
	[tilespmem:$0xC530] =	vst v63  }
0x15: {  	_ =	swait.ge [sflag:s14], $0x2710  }
0x16: {  	[sflag:s14] =	ssyncset.done $0x0  }
0x17: {  	[sflag:s14] =	ssyncadd.s32 $0xFFFFD8F0  }
0x18: {  	_ =	swait.ge [sflag:s14], $0x2710  }
0x19: {  	[sflag:s14] =	ssyncset.done $0x0  }
0x1a: {  	[sflag:s14] =	ssyncadd.s32 $0xFFFFD8F0  }
0x1b: {  	_ =	swait.ge [sflag:s14], $0x2710  }
0x1c: {  	[sflag:s14] =	ssyncset.done $0x0  }
0x1d: {  	[sflag:s14] =	ssyncadd.s32 $0xFFFFD8F0  }
0x1e: {  	[tilespmem:s15], [sflag:$0x2] =	stream.linear.gather [hbm4b:s7+s1], $0x1000, $0x38;
	[tilespmem:$0xC530] =	vst v63  }
0x1f: {  	_ =	swait.ge [sflag:s16], $0x1000  }
0x20: {  	[sflag:s16] =	ssyncset.done $0x0  }
0x21: {  	[sflag:s16] =	ssyncadd.s32 $0xFFFFF000  }
0x22: {  	[tilespmem:s17], [sflag:$0x2] =	stream.linear.gather [hbm4b:s8+s1], $0x1000, $0x38;
	[tilespmem:$0xC530] =	vst v63  }
0x23: {  	_ =	swait.ge [sflag:s16], $0x1000  }
0x24: {  	[sflag:s16] =	ssyncset.done $0x0  }
0x25: {  	s24 =	simm.s32 $0x8570;
	[sflag:s16] =	ssyncadd.s32 $0xFFFFF000  }
0x26: {  	s22 =	simm.s32 $0x7570;
	v0 =	vld [tilespmem:s24+$0x30]  }
0x27: {  	v1 =	vld [tilespmem:s22+$0x30]  }
0x28: {  	v2 =	vld [tilespmem:s24+$0xFFFFFFC0]  }
0x29: {  	v3 =	vld [tilespmem:s22+$0xFFFFFFD0]  }
0x2a: {  	v4 =	vld [tilespmem:s24+$0xFFFFFFD0]  }
0x2b: {  	v5 =	vld [tilespmem:s22+$0xFFFFFFE0]  }
0x2c: {  	v6 =	vld [tilespmem:s24+$0xFFFFFFE0]  }
0x2d: {  	v7 =	vld [tilespmem:s22+$0xFFFFFFF0]  }
0x2e: {  	v10 =	vld [tilespmem:s24+$0xFFFFFFF0]  }
0x2f: {  	v11 =	vld [tilespmem:s22+$0x0]  }
0x30: {  	v12 =	vld [tilespmem:s24+$0x0]  }
0x31: {  	v13 =	vld [tilespmem:s22+$0x10]  }
0x32: {  	v14 =	vld [tilespmem:s24+$0x10]  }
0x33: {  	v15 =	vld [tilespmem:s22+$0x20]  }
0x34: {  	v46 =	vld [tilespmem:s24+$0x20]  }
0x35: {  	v16 =	vld [tilespmem:s22+$0xFFFFFFC0]  }
0x36: {  	v8 =	vld.idx.msk [tilespmem:v0+s1+$0x0], $0xffff  }
0x37: {  	v9 =	vld.idx.msk [tilespmem:v1+s1+$0x0], $0xffff  }
0x38: {  	v18 =	vld.idx.msk [tilespmem:v2+s1+$0x0], $0xffff  }
0x39: {  	v19 =	vld.idx.msk [tilespmem:v4+s1+$0x0], $0xffff  }
0x3a: {  	v20 =	vld.idx.msk [tilespmem:v3+s1+$0x0], $0xffff  }
0x3b: {  	v21 =	vld.idx.msk [tilespmem:v6+s1+$0x0], $0xffff  }
0x3c: {  	v22 =	vld.idx.msk [tilespmem:v5+s1+$0x0], $0xffff  }
0x3d: {  	v23 =	vld.idx.msk [tilespmem:v16+s1+$0x0], $0xffff  }
0x3e: {  	v47 =	vld.idx.msk [tilespmem:v10+s1+$0x0], $0xffff  }
0x3f: {  	v24 =	vld.idx.msk [tilespmem:v7+s1+$0x0], $0xffff  }
0x40: {  	v25 =	vld.idx.msk [tilespmem:v11+s1+$0x0], $0xffff  }
0x41: {  	v26 =	vld.idx.msk [tilespmem:v14+s1+$0x0], $0xffff  }
0x42: {  	v48 =	vld.idx.msk [tilespmem:v13+s1+$0x0], $0xffff;
	v8 =	vsub.f32 v8, v9  }
0x43: {  	s23 =	simm.s32 $0x9570;
	v27 =	vld.idx.msk [tilespmem:v46+s1+$0x0], $0xffff  }
0x44: {  	v49 =	vld.idx.msk [tilespmem:v15+s1+$0x0], $0xffff;
	v18 =	vsub.f32 v18, v23;
	[tilespmem:s23+$0x30] =	vst v8  }
0x45: {  	v8 =	vld.idx.msk [tilespmem:v0+s12+$0x0], $0xffff  }
0x46: {  	v19 =	vsub.f32 v19, v20;
	[tilespmem:s23+$0xFFFFFFC0] =	vst v18;
	v17 =	vld.idx.msk [tilespmem:v1+s12+$0x0], $0xffff  }
0x47: {  	v50 =	vld.idx.msk [tilespmem:v2+s12+$0x0], $0xffff  }
0x48: {  	v51 =	vsub.f32 v21, v22;
	[tilespmem:s23+$0xFFFFFFD0] =	vst v19;
	v52 =	vld.idx.msk [tilespmem:v16+s12+$0x0], $0xffff  }
0x49: {  	v53 =	vld.idx.msk [tilespmem:v4+s12+$0x0], $0xffff  }
0x4a: {  	[tilespmem:s23+$0xFFFFFFE0] =	vst v51;
	v54 =	vld.idx.msk [tilespmem:v3+s12+$0x0], $0xffff  }
0x4b: {  	v55 =	vld.idx.msk [tilespmem:v6+s12+$0x0], $0xffff;
	v8 =	vsub.f32 v8, v17  }
0x4c: {  	s24 =	simm.s32 $0xA570;
	v56 =	vld.idx.msk [tilespmem:v5+s12+$0x0], $0xffff  }
0x4d: {  	v17 =	vsub.f32 v47, v24;
	[tilespmem:s24+$0x30] =	vst v8;
	v8 =	vld.idx.msk [tilespmem:v12+s1+$0x0], $0xffff  }
0x4e: {  	v0 =	vld.idx.msk [tilespmem:v0+s13+$0x0], $0xffff  }
0x4f: {  	v20 =	vsub.f32 v50, v52;
	[tilespmem:s23+$0xFFFFFFF0] =	vst v17;
	v1 =	vld.idx.msk [tilespmem:v1+s13+$0x0], $0xffff  }
0x50: {  	v57 =	vld.idx.msk [tilespmem:v10+s12+$0x0], $0xffff  }
0x51: {  	v19 =	vsub.f32 v53, v54;
	[tilespmem:s24+$0xFFFFFFC0] =	vst v20;
	v58 =	vld.idx.msk [tilespmem:v7+s12+$0x0], $0xffff  }
0x52: {  	v17 =	vsub.f32 v55, v56;
	v2 =	vld.idx.msk [tilespmem:v2+s13+$0x0], $0xffff  }
0x53: {  	[tilespmem:s24+$0xFFFFFFD0] =	vst v19;
	v16 =	vld.idx.msk [tilespmem:v16+s13+$0x0], $0xffff  }
0x54: {  	v19 =	vld.idx.msk [tilespmem:v4+s13+$0x0], $0xffff;
	[tilespmem:s24+$0xFFFFFFE0] =	vst v17;
	v8 =	vsub.f32 v8, v25  }
0x55: {  	v6 =	vld.idx.msk [tilespmem:v6+s13+$0x0], $0xffff  }
0x56: {  	v5 =	vld.idx.msk [tilespmem:v5+s13+$0x0], $0xffff;
	[tilespmem:s23+$0x0] =	vst v8;
	v8 =	vsub.f32 v26, v48  }
0x57: {  	v59 =	vld.idx.msk [tilespmem:v12+s12+$0x0], $0xffff  }
0x58: {  	v60 =	vld.idx.msk [tilespmem:v11+s12+$0x0], $0xffff;
	[tilespmem:s23+$0x10] =	vst v8;
	v8 =	vsub.f32 v27, v49  }
0x59: {  	v61 =	vld.idx.msk [tilespmem:v14+s12+$0x0], $0xffff  }
0x5a: {  	[tilespmem:s23+$0x20] =	vst v8;
	v8 =	vld.idx.msk [tilespmem:v13+s12+$0x0], $0xffff  }
0x5b: {  	v4 =	vsub.f32 v57, v58;
	v62 =	vld.idx.msk [tilespmem:v46+s12+$0x0], $0xffff  }
0x5c: {  	v63 =	vld.idx.msk [tilespmem:v15+s12+$0x0], $0xffff  }
0x5d: {  	v3 =	vld.idx.msk [tilespmem:v3+s13+$0x0], $0xffff;
	[tilespmem:s24+$0xFFFFFFF0] =	vst v4;
	v4 =	vsub.f32 v59, v60  }
0x5e: {  	v0 =	vsub.f32 v0, v1;
	v10 =	vld.idx.msk [tilespmem:v10+s13+$0x0], $0xffff  }
0x5f: {  	s25 =	simm.s32 $0xB570;
	v7 =	vld.idx.msk [tilespmem:v7+s13+$0x0], $0xffff;
	[tilespmem:s24+$0x0] =	vst v4;
	v4 =	vsub.f32 v61, v8  }
0x60: {  	[tilespmem:s25+$0x30] =	vst v0;
	v6 =	vsub.f32 v6, v5;
	v1 =	vld.idx.msk [tilespmem:v12+s13+$0x0], $0xffff  }
0x61: {  	v0 =	vsub.f32 v62, v63;
	[tilespmem:s24+$0x10] =	vst v4;
	v4 =	vld.idx.msk [tilespmem:v11+s13+$0x0], $0xffff  }
0x62: {  	[tilespmem:s25+$0xFFFFFFE0] =	vst v6;
	v8 =	vsub.f32 v2, v16;
	v2 =	vld.idx.msk [tilespmem:v14+s13+$0x0], $0xffff  }
0x63: {  	[tilespmem:s24+$0x20] =	vst v0;
	v0 =	vsub.f32 v19, v3;
	v5 =	vld.idx.msk [tilespmem:v13+s13+$0x0], $0xffff  }
0x64: {  	[tilespmem:s25+$0xFFFFFFC0] =	vst v8;
	v3 =	vld.idx.msk [tilespmem:v46+s13+$0x0], $0xffff  }
0x65: {  	s26 =	simm.s32 $0x0;
	s28 =	simm.s32 $0x85F0;
	v6 =	vsub.f32 v10, v7;
	[tilespmem:s25+$0xFFFFFFD0] =	vst v0;
	v0 =	vld.idx.msk [tilespmem:v15+s13+$0x0], $0xffff  }
.LBB2_2:
0x66: {  	v12 =	vld [tilespmem:s28+$0x30];
	s22 =	sadd.s32 $0x80, s22  }
0x67: {  	v4 =	vsub.f32 v1, v4;
	v13 =	vld [tilespmem:s22+$0x30];
	[tilespmem:s25+$0xFFFFFFF0] =	vst v6  }
0x68: {  	v6 =	vld [tilespmem:s28+$0xFFFFFFC0]  }
0x69: {  	s26 =	sadd.s32 $0x80, s26;
	v2 =	vsub.f32 v2, v5;
	v1 =	vld [tilespmem:s22+$0xFFFFFFD0];
	[tilespmem:s25+$0x0] =	vst v4  }
0x6a: {  	p0 =	slt.u32 s26, $0xF80;
	v8 =	vld [tilespmem:s28+$0xFFFFFFD0]  }
0x6b: {  	v0 =	vsub.f32 v3, v0;
	v4 =	vld [tilespmem:s22+$0xFFFFFFE0];
	[tilespmem:s25+$0x10] =	vst v2  }
0x6c: {  	v10 =	vld [tilespmem:s28+$0xFFFFFFE0]  }
0x6d: {  	v2 =	vld [tilespmem:s22+$0xFFFFFFF0];
	[tilespmem:s25+$0x20] =	vst v0  }
0x6e: {  	v7 =	vld.idx.msk [tilespmem:v12+s1+$0x0], $0xffff  }
0x6f: {  	v14 =	vld.idx.msk [tilespmem:v13+s1+$0x0], $0xffff  }
0x70: {  	v15 =	vld [tilespmem:s28+$0xFFFFFFF0]  }
0x71: {  	v5 =	vld [tilespmem:s22+$0x0]  }
0x72: {  	v11 =	vld [tilespmem:s28+$0x0]  }
0x73: {  	v3 =	vld [tilespmem:s22+$0x10]  }
0x74: {  	v9 =	vld [tilespmem:s28+$0x10]  }
0x75: {  	v14 =	vsub.f32 v7, v14;
	v0 =	vld [tilespmem:s22+$0x20]  }
0x76: {  	s23 =	sadd.s32 $0x80, s23;
	v7 =	vld [tilespmem:s28+$0x20]  }
0x77: {  	v16 =	vld [tilespmem:s22+$0xFFFFFFC0];
	[tilespmem:s23+$0x30] =	vst v14  }
0x78: {  	v14 =	vld.idx.msk [tilespmem:v12+s12+$0x0], $0xffff  }
0x79: {  	v17 =	vld.idx.msk [tilespmem:v13+s12+$0x0], $0xffff  }
0x7a: {  	v18 =	vld.idx.msk [tilespmem:v6+s1+$0x0], $0xffff  }
0x7b: {  	v19 =	vld.idx.msk [tilespmem:v8+s1+$0x0], $0xffff  }
0x7c: {  	v20 =	vld.idx.msk [tilespmem:v1+s1+$0x0], $0xffff  }
0x7d: {  	v21 =	vld.idx.msk [tilespmem:v10+s1+$0x0], $0xffff  }
0x7e: {  	v22 =	vld.idx.msk [tilespmem:v4+s1+$0x0], $0xffff  }
0x7f: {  	v14 =	vsub.f32 v14, v17;
	v23 =	vld.idx.msk [tilespmem:v16+s1+$0x0], $0xffff  }
0x80: {  	s24 =	sadd.s32 $0x80, s24;
	v17 =	vld.idx.msk [tilespmem:v15+s1+$0x0], $0xffff  }
0x81: {  	v24 =	vld.idx.msk [tilespmem:v2+s1+$0x0], $0xffff;
	[tilespmem:s24+$0x30] =	vst v14  }
0x82: {  	v14 =	vsub.f32 v19, v20;
	v12 =	vld.idx.msk [tilespmem:v12+s13+$0x0], $0xffff  }
0x83: {  	v13 =	vld.idx.msk [tilespmem:v13+s13+$0x0], $0xffff  }
0x84: {  	[tilespmem:s23+$0xFFFFFFD0] =	vst v14;
	v14 =	vsub.f32 v21, v22;
	v19 =	vld.idx.msk [tilespmem:v11+s1+$0x0], $0xffff  }
0x85: {  	v18 =	vsub.f32 v18, v23;
	v20 =	vld.idx.msk [tilespmem:v5+s1+$0x0], $0xffff  }
0x86: {  	[tilespmem:s23+$0xFFFFFFE0] =	vst v14;
	v14 =	vld.idx.msk [tilespmem:v9+s1+$0x0], $0xffff  }
0x87: {  	v17 =	vsub.f32 v17, v24;
	[tilespmem:s23+$0xFFFFFFC0] =	vst v18;
	v18 =	vld.idx.msk [tilespmem:v3+s1+$0x0], $0xffff  }
0x88: {  	v21 =	vld.idx.msk [tilespmem:v7+s1+$0x0], $0xffff  }
0x89: {  	v12 =	vsub.f32 v12, v13;
	[tilespmem:s23+$0xFFFFFFF0] =	vst v17;
	v17 =	vld.idx.msk [tilespmem:v0+s1+$0x0], $0xffff  }
0x8a: {  	s25 =	sadd.s32 $0x80, s25;
	v13 =	vld.idx.msk [tilespmem:v6+s12+$0x0], $0xffff  }
0x8b: {  	v19 =	vsub.f32 v19, v20;
	v22 =	vld.idx.msk [tilespmem:v16+s12+$0x0], $0xffff;
	[tilespmem:s25+$0x30] =	vst v12  }
0x8c: {  	v12 =	vld.idx.msk [tilespmem:v8+s12+$0x0], $0xffff  }
0x8d: {  	v14 =	vsub.f32 v14, v18;
	v20 =	vld.idx.msk [tilespmem:v1+s12+$0x0], $0xffff;
	[tilespmem:s23+$0x0] =	vst v19  }
0x8e: {  	v18 =	vld.idx.msk [tilespmem:v10+s12+$0x0], $0xffff  }
0x8f: {  	v19 =	vld.idx.msk [tilespmem:v4+s12+$0x0], $0xffff;
	[tilespmem:s23+$0x10] =	vst v14;
	v14 =	vsub.f32 v21, v17  }
0x90: {  	v17 =	vld.idx.msk [tilespmem:v15+s12+$0x0], $0xffff  }
0x91: {  	v13 =	vsub.f32 v13, v22;
	v21 =	vld.idx.msk [tilespmem:v2+s12+$0x0], $0xffff;
	[tilespmem:s23+$0x20] =	vst v14  }
0x92: {  	v14 =	vld.idx.msk [tilespmem:v11+s12+$0x0], $0xffff  }
0x93: {  	v12 =	vsub.f32 v12, v20;
	[tilespmem:s24+$0xFFFFFFC0] =	vst v13;
	v13 =	vld.idx.msk [tilespmem:v5+s12+$0x0], $0xffff  }
0x94: {  	v20 =	vld.idx.msk [tilespmem:v9+s12+$0x0], $0xffff  }
0x95: {  	[tilespmem:s24+$0xFFFFFFD0] =	vst v12;
	v12 =	vsub.f32 v18, v19;
	v18 =	vld.idx.msk [tilespmem:v3+s12+$0x0], $0xffff  }
0x96: {  	v19 =	vld.idx.msk [tilespmem:v7+s12+$0x0], $0xffff  }
0x97: {  	[tilespmem:s24+$0xFFFFFFE0] =	vst v12;
	v12 =	vsub.f32 v17, v21;
	v17 =	vld.idx.msk [tilespmem:v0+s12+$0x0], $0xffff  }
0x98: {  	v6 =	vld.idx.msk [tilespmem:v6+s13+$0x0], $0xffff  }
0x99: {  	v16 =	vld.idx.msk [tilespmem:v16+s13+$0x0], $0xffff;
	[tilespmem:s24+$0xFFFFFFF0] =	vst v12;
	v12 =	vsub.f32 v14, v13  }
0x9a: {  	v8 =	vld.idx.msk [tilespmem:v8+s13+$0x0], $0xffff  }
0x9b: {  	v13 =	vld.idx.msk [tilespmem:v1+s13+$0x0], $0xffff;
	[tilespmem:s24+$0x0] =	vst v12;
	v1 =	vsub.f32 v20, v18  }
0x9c: {  	v10 =	vld.idx.msk [tilespmem:v10+s13+$0x0], $0xffff  }
0x9d: {  	v12 =	vld.idx.msk [tilespmem:v4+s13+$0x0], $0xffff;
	[tilespmem:s24+$0x10] =	vst v1;
	v1 =	vsub.f32 v19, v17  }
0x9e: {  	v14 =	vld.idx.msk [tilespmem:v15+s13+$0x0], $0xffff  }
0x9f: {  	v4 =	vsub.f32 v6, v16;
	v6 =	vld.idx.msk [tilespmem:v2+s13+$0x0], $0xffff;
	[tilespmem:s24+$0x20] =	vst v1  }
0xa0: {  	v1 =	vld.idx.msk [tilespmem:v11+s13+$0x0], $0xffff  }
.Ltmp0:
0xa1: {  	v8 =	vsub.f32 v8, v13;
	[tilespmem:s25+$0xFFFFFFC0] =	vst v4;
	v4 =	vld.idx.msk [tilespmem:v5+s13+$0x0], $0xffff;
	(pc) =	sbr.rel @p0 .LBB2_2-.Ltmp0, $4  }
0xa2: {  	v2 =	vld.idx.msk [tilespmem:v9+s13+$0x0], $0xffff  }
0xa3: {  	[tilespmem:s25+$0xFFFFFFD0] =	vst v8;
	v8 =	vsub.f32 v10, v12;
	v5 =	vld.idx.msk [tilespmem:v3+s13+$0x0], $0xffff  }
0xa4: {  	v3 =	vld.idx.msk [tilespmem:v7+s13+$0x0], $0xffff  }
0xa5: {  	s28 =	sadd.s32 $0x80, s28;
	v6 =	vsub.f32 v14, v6;
	[tilespmem:s25+$0xFFFFFFE0] =	vst v8;
	v0 =	vld.idx.msk [tilespmem:v0+s13+$0x0], $0xffff  }
0xa6: {  	_ =	sdelay $0x1  }
0xa7: {  	v1 =	vsub.f32 v1, v4  }
0xa8: {  	[tilespmem:s25+$0xFFFFFFF0] =	vst v6;
	v2 =	vsub.f32 v2, v5  }
0xa9: {  	[tilespmem:s25+$0x0] =	vst v1;
	v0 =	vsub.f32 v3, v0  }
0xaa: {  	[tilespmem:s25+$0x10] =	vst v2  }
0xab: {  	[tilespmem:s25+$0x20] =	vst v0  }
0xac: {  	[hbm4b:s6+s1] =	stream.linear.scatter [tilespmem:s18], [sflag:$0x2], $0x1000, $0x38;
	[tilespmem:$0xC530] =	vst v63  }
0xad: {  	_ =	swait.ge [sflag:s16], $0x1000  }
0xae: {  	[sflag:s16] =	ssyncset.done $0x0  }
0xaf: {  	[sflag:s16] =	ssyncadd.s32 $0xFFFFF000  }
0xb0: {  	[hbm4b:s9+s1] =	stream.linear.scatter [tilespmem:s19], [sflag:$0x2], $0x1000, $0x38;
	[tilespmem:$0xC530] =	vst v63  }
0xb1: {  	s21 =	sadd.s32 $0x1, s21;
	_ =	swait.ge [sflag:s16], $0x1000  }
0xb2: {  	p0 =	sne.s32 s21, s11;
	[sflag:s16] =	ssyncset.done $0x0  }
.Ltmp1:
0xb3: {  	[sflag:s16] =	ssyncadd.s32 $0xFFFFF000;
	(pc) =	sbr.rel @p0 .LBB2_1-.Ltmp1, $4  }
0xb4: {  	[hbm4b:s10+s1] =	stream.linear.scatter [tilespmem:s20], [sflag:$0x2], $0x1000, $0x38;
	[tilespmem:$0xC530] =	vst v63  }
0xb5: {  	_ =	swait.ge [sflag:s16], $0x1000  }
0xb6: {  	[sflag:s16] =	ssyncset.done $0x0  }
0xb7: {  	[sflag:s16] =	ssyncadd.s32 $0xFFFFF000  }
0xb8: {  	_ =	sfence.sel $0x180000  }
0xb9: {  	[bflag:$0x0] =	sbarrier.arrive $0xFFFF  }
0xba: {  	p0 =	sne.s32 s2, $0x0;
	_ =	strace $0x90000047  }
0xbb: {  	s0 =	sadd.s32 @!p0 $0x100000, s0;
	[bflag:$0x2] =	sbarrier.arrive $0xFFFF  }
0xbc: {  	[sflag:s0] =	ssyncadd.tile.s32 @!p0 $0x1;
	_ =	shalt  }
.Lfunc_end2:
_tile_overlayer_lowered:
.L_overlay_start_2:
0xbd: {  	(tag) =	ssettag $0x2  }
0xbe: {  	s0 =	rddreg [dreg:$0x0];
	s2 =	stileid.u32  }
0xbf: {  	s1 =	rddreg [dreg:$0x1];
	p0 =	sne.s32 s2, $0x0  }
0xc0: {  	s3 =	rddreg [dreg:$0x2];
	[bflag:$0x3] =	sbarrier.arrive $0xFFFF;
	s2 =	simm.s32 @!p0 $0x1C02  }
0xc1: {  	[timem:s3], [sflag:s2] =	dma.local @!p0 [hbm:s0], s1  }
0xc2: {  	s0 =	simm.s32 @!p0 $0x2  }
0xc3: {  	_ =	swait.ge @!p0 [sflag:s0], s1  }
0xc4: {  	s1 =	ssub.s32 @!p0 $0x0, s1;
	[sflag:s0] =	ssyncset.done @!p0 $0x0  }
0xc5: {  	[sflag:s0] =	ssyncadd.s32 @!p0 s1  }
0xc6: {  	[bflag:$0x3] =	sbarrier.arrive $0xFFFF  }
0xc7: {  	_ =	shalt  }

// kernel: kernel.13.cloned.1.call-start
scs
__scs_entry_jumppad:
0x0: {  	(pc) =	sbr.rel $0x88, $3  }
0x1: {  	(tag) =	ssettag $0x0;
	lr =	simm.s32 $0x1  }
0x2: {  	[smem:$0x3F9F] =	sst lr;
	_ =	strace $0xD0000000  }
0x3: {  	_ = 	snop  }
0x4: {  	_ = 	snop  }
0x5: {  	_ = 	snop  }
0x6: {  	_ = 	snop  }
0x7: {  	_ = 	snop  }
__scs_overlays_trampoline_lowered:
0x8: {  	[smem:$0x3FAE] =	sst s0  }
0x9: {  	[smem:$0x3FAF] =	sst s1  }
0xa: {  	[smem:$0x3FB0] =	sst s2  }
0xb: {  	[smem:$0x3FB1] =	sst s3  }
0xc: {  	[smem:$0x3FB2] =	sst s4  }
0xd: {  	[smem:$0x3FB3] =	sst s5  }
0xe: {  	[smem:$0x3FB4] =	sst s6  }
0xf: {  	[smem:$0x3FB5] =	sst s7  }
0x10: {  	[smem:$0x3FB6] =	sst s8  }
0x11: {  	[smem:$0x3FB7] =	sst s9;
	s0 =	simm.s32 @!p0 $0x0  }
0x12: {  	s1 =	sld [smem:$0x3F9D];
	s0 =	simm.s32 @p0 $0x1  }
0x13: {  	[smem:$0x3FB8] =	sst s0;
	s0 =	simm.s32 @!p1 $0x0  }
0x14: {  	s2 =	sld [smem:$0x3F9C];
	s0 =	simm.s32 @p1 $0x1  }
0x15: {  	[smem:$0x3FB9] =	sst s0;
	s0 =	simm.s32 @!p2 $0x0  }
0x16: {  	s3 =	sld [smem:$0x3FDB];
	s0 =	simm.s32 @p2 $0x1  }
0x17: {  	s4 =	simm.s32 $0x1BF5;
	[smem:$0x3FBB] =	sst s0  }
0x18: {  	s0 =	sld [smem:$0x3F9E];
	_ =	swait.ge [sflag:s4], $0x0  }
0x19: {  	s7 =	sld [smem:$0x3F9F]  }
0x1a: {  	s8 =	sadd.s32 $0xFFFFE003, lr  }
0x1b: {  	s9 =	sadd.s32 $0xFFFFFEF7, lr;
	s5 =	simm.s32 $0xFFFFFFFF;
	p2 =	slt.u32 s8, $0xFFFFF086  }
0x1c: {  	p1 =	slt.u32 s9, $0xF7A;
	s5 =	simm.s32 @!p2 $0x0  }
0x1d: {  	s5 =	simm.s32 @p1 $0x1;
	p0 =	seq.s32 s7, s2  }
0x1e: {  	s7 =	smul.u32 @!p0 $0xF7A, s2;
	p2 =	seq.s32 @!p0 s5, $0x0  }
0x1f: {  	s9 =	smul.u32 $0xF7A, s1;
	s8 =	simm.s32 @!p0 $0x1BF5;
	p2 =	por !p2, p0  }
0x20: {  	[sflag:s8] =	ssyncset.s32 @!p0 $0xFFFFF086;
	s6 =	sadd.s32 @!p0 s3, s7;
	s7 =	simm.s32 @!p0 $0x108  }
0x21: {  	s3 =	sadd.s32 s3, s9;
	s6 =	sadd.s32 @!p0 $0x88, s6;
	s7 =	simm.s32 @p2 $0x1082  }
0x22: {  	[simem:s7], [sflag:s8] =	dma.local @!p0 [hbm:s6], $0xF7A  }
0x23: {  	s9 =	sor.u32 $0xD0000000, s2;
	s6 =	simm.s32 $0x108;
	_ =	swait.ge @!p0 [sflag:s8], $0x0  }
0x24: {  	s3 =	sadd.s32 $0x88, s3;
	s6 =	simm.s32 @!p1 $0x1082;
	[sflag:s4] =	ssyncset.s32 $0xFFFFF086  }
0x25: {  	[simem:s6], [sflag:s4] =	dma.local [hbm:s3], $0xF7A  }
0x26: {  	[smem:$0x3F9F] =	sst s1;
	(tag) =	ssettag s2;
	_ =	strace s9  }
0x27: {  	s1 =	sld [smem:$0x3FAF]  }
0x28: {  	s2 =	sld [smem:$0x3FB0]  }
0x29: {  	s4 =	sld [smem:$0x3FB2]  }
0x2a: {  	p0 =	seq.s32 s5, $0x0;
	s5 =	sld [smem:$0x3FB3]  }
0x2b: {  	s6 =	sld [smem:$0x3FB4]  }
0x2c: {  	s7 =	sld [smem:$0x3FB5]  }
0x2d: {  	s3 =	simm.s32 $0x108;
	s8 =	sld [smem:$0x3FB6]  }
0x2e: {  	s3 =	simm.s32 @!p0 $0x1082;
	s9 =	sld [smem:$0x3FB7]  }
0x2f: {  	lr =	sadd.s32 s0, s3;
	s0 =	sld [smem:$0x3FAE]  }
0x30: {  	s3 =	sld [smem:$0x3FB1]  }
0x31: {  	[smem:$0x3FBA] =	sst s10  }
0x32: {  	s10 =	sld [smem:$0x3FB8];
	_ =	sdelay $0x3  }
0x33: {  	p0 =	seq.s32 s10, $0x1;
	s10 =	sld [smem:$0x3FBA];
	_ =	sdelay $0x3  }
0x34: {  	[smem:$0x3FBA] =	sst s10  }
0x35: {  	s10 =	sld [smem:$0x3FB9];
	_ =	sdelay $0x3  }
0x36: {  	p1 =	seq.s32 s10, $0x1;
	s10 =	sld [smem:$0x3FBA];
	_ =	sdelay $0x3  }
0x37: {  	[smem:$0x3FBA] =	sst s10  }
0x38: {  	s10 =	sld [smem:$0x3FBB]  }
0x39: {  	_ = 	snop;
	(pc) =	sbr.ind lr, $3  }
0x3a: {  	_ = 	snop  }
0x3b: {  	_ = 	snop  }
0x3c: {  	p2 =	seq.s32 s10, $0x1;
	s10 =	sld [smem:$0x3FBA]  }
0x3d: {  	_ =	shalt  }
0x3e: {  	_ =	shalt  }
0x3f: {  	_ =	shalt  }
0x40: {  	_ =	shalt  }
0x41: {  	_ =	shalt  }
0x42: {  	_ =	shalt  }
0x43: {  	_ =	shalt  }
0x44: {  	_ =	shalt  }
0x45: {  	_ =	shalt  }
0x46: {  	_ =	shalt  }
0x47: {  	_ =	shalt  }
0x48: {  	_ =	shalt  }
0x49: {  	_ =	shalt  }
0x4a: {  	_ =	shalt  }
0x4b: {  	_ =	shalt  }
0x4c: {  	_ =	shalt  }
0x4d: {  	_ =	shalt  }
0x4e: {  	_ =	shalt  }
0x4f: {  	_ =	shalt  }
0x50: {  	_ =	shalt  }
0x51: {  	_ =	shalt  }
0x52: {  	_ =	shalt  }
0x53: {  	_ =	shalt  }
0x54: {  	_ =	shalt  }
0x55: {  	_ =	shalt  }
0x56: {  	_ =	shalt  }
0x57: {  	_ =	shalt  }
0x58: {  	_ =	shalt  }
0x59: {  	_ =	shalt  }
0x5a: {  	_ =	shalt  }
0x5b: {  	_ =	shalt  }
0x5c: {  	_ =	shalt  }
0x5d: {  	_ =	shalt  }
0x5e: {  	_ =	shalt  }
0x5f: {  	_ =	shalt  }
0x60: {  	_ =	shalt  }
0x61: {  	_ =	shalt  }
0x62: {  	_ =	shalt  }
0x63: {  	_ =	shalt  }
0x64: {  	_ =	shalt  }
0x65: {  	_ =	shalt  }
0x66: {  	_ =	shalt  }
0x67: {  	_ =	shalt  }
0x68: {  	_ =	shalt  }
0x69: {  	_ =	shalt  }
0x6a: {  	_ =	shalt  }
0x6b: {  	_ =	shalt  }
0x6c: {  	_ =	shalt  }
0x6d: {  	_ =	shalt  }
0x6e: {  	_ =	shalt  }
0x6f: {  	_ =	shalt  }
0x70: {  	_ =	shalt  }
0x71: {  	_ =	shalt  }
0x72: {  	_ =	shalt  }
0x73: {  	_ =	shalt  }
0x74: {  	_ =	shalt  }
0x75: {  	_ =	shalt  }
0x76: {  	_ =	shalt  }
0x77: {  	_ =	shalt  }
0x78: {  	_ =	shalt  }
0x79: {  	_ =	shalt  }
0x7a: {  	_ =	shalt  }
0x7b: {  	_ =	shalt  }
0x7c: {  	_ =	shalt  }
0x7d: {  	_ =	shalt  }
0x7e: {  	_ =	shalt  }
0x7f: {  	_ =	shalt  }
0x80: {  	_ =	shalt  }
0x81: {  	_ =	shalt  }
0x82: {  	_ =	shalt  }
0x83: {  	_ =	shalt  }
0x84: {  	_ =	shalt  }
0x85: {  	_ =	shalt  }
0x86: {  	_ =	shalt  }
0x87: {  	_ =	shalt  }
.Lfunc_end0:
.L_simem_size_0:
called_computation.1_lowered:
.L_overlay_start_0:
0x88: {  	s2 =	sld [smem:$0x3FD9]  }
0x89: {  	s3 =	sld [smem:$0x3FFE];
	_ =	sdelay $0x1  }
0x8a: {  	s1 =	srdreg.scid  }
0x8b: {  	s0 =	sand.u32 $0x1, s1  }
0x8c: {  	s17 =	sshll.u32 s0, $0xA;
	s2 =	sadd.s32 s3, s2  }
0x8d: {  	s2 =	sadd.s32 s2, s17  }
0x8e: {  	[smem:$0x3FC6] =	sst s2  }
0x8f: {  	_ = 	snop  }
0x90: {  	(tm) =	ssettm $0x1  }
0x91: {  	s18 =	sld [smem:$0x3FFB];
	_ =	sdelay $0x3  }
0x92: {  	_ =	strace s18  }
0x93: {  	s2 =	sld [smem:$0x3FFC];
	_ =	sdelay $0x3  }
0x94: {  	_ =	strace s2  }
0x95: {  	s2 =	sld [smem:$0x3FFD];
	_ =	sdelay $0x3  }
0x96: {  	_ =	strace s2  }
0x97: {  	_ =	strace $0x8FFFFFFF  }
0x98: {  	s19 =	sld [smem:$0x3FDB];
	_ =	sdelay $0x1  }
0x99: {  	s20 =	simm.s32 $_scs_section_size  }
0x9a: {  	s4 =	simm.s32 $_size__tile_overlayer_lowered;
	s5 =	simm.s32 $_tile_overlayer_lowered  }
0x9b: {  	s6 =	simm.s32 $0x1BFF;
	s21 =	sshll.u32 s5, $0x1;
	s3 =	sadd.s32 s20, s19  }
0x9c: {  	s22 =	simm.s32 $0x0;
	s4 =	sshll.u32 s4, $0x1;
	s5 =	sadd.s32 s21, s3  }
0x9d: {  	[timem:s22], [sflag:s6] =	dma.local [hbm:s5], s4  }
0x9e: {  	_ =	swait.ge [sflag:s6], s4  }
0x9f: {  	s4 =	ssub.s32 $0x0, s4;
	[sflag:s6] =	ssyncset.done $0x0  }
0xa0: {  	[sflag:s6] =	ssyncadd.s32 s4;
	_ =	sdelay $0x1  }
0xa1: {  	s23 =	simm.s32 $0x1B8B  }
0xa2: {  	_ =	swait.ge [sflag:s23], $0x1  }
0xa3: {  	[sflag:s23] =	ssyncset.done $0x0  }
0xa4: {  	[sflag:s23] =	ssyncadd.s32 $0xFFFFFFFF  }
0xa5: {  	s4 =	sld [smem:$0x0]  }
0xa6: {  	s5 =	sand.u32 $0xFFFFFFFE, s1  }
0xa7: {  	p0 =	sne.s32 s1, s5  }
0xa8: {  	s5 =	sshll.u32 @p0 s5, $0xE  }
0xa9: {  	s5 =	sadd.s32 @p0 $0x11B8D, s5;
	s6 =	sshll.u32 @p0 s4, $0x11  }
0xaa: {  	s5 =	sor.u32 @p0 s6, s5  }
0xab: {  	[sflag:s5] =	ssyncadd.remote.s32 @p0 $0x1;
	_ =	sdelay $0x1  }
0xac: {  	s5 =	simm.s32 @p0 $0x1B8D  }
0xad: {  	_ =	swait.eq @p0 [sflag:s5], $0x1  }
0xae: {  	[sflag:s5] =	ssyncadd.s32 @p0 $0xFFFFFFFF  }
0xaf: {  	s6 =	sshll.u32 @!p0 s1, $0xE  }
0xb0: {  	s6 =	sor.u32 @!p0 $0x4000, s6;
	s5 =	simm.s32 @!p0 $0x1B8D  }
0xb1: {  	s4 =	sshll.u32 @!p0 s4, $0x11;
	s6 =	sadd.s32 @!p0 $0x11B8D, s6;
	_ =	swait.eq @!p0 [sflag:s5], $0x1  }
0xb2: {  	s4 =	sor.u32 @!p0 s4, s6;
	[sflag:s5] =	ssyncadd.s32 @!p0 $0xFFFFFFFF  }
0xb3: {  	s25 =	simm.s32 $0x1B8E;
	s24 =	sld [smem:$0x3FFE];
	[sflag:s4] =	ssyncadd.remote.s32 @!p0 $0x1  }
0xb4: {  	s26 =	simm.s32 $execute0_lowered;
	[smem:$0x3FD2] =	sst s25  }
0xb5: {  	s5 =	sshll.u32 s26, $0x1;
	_ =	strace $0x80000049;
	[dreg:$0x1] =	wrdreg $0xFFFFFFFF  }
0xb6: {  	s28 =	simm.s32 $_size_execute0_lowered;
	s3 =	sadd.s32 s3, s5;
	[dreg:$0x0] =	wrdreg $0x0  }
0xb7: {  	s5 =	sshll.u32 s28, $0x1;
	[dreg:$0x2] =	wrdreg s3  }
0xb8: {  	[dreg:$0x3] =	wrdreg s5  }
0xb9: {  	[dreg:$0x4] =	wrdreg $0xC0  }
0xba: {  	_ =	task [dreg:s22], $0x5FFFF  }
0xbb: {  	[dreg:$0x1] =	wrdreg $0xFFFFFFFF  }
0xbc: {  	[dreg:$0x0] =	wrdreg $0x60  }
0xbd: {  	[dreg:$0x2] =	wrdreg s24  }
0xbe: {  	[dreg:$0x3] =	wrdreg $0xA  }
0xbf: {  	_ =	task.clear_ibuf [dreg:s22], $0x4FFFF;
	_ =	strace $0x90000049  }
0xc0: {  	s29 =	simm.s32 $0xA;
	_ =	strace $0x8000004B  }
0xc1: {  	_ =	swait.ge [sflag:s29], $0x1  }
0xc2: {  	[sflag:s29] =	ssyncadd.s32 $0xFFFFFFFF  }
0xc3: {  	_ =	strace $0x9000004B  }
0xc4: {  	_ =	sfence  }
0xc5: {  	s30 =	sld [smem:$0x0];
	_ =	sdelay $0x2  }
0xc6: {  	s31 =	sshll.u32 s1, $0xD;
	s1 =	sshrl.u32 s1, $0x2  }
0xc7: {  	s4 =	sand.u32 $0x4000, s31;
	s1 =	sadd.s32 s1, s30  }
0xc8: {  	s0 =	sor.u32 s4, s0;
	s1 =	sshll.u32 s1, $0x11  }
0xc9: {  	s0 =	sor.u32 s1, s0  }
0xca: {  	s0 =	sadd.s32 $0x8F2B, s0  }
0xcb: {  	[sflag:s0] =	ssyncadd.remote.s32 $0x1  }
0xcc: {  	_ =	sfence.sel $0xFFFF  }
0xcd: {  	[dreg:$0x0] =	wrdreg $0xFFFFFFFF;
	(pc) =	sbr.abs _section_cstart, $3  }
0xce: {  	[dreg:$0x1] =	wrdreg $0xFFFFFFFF  }
0xcf: {  	_ =	task.clear_ibuf [dreg:s22], $0x2FFFF;
	_ =	strace $0x9FFFFFFF  }
0xd0: {  	(tm) =	ssettm $0x7FFFFFFF  }
0xd1: {  	_ =	shalt  }
tec
execute0_lowered:
.L_overlay_start_1:
0x0: {  	(tag) =	ssettag $0x1  }
0x1: {  	s5 =	rddreg [dreg:$0x0]  }
0x2: {  	s0 =	rddreg [dreg:$0x1];
	s2 =	simm.s32 $0x0;
	s3 =	srdreg.scid  }
0x3: {  	s1 =	stileid.u32;
	s12 =	simm.s32 $0x2710;
	s13 =	simm.s32 $0x4E20  }
0x4: {  	s14 =	simm.s32 $0x1;
	s15 =	simm.s32 $0x7530;
	s16 =	simm.s32 $0x2  }
0x5: {  	s17 =	simm.s32 $0x8530;
	s18 =	simm.s32 $0x9530;
	s19 =	simm.s32 $0xA530  }
0x6: {  	s20 =	simm.s32 $0xB530;
	s21 =	simm.s32 $0x0;
	s3 =	sand.u32 $0x1, s3  }
0x7: {  	[smem:$0x7FF] =	sst s2;
	s4 =	sshll.u32 s1, $0xA;
	s6 =	sshll.u32 s3, $0x9  }
0x8: {  	s7 =	ssub.s32 $0x2, s3;
	_ =	strace $0x8000004A;
	s4 =	sor.u32 s6, s4  }
0x9: {  	s3 =	sadd.s32 $0xA200, s5;
	s31 =	sshrl.u32 s7, $0x1;
	s10 =	sadd.s32 s4, s5  }
0xa: {  	s11 =	ssub.s32 s7, s31;
	s4 =	sadd.s32 $0xA6E2, s5;
	s5 =	sadd.s32 $0xABC4, s5  }
0xb: {  	s6 =	sadd.s32 $0x6200, s10;
	s7 =	sadd.s32 $0x2200, s10;
	s8 =	sadd.s32 $0xB200, s10  }
0xc: {  	s9 =	sadd.s32 $0xF200, s10;
	s10 =	sadd.s32 $0x13200, s10;
	s11 =	smax.u32 s11, $0x1  }
.LBB2_1:
0xd: {  	[tilespmem:s2], [sflag:$0x1] =	stream.linear.gather [hbm4b:s3+s2], $0x2710, $0x38;
	[tilespmem:$0xC530] =	vst v63  }
0xe: {  	_ = 	snop  }
0xf: {  	[tilespmem:s12], [sflag:$0x1] =	stream.linear.gather [hbm4b:s4+s2], $0x2710, $0x38;
	[tilespmem:$0xC530] =	vst v63  }
0x10: {  	_ = 	snop  }
0x11: {  	[tilespmem:s13], [sflag:$0x1] =	stream.linear.gather [hbm4b:s5+s2], $0x2710, $0x38;
	[tilespmem:$0xC530] =	vst v63  }
0x12: {  	_ =	swait.ge [sflag:s14], $0x2710  }
0x13: {  	[sflag:s14] =	ssyncset.done $0x0  }
0x14: {  	[sflag:s14] =	ssyncadd.s32 $0xFFFFD8F0  }
0x15: {  	_ =	swait.ge [sflag:s14], $0x2710  }
0x16: {  	[sflag:s14] =	ssyncset.done $0x0  }
0x17: {  	[sflag:s14] =	ssyncadd.s32 $0xFFFFD8F0  }
0x18: {  	_ =	swait.ge [sflag:s14], $0x2710  }
0x19: {  	[sflag:s14] =	ssyncset.done $0x0  }
0x1a: {  	[sflag:s14] =	ssyncadd.s32 $0xFFFFD8F0  }
0x1b: {  	[tilespmem:s15], [sflag:$0x2] =	stream.linear.gather [hbm4b:s6+s2], $0x1000, $0x38;
	[tilespmem:$0xC530] =	vst v63  }
0x1c: {  	_ =	swait.ge [sflag:s16], $0x1000  }
0x1d: {  	[sflag:s16] =	ssyncset.done $0x0  }
0x1e: {  	[sflag:s16] =	ssyncadd.s32 $0xFFFFF000  }
0x1f: {  	[tilespmem:s17], [sflag:$0x2] =	stream.linear.gather [hbm4b:s7+s2], $0x1000, $0x38;
	[tilespmem:$0xC530] =	vst v63  }
0x20: {  	_ =	swait.ge [sflag:s16], $0x1000  }
0x21: {  	[sflag:s16] =	ssyncset.done $0x0  }
0x22: {  	s24 =	simm.s32 $0x8570;
	[sflag:s16] =	ssyncadd.s32 $0xFFFFF000  }
0x23: {  	s22 =	simm.s32 $0x7570;
	v0 =	vld [tilespmem:s24+$0x30]  }
0x24: {  	v1 =	vld [tilespmem:s22+$0x30]  }
0x25: {  	v2 =	vld [tilespmem:s24+$0xFFFFFFC0]  }
0x26: {  	v3 =	vld [tilespmem:s22+$0xFFFFFFD0]  }
0x27: {  	v4 =	vld [tilespmem:s24+$0xFFFFFFD0]  }
0x28: {  	v5 =	vld [tilespmem:s22+$0xFFFFFFE0]  }
0x29: {  	v6 =	vld [tilespmem:s24+$0xFFFFFFE0]  }
0x2a: {  	v7 =	vld [tilespmem:s22+$0xFFFFFFF0]  }
0x2b: {  	v10 =	vld [tilespmem:s24+$0xFFFFFFF0]  }
0x2c: {  	v11 =	vld [tilespmem:s22+$0x0]  }
0x2d: {  	v12 =	vld [tilespmem:s24+$0x0]  }
0x2e: {  	v13 =	vld [tilespmem:s22+$0x10]  }
0x2f: {  	v14 =	vld [tilespmem:s24+$0x10]  }
0x30: {  	v15 =	vld [tilespmem:s22+$0x20]  }
0x31: {  	v46 =	vld [tilespmem:s24+$0x20]  }
0x32: {  	v16 =	vld [tilespmem:s22+$0xFFFFFFC0]  }
0x33: {  	v8 =	vld.idx.msk [tilespmem:v0+s2+$0x0], $0xffff  }
0x34: {  	v9 =	vld.idx.msk [tilespmem:v1+s2+$0x0], $0xffff  }
0x35: {  	v18 =	vld.idx.msk [tilespmem:v2+s2+$0x0], $0xffff  }
0x36: {  	v19 =	vld.idx.msk [tilespmem:v4+s2+$0x0], $0xffff  }
0x37: {  	v20 =	vld.idx.msk [tilespmem:v3+s2+$0x0], $0xffff  }
0x38: {  	v21 =	vld.idx.msk [tilespmem:v6+s2+$0x0], $0xffff  }
0x39: {  	v22 =	vld.idx.msk [tilespmem:v5+s2+$0x0], $0xffff  }
0x3a: {  	v23 =	vld.idx.msk [tilespmem:v16+s2+$0x0], $0xffff  }
0x3b: {  	v47 =	vld.idx.msk [tilespmem:v10+s2+$0x0], $0xffff  }
0x3c: {  	v24 =	vld.idx.msk [tilespmem:v7+s2+$0x0], $0xffff  }
0x3d: {  	v25 =	vld.idx.msk [tilespmem:v11+s2+$0x0], $0xffff  }
0x3e: {  	v26 =	vld.idx.msk [tilespmem:v14+s2+$0x0], $0xffff  }
0x3f: {  	v48 =	vld.idx.msk [tilespmem:v13+s2+$0x0], $0xffff;
	v8 =	vsub.f32 v8, v9  }
0x40: {  	s23 =	simm.s32 $0x9570;
	v27 =	vld.idx.msk [tilespmem:v46+s2+$0x0], $0xffff  }
0x41: {  	v49 =	vld.idx.msk [tilespmem:v15+s2+$0x0], $0xffff;
	v18 =	vsub.f32 v18, v23;
	[tilespmem:s23+$0x30] =	vst v8  }
0x42: {  	v8 =	vld.idx.msk [tilespmem:v0+s12+$0x0], $0xffff  }
0x43: {  	v19 =	vsub.f32 v19, v20;
	[tilespmem:s23+$0xFFFFFFC0] =	vst v18;
	v17 =	vld.idx.msk [tilespmem:v1+s12+$0x0], $0xffff  }
0x44: {  	v50 =	vld.idx.msk [tilespmem:v2+s12+$0x0], $0xffff  }
0x45: {  	v51 =	vsub.f32 v21, v22;
	[tilespmem:s23+$0xFFFFFFD0] =	vst v19;
	v52 =	vld.idx.msk [tilespmem:v16+s12+$0x0], $0xffff  }
0x46: {  	v53 =	vld.idx.msk [tilespmem:v4+s12+$0x0], $0xffff  }
0x47: {  	[tilespmem:s23+$0xFFFFFFE0] =	vst v51;
	v54 =	vld.idx.msk [tilespmem:v3+s12+$0x0], $0xffff  }
0x48: {  	v55 =	vld.idx.msk [tilespmem:v6+s12+$0x0], $0xffff;
	v8 =	vsub.f32 v8, v17  }
0x49: {  	s24 =	simm.s32 $0xA570;
	v56 =	vld.idx.msk [tilespmem:v5+s12+$0x0], $0xffff  }
0x4a: {  	v17 =	vsub.f32 v47, v24;
	[tilespmem:s24+$0x30] =	vst v8;
	v8 =	vld.idx.msk [tilespmem:v12+s2+$0x0], $0xffff  }
0x4b: {  	v0 =	vld.idx.msk [tilespmem:v0+s13+$0x0], $0xffff  }
0x4c: {  	v20 =	vsub.f32 v50, v52;
	[tilespmem:s23+$0xFFFFFFF0] =	vst v17;
	v1 =	vld.idx.msk [tilespmem:v1+s13+$0x0], $0xffff  }
0x4d: {  	v57 =	vld.idx.msk [tilespmem:v10+s12+$0x0], $0xffff  }
0x4e: {  	v19 =	vsub.f32 v53, v54;
	[tilespmem:s24+$0xFFFFFFC0] =	vst v20;
	v58 =	vld.idx.msk [tilespmem:v7+s12+$0x0], $0xffff  }
0x4f: {  	v17 =	vsub.f32 v55, v56;
	v2 =	vld.idx.msk [tilespmem:v2+s13+$0x0], $0xffff  }
0x50: {  	[tilespmem:s24+$0xFFFFFFD0] =	vst v19;
	v16 =	vld.idx.msk [tilespmem:v16+s13+$0x0], $0xffff  }
0x51: {  	v19 =	vld.idx.msk [tilespmem:v4+s13+$0x0], $0xffff;
	[tilespmem:s24+$0xFFFFFFE0] =	vst v17;
	v8 =	vsub.f32 v8, v25  }
0x52: {  	v6 =	vld.idx.msk [tilespmem:v6+s13+$0x0], $0xffff  }
0x53: {  	v5 =	vld.idx.msk [tilespmem:v5+s13+$0x0], $0xffff;
	[tilespmem:s23+$0x0] =	vst v8;
	v8 =	vsub.f32 v26, v48  }
0x54: {  	v59 =	vld.idx.msk [tilespmem:v12+s12+$0x0], $0xffff  }
0x55: {  	v60 =	vld.idx.msk [tilespmem:v11+s12+$0x0], $0xffff;
	[tilespmem:s23+$0x10] =	vst v8;
	v8 =	vsub.f32 v27, v49  }
0x56: {  	v61 =	vld.idx.msk [tilespmem:v14+s12+$0x0], $0xffff  }
0x57: {  	[tilespmem:s23+$0x20] =	vst v8;
	v8 =	vld.idx.msk [tilespmem:v13+s12+$0x0], $0xffff  }
0x58: {  	v4 =	vsub.f32 v57, v58;
	v62 =	vld.idx.msk [tilespmem:v46+s12+$0x0], $0xffff  }
0x59: {  	v63 =	vld.idx.msk [tilespmem:v15+s12+$0x0], $0xffff  }
0x5a: {  	v3 =	vld.idx.msk [tilespmem:v3+s13+$0x0], $0xffff;
	[tilespmem:s24+$0xFFFFFFF0] =	vst v4;
	v4 =	vsub.f32 v59, v60  }
0x5b: {  	v0 =	vsub.f32 v0, v1;
	v10 =	vld.idx.msk [tilespmem:v10+s13+$0x0], $0xffff  }
0x5c: {  	s25 =	simm.s32 $0xB570;
	v7 =	vld.idx.msk [tilespmem:v7+s13+$0x0], $0xffff;
	[tilespmem:s24+$0x0] =	vst v4;
	v4 =	vsub.f32 v61, v8  }
0x5d: {  	[tilespmem:s25+$0x30] =	vst v0;
	v6 =	vsub.f32 v6, v5;
	v1 =	vld.idx.msk [tilespmem:v12+s13+$0x0], $0xffff  }
0x5e: {  	v0 =	vsub.f32 v62, v63;
	[tilespmem:s24+$0x10] =	vst v4;
	v4 =	vld.idx.msk [tilespmem:v11+s13+$0x0], $0xffff  }
0x5f: {  	[tilespmem:s25+$0xFFFFFFE0] =	vst v6;
	v8 =	vsub.f32 v2, v16;
	v2 =	vld.idx.msk [tilespmem:v14+s13+$0x0], $0xffff  }
0x60: {  	[tilespmem:s24+$0x20] =	vst v0;
	v0 =	vsub.f32 v19, v3;
	v5 =	vld.idx.msk [tilespmem:v13+s13+$0x0], $0xffff  }
0x61: {  	[tilespmem:s25+$0xFFFFFFC0] =	vst v8;
	v3 =	vld.idx.msk [tilespmem:v46+s13+$0x0], $0xffff  }
0x62: {  	s26 =	simm.s32 $0x0;
	s28 =	simm.s32 $0x85F0;
	v6 =	vsub.f32 v10, v7;
	[tilespmem:s25+$0xFFFFFFD0] =	vst v0;
	v0 =	vld.idx.msk [tilespmem:v15+s13+$0x0], $0xffff  }
.LBB2_2:
0x63: {  	v12 =	vld [tilespmem:s28+$0x30];
	s22 =	sadd.s32 $0x80, s22  }
0x64: {  	v4 =	vsub.f32 v1, v4;
	v13 =	vld [tilespmem:s22+$0x30];
	[tilespmem:s25+$0xFFFFFFF0] =	vst v6  }
0x65: {  	v6 =	vld [tilespmem:s28+$0xFFFFFFC0]  }
0x66: {  	s26 =	sadd.s32 $0x80, s26;
	v2 =	vsub.f32 v2, v5;
	v1 =	vld [tilespmem:s22+$0xFFFFFFD0];
	[tilespmem:s25+$0x0] =	vst v4  }
0x67: {  	p0 =	slt.u32 s26, $0xF80;
	v8 =	vld [tilespmem:s28+$0xFFFFFFD0]  }
0x68: {  	v0 =	vsub.f32 v3, v0;
	v4 =	vld [tilespmem:s22+$0xFFFFFFE0];
	[tilespmem:s25+$0x10] =	vst v2  }
0x69: {  	v10 =	vld [tilespmem:s28+$0xFFFFFFE0]  }
0x6a: {  	v2 =	vld [tilespmem:s22+$0xFFFFFFF0];
	[tilespmem:s25+$0x20] =	vst v0  }
0x6b: {  	v7 =	vld.idx.msk [tilespmem:v12+s2+$0x0], $0xffff  }
0x6c: {  	v14 =	vld.idx.msk [tilespmem:v13+s2+$0x0], $0xffff  }
0x6d: {  	v15 =	vld [tilespmem:s28+$0xFFFFFFF0]  }
0x6e: {  	v5 =	vld [tilespmem:s22+$0x0]  }
0x6f: {  	v11 =	vld [tilespmem:s28+$0x0]  }
0x70: {  	v3 =	vld [tilespmem:s22+$0x10]  }
0x71: {  	v9 =	vld [tilespmem:s28+$0x10]  }
0x72: {  	v14 =	vsub.f32 v7, v14;
	v0 =	vld [tilespmem:s22+$0x20]  }
0x73: {  	s23 =	sadd.s32 $0x80, s23;
	v7 =	vld [tilespmem:s28+$0x20]  }
0x74: {  	v16 =	vld [tilespmem:s22+$0xFFFFFFC0];
	[tilespmem:s23+$0x30] =	vst v14  }
0x75: {  	v14 =	vld.idx.msk [tilespmem:v12+s12+$0x0], $0xffff  }
0x76: {  	v17 =	vld.idx.msk [tilespmem:v13+s12+$0x0], $0xffff  }
0x77: {  	v18 =	vld.idx.msk [tilespmem:v6+s2+$0x0], $0xffff  }
0x78: {  	v19 =	vld.idx.msk [tilespmem:v8+s2+$0x0], $0xffff  }
0x79: {  	v20 =	vld.idx.msk [tilespmem:v1+s2+$0x0], $0xffff  }
0x7a: {  	v21 =	vld.idx.msk [tilespmem:v10+s2+$0x0], $0xffff  }
0x7b: {  	v22 =	vld.idx.msk [tilespmem:v4+s2+$0x0], $0xffff  }
0x7c: {  	v14 =	vsub.f32 v14, v17;
	v23 =	vld.idx.msk [tilespmem:v16+s2+$0x0], $0xffff  }
0x7d: {  	s24 =	sadd.s32 $0x80, s24;
	v17 =	vld.idx.msk [tilespmem:v15+s2+$0x0], $0xffff  }
0x7e: {  	v24 =	vld.idx.msk [tilespmem:v2+s2+$0x0], $0xffff;
	[tilespmem:s24+$0x30] =	vst v14  }
0x7f: {  	v14 =	vsub.f32 v19, v20;
	v12 =	vld.idx.msk [tilespmem:v12+s13+$0x0], $0xffff  }
0x80: {  	v13 =	vld.idx.msk [tilespmem:v13+s13+$0x0], $0xffff  }
0x81: {  	[tilespmem:s23+$0xFFFFFFD0] =	vst v14;
	v14 =	vsub.f32 v21, v22;
	v19 =	vld.idx.msk [tilespmem:v11+s2+$0x0], $0xffff  }
0x82: {  	v18 =	vsub.f32 v18, v23;
	v20 =	vld.idx.msk [tilespmem:v5+s2+$0x0], $0xffff  }
0x83: {  	[tilespmem:s23+$0xFFFFFFE0] =	vst v14;
	v14 =	vld.idx.msk [tilespmem:v9+s2+$0x0], $0xffff  }
0x84: {  	v17 =	vsub.f32 v17, v24;
	[tilespmem:s23+$0xFFFFFFC0] =	vst v18;
	v18 =	vld.idx.msk [tilespmem:v3+s2+$0x0], $0xffff  }
0x85: {  	v21 =	vld.idx.msk [tilespmem:v7+s2+$0x0], $0xffff  }
0x86: {  	v12 =	vsub.f32 v12, v13;
	[tilespmem:s23+$0xFFFFFFF0] =	vst v17;
	v17 =	vld.idx.msk [tilespmem:v0+s2+$0x0], $0xffff  }
0x87: {  	s25 =	sadd.s32 $0x80, s25;
	v13 =	vld.idx.msk [tilespmem:v6+s12+$0x0], $0xffff  }
0x88: {  	v19 =	vsub.f32 v19, v20;
	v22 =	vld.idx.msk [tilespmem:v16+s12+$0x0], $0xffff;
	[tilespmem:s25+$0x30] =	vst v12  }
0x89: {  	v12 =	vld.idx.msk [tilespmem:v8+s12+$0x0], $0xffff  }
0x8a: {  	v14 =	vsub.f32 v14, v18;
	v20 =	vld.idx.msk [tilespmem:v1+s12+$0x0], $0xffff;
	[tilespmem:s23+$0x0] =	vst v19  }
0x8b: {  	v18 =	vld.idx.msk [tilespmem:v10+s12+$0x0], $0xffff  }
0x8c: {  	v19 =	vld.idx.msk [tilespmem:v4+s12+$0x0], $0xffff;
	[tilespmem:s23+$0x10] =	vst v14;
	v14 =	vsub.f32 v21, v17  }
0x8d: {  	v17 =	vld.idx.msk [tilespmem:v15+s12+$0x0], $0xffff  }
0x8e: {  	v13 =	vsub.f32 v13, v22;
	v21 =	vld.idx.msk [tilespmem:v2+s12+$0x0], $0xffff;
	[tilespmem:s23+$0x20] =	vst v14  }
0x8f: {  	v14 =	vld.idx.msk [tilespmem:v11+s12+$0x0], $0xffff  }
0x90: {  	v12 =	vsub.f32 v12, v20;
	[tilespmem:s24+$0xFFFFFFC0] =	vst v13;
	v13 =	vld.idx.msk [tilespmem:v5+s12+$0x0], $0xffff  }
0x91: {  	v20 =	vld.idx.msk [tilespmem:v9+s12+$0x0], $0xffff  }
0x92: {  	[tilespmem:s24+$0xFFFFFFD0] =	vst v12;
	v12 =	vsub.f32 v18, v19;
	v18 =	vld.idx.msk [tilespmem:v3+s12+$0x0], $0xffff  }
0x93: {  	v19 =	vld.idx.msk [tilespmem:v7+s12+$0x0], $0xffff  }
0x94: {  	[tilespmem:s24+$0xFFFFFFE0] =	vst v12;
	v12 =	vsub.f32 v17, v21;
	v17 =	vld.idx.msk [tilespmem:v0+s12+$0x0], $0xffff  }
0x95: {  	v6 =	vld.idx.msk [tilespmem:v6+s13+$0x0], $0xffff  }
0x96: {  	v16 =	vld.idx.msk [tilespmem:v16+s13+$0x0], $0xffff;
	[tilespmem:s24+$0xFFFFFFF0] =	vst v12;
	v12 =	vsub.f32 v14, v13  }
0x97: {  	v8 =	vld.idx.msk [tilespmem:v8+s13+$0x0], $0xffff  }
0x98: {  	v13 =	vld.idx.msk [tilespmem:v1+s13+$0x0], $0xffff;
	[tilespmem:s24+$0x0] =	vst v12;
	v1 =	vsub.f32 v20, v18  }
0x99: {  	v10 =	vld.idx.msk [tilespmem:v10+s13+$0x0], $0xffff  }
0x9a: {  	v12 =	vld.idx.msk [tilespmem:v4+s13+$0x0], $0xffff;
	[tilespmem:s24+$0x10] =	vst v1;
	v1 =	vsub.f32 v19, v17  }
0x9b: {  	v14 =	vld.idx.msk [tilespmem:v15+s13+$0x0], $0xffff  }
0x9c: {  	v4 =	vsub.f32 v6, v16;
	v6 =	vld.idx.msk [tilespmem:v2+s13+$0x0], $0xffff;
	[tilespmem:s24+$0x20] =	vst v1  }
0x9d: {  	v1 =	vld.idx.msk [tilespmem:v11+s13+$0x0], $0xffff  }
.Ltmp0:
0x9e: {  	v8 =	vsub.f32 v8, v13;
	[tilespmem:s25+$0xFFFFFFC0] =	vst v4;
	v4 =	vld.idx.msk [tilespmem:v5+s13+$0x0], $0xffff;
	(pc) =	sbr.rel @p0 .LBB2_2-.Ltmp0, $4  }
0x9f: {  	v2 =	vld.idx.msk [tilespmem:v9+s13+$0x0], $0xffff  }
0xa0: {  	[tilespmem:s25+$0xFFFFFFD0] =	vst v8;
	v8 =	vsub.f32 v10, v12;
	v5 =	vld.idx.msk [tilespmem:v3+s13+$0x0], $0xffff  }
0xa1: {  	v3 =	vld.idx.msk [tilespmem:v7+s13+$0x0], $0xffff  }
0xa2: {  	s28 =	sadd.s32 $0x80, s28;
	v6 =	vsub.f32 v14, v6;
	[tilespmem:s25+$0xFFFFFFE0] =	vst v8;
	v0 =	vld.idx.msk [tilespmem:v0+s13+$0x0], $0xffff  }
0xa3: {  	_ =	sdelay $0x1  }
0xa4: {  	v1 =	vsub.f32 v1, v4  }
0xa5: {  	[tilespmem:s25+$0xFFFFFFF0] =	vst v6;
	v2 =	vsub.f32 v2, v5  }
0xa6: {  	[tilespmem:s25+$0x0] =	vst v1;
	v0 =	vsub.f32 v3, v0  }
0xa7: {  	[tilespmem:s25+$0x10] =	vst v2  }
0xa8: {  	[tilespmem:s25+$0x20] =	vst v0  }
0xa9: {  	[hbm4b:s8+s2] =	stream.linear.scatter [tilespmem:s18], [sflag:$0x2], $0x1000, $0x38;
	[tilespmem:$0xC530] =	vst v63  }
0xaa: {  	_ =	swait.ge [sflag:s16], $0x1000  }
0xab: {  	[sflag:s16] =	ssyncset.done $0x0  }
0xac: {  	[sflag:s16] =	ssyncadd.s32 $0xFFFFF000  }
0xad: {  	[hbm4b:s9+s2] =	stream.linear.scatter [tilespmem:s19], [sflag:$0x2], $0x1000, $0x38;
	[tilespmem:$0xC530] =	vst v63  }
0xae: {  	s21 =	sadd.s32 $0x1, s21;
	_ =	swait.ge [sflag:s16], $0x1000  }
0xaf: {  	p0 =	sne.s32 s21, s11;
	[sflag:s16] =	ssyncset.done $0x0  }
.Ltmp1:
0xb0: {  	[sflag:s16] =	ssyncadd.s32 $0xFFFFF000;
	(pc) =	sbr.rel @p0 .LBB2_1-.Ltmp1, $4  }
0xb1: {  	[hbm4b:s10+s2] =	stream.linear.scatter [tilespmem:s20], [sflag:$0x2], $0x1000, $0x38;
	[tilespmem:$0xC530] =	vst v63  }
0xb2: {  	_ =	swait.ge [sflag:s16], $0x1000  }
0xb3: {  	[sflag:s16] =	ssyncset.done $0x0  }
0xb4: {  	[sflag:s16] =	ssyncadd.s32 $0xFFFFF000  }
0xb5: {  	_ =	sfence.sel $0x180000  }
0xb6: {  	[bflag:$0x0] =	sbarrier.arrive $0xFFFF  }
0xb7: {  	p0 =	sne.s32 s1, $0x0;
	_ =	strace $0x9000004A  }
0xb8: {  	s0 =	sadd.s32 @!p0 $0x100000, s0;
	[bflag:$0x2] =	sbarrier.arrive $0xFFFF  }
0xb9: {  	[sflag:s0] =	ssyncadd.tile.s32 @!p0 $0x1;
	_ =	shalt  }
.Lfunc_end2:
_tile_overlayer_lowered:
.L_overlay_start_2:
0xba: {  	(tag) =	ssettag $0x2  }
0xbb: {  	s0 =	rddreg [dreg:$0x0];
	s2 =	stileid.u32  }
0xbc: {  	s1 =	rddreg [dreg:$0x1];
	p0 =	sne.s32 s2, $0x0  }
0xbd: {  	s3 =	rddreg [dreg:$0x2];
	[bflag:$0x3] =	sbarrier.arrive $0xFFFF;
	s2 =	simm.s32 @!p0 $0x1C02  }
0xbe: {  	[timem:s3], [sflag:s2] =	dma.local @!p0 [hbm:s0], s1  }
0xbf: {  	s0 =	simm.s32 @!p0 $0x2  }
0xc0: {  	_ =	swait.ge @!p0 [sflag:s0], s1  }
0xc1: {  	s1 =	ssub.s32 @!p0 $0x0, s1;
	[sflag:s0] =	ssyncset.done @!p0 $0x0  }
0xc2: {  	[sflag:s0] =	ssyncadd.s32 @!p0 s1  }
0xc3: {  	[bflag:$0x3] =	sbarrier.arrive $0xFFFF  }
0xc4: {  	_ =	shalt  }

// kernel: kernel.16.cloned.1.call-start
scs
__scs_entry_jumppad:
0x0: {  	(pc) =	sbr.rel $0x88, $3  }
0x1: {  	(tag) =	ssettag $0x0;
	lr =	simm.s32 $0x1  }
0x2: {  	[smem:$0x3F9F] =	sst lr;
	_ =	strace $0xD0000000  }
0x3: {  	_ = 	snop  }
0x4: {  	_ = 	snop  }
0x5: {  	_ = 	snop  }
0x6: {  	_ = 	snop  }
0x7: {  	_ = 	snop  }
__scs_overlays_trampoline_lowered:
0x8: {  	[smem:$0x3FAE] =	sst s0  }
0x9: {  	[smem:$0x3FAF] =	sst s1  }
0xa: {  	[smem:$0x3FB0] =	sst s2  }
0xb: {  	[smem:$0x3FB1] =	sst s3  }
0xc: {  	[smem:$0x3FB2] =	sst s4  }
0xd: {  	[smem:$0x3FB3] =	sst s5  }
0xe: {  	[smem:$0x3FB4] =	sst s6  }
0xf: {  	[smem:$0x3FB5] =	sst s7  }
0x10: {  	[smem:$0x3FB6] =	sst s8  }
0x11: {  	[smem:$0x3FB7] =	sst s9;
	s0 =	simm.s32 @!p0 $0x0  }
0x12: {  	s1 =	sld [smem:$0x3F9D];
	s0 =	simm.s32 @p0 $0x1  }
0x13: {  	[smem:$0x3FB8] =	sst s0;
	s0 =	simm.s32 @!p1 $0x0  }
0x14: {  	s2 =	sld [smem:$0x3F9C];
	s0 =	simm.s32 @p1 $0x1  }
0x15: {  	[smem:$0x3FB9] =	sst s0;
	s0 =	simm.s32 @!p2 $0x0  }
0x16: {  	s3 =	sld [smem:$0x3FDB];
	s0 =	simm.s32 @p2 $0x1  }
0x17: {  	s4 =	simm.s32 $0x1BF5;
	[smem:$0x3FBB] =	sst s0  }
0x18: {  	s0 =	sld [smem:$0x3F9E];
	_ =	swait.ge [sflag:s4], $0x0  }
0x19: {  	s7 =	sld [smem:$0x3F9F]  }
0x1a: {  	s8 =	sadd.s32 $0xFFFFE003, lr  }
0x1b: {  	s9 =	sadd.s32 $0xFFFFFEF7, lr;
	s5 =	simm.s32 $0xFFFFFFFF;
	p2 =	slt.u32 s8, $0xFFFFF086  }
0x1c: {  	p1 =	slt.u32 s9, $0xF7A;
	s5 =	simm.s32 @!p2 $0x0  }
0x1d: {  	s5 =	simm.s32 @p1 $0x1;
	p0 =	seq.s32 s7, s2  }
0x1e: {  	s7 =	smul.u32 @!p0 $0xF7A, s2;
	p2 =	seq.s32 @!p0 s5, $0x0  }
0x1f: {  	s9 =	smul.u32 $0xF7A, s1;
	s8 =	simm.s32 @!p0 $0x1BF5;
	p2 =	por !p2, p0  }
0x20: {  	[sflag:s8] =	ssyncset.s32 @!p0 $0xFFFFF086;
	s6 =	sadd.s32 @!p0 s3, s7;
	s7 =	simm.s32 @!p0 $0x108  }
0x21: {  	s3 =	sadd.s32 s3, s9;
	s6 =	sadd.s32 @!p0 $0x88, s6;
	s7 =	simm.s32 @p2 $0x1082  }
0x22: {  	[simem:s7], [sflag:s8] =	dma.local @!p0 [hbm:s6], $0xF7A  }
0x23: {  	s9 =	sor.u32 $0xD0000000, s2;
	s6 =	simm.s32 $0x108;
	_ =	swait.ge @!p0 [sflag:s8], $0x0  }
0x24: {  	s3 =	sadd.s32 $0x88, s3;
	s6 =	simm.s32 @!p1 $0x1082;
	[sflag:s4] =	ssyncset.s32 $0xFFFFF086  }
0x25: {  	[simem:s6], [sflag:s4] =	dma.local [hbm:s3], $0xF7A  }
0x26: {  	[smem:$0x3F9F] =	sst s1;
	(tag) =	ssettag s2;
	_ =	strace s9  }
0x27: {  	s1 =	sld [smem:$0x3FAF]  }
0x28: {  	s2 =	sld [smem:$0x3FB0]  }
0x29: {  	s4 =	sld [smem:$0x3FB2]  }
0x2a: {  	p0 =	seq.s32 s5, $0x0;
	s5 =	sld [smem:$0x3FB3]  }
0x2b: {  	s6 =	sld [smem:$0x3FB4]  }
0x2c: {  	s7 =	sld [smem:$0x3FB5]  }
0x2d: {  	s3 =	simm.s32 $0x108;
	s8 =	sld [smem:$0x3FB6]  }
0x2e: {  	s3 =	simm.s32 @!p0 $0x1082;
	s9 =	sld [smem:$0x3FB7]  }
0x2f: {  	lr =	sadd.s32 s0, s3;
	s0 =	sld [smem:$0x3FAE]  }
0x30: {  	s3 =	sld [smem:$0x3FB1]  }
0x31: {  	[smem:$0x3FBA] =	sst s10  }
0x32: {  	s10 =	sld [smem:$0x3FB8];
	_ =	sdelay $0x3  }
0x33: {  	p0 =	seq.s32 s10, $0x1;
	s10 =	sld [smem:$0x3FBA];
	_ =	sdelay $0x3  }
0x34: {  	[smem:$0x3FBA] =	sst s10  }
0x35: {  	s10 =	sld [smem:$0x3FB9];
	_ =	sdelay $0x3  }
0x36: {  	p1 =	seq.s32 s10, $0x1;
	s10 =	sld [smem:$0x3FBA];
	_ =	sdelay $0x3  }
0x37: {  	[smem:$0x3FBA] =	sst s10  }
0x38: {  	s10 =	sld [smem:$0x3FBB]  }
0x39: {  	_ = 	snop;
	(pc) =	sbr.ind lr, $3  }
0x3a: {  	_ = 	snop  }
0x3b: {  	_ = 	snop  }
0x3c: {  	p2 =	seq.s32 s10, $0x1;
	s10 =	sld [smem:$0x3FBA]  }
0x3d: {  	_ =	shalt  }
0x3e: {  	_ =	shalt  }
0x3f: {  	_ =	shalt  }
0x40: {  	_ =	shalt  }
0x41: {  	_ =	shalt  }
0x42: {  	_ =	shalt  }
0x43: {  	_ =	shalt  }
0x44: {  	_ =	shalt  }
0x45: {  	_ =	shalt  }
0x46: {  	_ =	shalt  }
0x47: {  	_ =	shalt  }
0x48: {  	_ =	shalt  }
0x49: {  	_ =	shalt  }
0x4a: {  	_ =	shalt  }
0x4b: {  	_ =	shalt  }
0x4c: {  	_ =	shalt  }
0x4d: {  	_ =	shalt  }
0x4e: {  	_ =	shalt  }
0x4f: {  	_ =	shalt  }
0x50: {  	_ =	shalt  }
0x51: {  	_ =	shalt  }
0x52: {  	_ =	shalt  }
0x53: {  	_ =	shalt  }
0x54: {  	_ =	shalt  }
0x55: {  	_ =	shalt  }
0x56: {  	_ =	shalt  }
0x57: {  	_ =	shalt  }
0x58: {  	_ =	shalt  }
0x59: {  	_ =	shalt  }
0x5a: {  	_ =	shalt  }
0x5b: {  	_ =	shalt  }
0x5c: {  	_ =	shalt  }
0x5d: {  	_ =	shalt  }
0x5e: {  	_ =	shalt  }
0x5f: {  	_ =	shalt  }
0x60: {  	_ =	shalt  }
0x61: {  	_ =	shalt  }
0x62: {  	_ =	shalt  }
0x63: {  	_ =	shalt  }
0x64: {  	_ =	shalt  }
0x65: {  	_ =	shalt  }
0x66: {  	_ =	shalt  }
0x67: {  	_ =	shalt  }
0x68: {  	_ =	shalt  }
0x69: {  	_ =	shalt  }
0x6a: {  	_ =	shalt  }
0x6b: {  	_ =	shalt  }
0x6c: {  	_ =	shalt  }
0x6d: {  	_ =	shalt  }
0x6e: {  	_ =	shalt  }
0x6f: {  	_ =	shalt  }
0x70: {  	_ =	shalt  }
0x71: {  	_ =	shalt  }
0x72: {  	_ =	shalt  }
0x73: {  	_ =	shalt  }
0x74: {  	_ =	shalt  }
0x75: {  	_ =	shalt  }
0x76: {  	_ =	shalt  }
0x77: {  	_ =	shalt  }
0x78: {  	_ =	shalt  }
0x79: {  	_ =	shalt  }
0x7a: {  	_ =	shalt  }
0x7b: {  	_ =	shalt  }
0x7c: {  	_ =	shalt  }
0x7d: {  	_ =	shalt  }
0x7e: {  	_ =	shalt  }
0x7f: {  	_ =	shalt  }
0x80: {  	_ =	shalt  }
0x81: {  	_ =	shalt  }
0x82: {  	_ =	shalt  }
0x83: {  	_ =	shalt  }
0x84: {  	_ =	shalt  }
0x85: {  	_ =	shalt  }
0x86: {  	_ =	shalt  }
0x87: {  	_ =	shalt  }
.Lfunc_end0:
.L_simem_size_0:
called_computation.2_lowered:
.L_overlay_start_0:
0x88: {  	s2 =	sld [smem:$0x3FD9]  }
0x89: {  	s3 =	sld [smem:$0x3FFE];
	_ =	sdelay $0x1  }
0x8a: {  	s1 =	srdreg.scid  }
0x8b: {  	s0 =	sand.u32 $0x1, s1  }
0x8c: {  	s17 =	sshll.u32 s0, $0xA;
	s2 =	sadd.s32 s3, s2  }
0x8d: {  	s2 =	sadd.s32 s2, s17  }
0x8e: {  	[smem:$0x3FC6] =	sst s2  }
0x8f: {  	_ = 	snop  }
0x90: {  	(tm) =	ssettm $0x1  }
0x91: {  	s18 =	sld [smem:$0x3FFB];
	_ =	sdelay $0x3  }
0x92: {  	_ =	strace s18  }
0x93: {  	s2 =	sld [smem:$0x3FFC];
	_ =	sdelay $0x3  }
0x94: {  	_ =	strace s2  }
0x95: {  	s2 =	sld [smem:$0x3FFD];
	_ =	sdelay $0x3  }
0x96: {  	_ =	strace s2  }
0x97: {  	_ =	strace $0x8FFFFFFF  }
0x98: {  	s19 =	sld [smem:$0x3FDB];
	_ =	sdelay $0x1  }
0x99: {  	s20 =	simm.s32 $_scs_section_size  }
0x9a: {  	s4 =	simm.s32 $_size__tile_overlayer_lowered;
	s5 =	simm.s32 $_tile_overlayer_lowered  }
0x9b: {  	s6 =	simm.s32 $0x1BFF;
	s21 =	sshll.u32 s5, $0x1;
	s3 =	sadd.s32 s20, s19  }
0x9c: {  	s22 =	simm.s32 $0x0;
	s4 =	sshll.u32 s4, $0x1;
	s5 =	sadd.s32 s21, s3  }
0x9d: {  	[timem:s22], [sflag:s6] =	dma.local [hbm:s5], s4  }
0x9e: {  	_ =	swait.ge [sflag:s6], s4  }
0x9f: {  	s4 =	ssub.s32 $0x0, s4;
	[sflag:s6] =	ssyncset.done $0x0  }
0xa0: {  	[sflag:s6] =	ssyncadd.s32 s4;
	_ =	sdelay $0x1  }
0xa1: {  	s23 =	simm.s32 $0x1B8B  }
0xa2: {  	_ =	swait.ge [sflag:s23], $0x1  }
0xa3: {  	[sflag:s23] =	ssyncset.done $0x0  }
0xa4: {  	[sflag:s23] =	ssyncadd.s32 $0xFFFFFFFF  }
0xa5: {  	s4 =	sld [smem:$0x0]  }
0xa6: {  	s5 =	sand.u32 $0xFFFFFFFE, s1  }
0xa7: {  	p0 =	sne.s32 s1, s5  }
0xa8: {  	s5 =	sshll.u32 @p0 s5, $0xE  }
0xa9: {  	s5 =	sadd.s32 @p0 $0x11B8D, s5;
	s6 =	sshll.u32 @p0 s4, $0x11  }
0xaa: {  	s5 =	sor.u32 @p0 s6, s5  }
0xab: {  	[sflag:s5] =	ssyncadd.remote.s32 @p0 $0x1;
	_ =	sdelay $0x1  }
0xac: {  	s5 =	simm.s32 @p0 $0x1B8D  }
0xad: {  	_ =	swait.eq @p0 [sflag:s5], $0x1  }
0xae: {  	[sflag:s5] =	ssyncadd.s32 @p0 $0xFFFFFFFF  }
0xaf: {  	s6 =	sshll.u32 @!p0 s1, $0xE  }
0xb0: {  	s6 =	sor.u32 @!p0 $0x4000, s6;
	s5 =	simm.s32 @!p0 $0x1B8D  }
0xb1: {  	s4 =	sshll.u32 @!p0 s4, $0x11;
	s6 =	sadd.s32 @!p0 $0x11B8D, s6;
	_ =	swait.eq @!p0 [sflag:s5], $0x1  }
0xb2: {  	s4 =	sor.u32 @!p0 s4, s6;
	[sflag:s5] =	ssyncadd.s32 @!p0 $0xFFFFFFFF  }
0xb3: {  	s25 =	simm.s32 $0x1B8E;
	s24 =	sld [smem:$0x3FFE];
	[sflag:s4] =	ssyncadd.remote.s32 @!p0 $0x1  }
0xb4: {  	s26 =	simm.s32 $execute0_lowered;
	[smem:$0x3FD2] =	sst s25  }
0xb5: {  	s5 =	sshll.u32 s26, $0x1;
	_ =	strace $0x8000004C;
	[dreg:$0x1] =	wrdreg $0xFFFFFFFF  }
0xb6: {  	s28 =	simm.s32 $_size_execute0_lowered;
	s3 =	sadd.s32 s3, s5;
	[dreg:$0x0] =	wrdreg $0x0  }
0xb7: {  	s5 =	sshll.u32 s28, $0x1;
	[dreg:$0x2] =	wrdreg s3  }
0xb8: {  	[dreg:$0x3] =	wrdreg s5  }
0xb9: {  	[dreg:$0x4] =	wrdreg $0xC0  }
0xba: {  	_ =	task [dreg:s22], $0x5FFFF  }
0xbb: {  	[dreg:$0x1] =	wrdreg $0xFFFFFFFF  }
0xbc: {  	[dreg:$0x0] =	wrdreg $0x60  }
0xbd: {  	[dreg:$0x2] =	wrdreg s24  }
0xbe: {  	[dreg:$0x3] =	wrdreg $0xB  }
0xbf: {  	_ =	task.clear_ibuf [dreg:s22], $0x4FFFF;
	_ =	strace $0x9000004C  }
0xc0: {  	s29 =	simm.s32 $0xB;
	_ =	strace $0x8000004E  }
0xc1: {  	_ =	swait.ge [sflag:s29], $0x1  }
0xc2: {  	[sflag:s29] =	ssyncadd.s32 $0xFFFFFFFF  }
0xc3: {  	_ =	strace $0x9000004E  }
0xc4: {  	_ =	sfence  }
0xc5: {  	s30 =	sld [smem:$0x0];
	_ =	sdelay $0x2  }
0xc6: {  	s31 =	sshll.u32 s1, $0xD;
	s1 =	sshrl.u32 s1, $0x2  }
0xc7: {  	s4 =	sand.u32 $0x4000, s31;
	s1 =	sadd.s32 s1, s30  }
0xc8: {  	s0 =	sor.u32 s4, s0;
	s1 =	sshll.u32 s1, $0x11  }
0xc9: {  	s0 =	sor.u32 s1, s0  }
0xca: {  	s0 =	sadd.s32 $0x8F2B, s0  }
0xcb: {  	[sflag:s0] =	ssyncadd.remote.s32 $0x1  }
0xcc: {  	_ =	sfence.sel $0xFFFF  }
0xcd: {  	[dreg:$0x0] =	wrdreg $0xFFFFFFFF;
	(pc) =	sbr.abs _section_cstart, $3  }
0xce: {  	[dreg:$0x1] =	wrdreg $0xFFFFFFFF  }
0xcf: {  	_ =	task.clear_ibuf [dreg:s22], $0x2FFFF;
	_ =	strace $0x9FFFFFFF  }
0xd0: {  	(tm) =	ssettm $0x7FFFFFFF  }
0xd1: {  	_ =	shalt  }
tec
execute0_lowered:
.L_overlay_start_1:
0x0: {  	(tag) =	ssettag $0x1  }
0x1: {  	s1 =	srdreg.scid;
	s0 =	stileid.u32  }
0x2: {  	s5 =	rddreg [dreg:$0x0];
	s2 =	simm.s32 $0x0;
	s12 =	simm.s32 $0x2710  }
0x3: {  	s13 =	simm.s32 $0x4E20;
	s14 =	simm.s32 $0x1;
	s15 =	simm.s32 $0x7530  }
0x4: {  	s16 =	simm.s32 $0x2;
	s17 =	simm.s32 $0x8C30;
	s18 =	simm.s32 $0xA330  }
0x5: {  	s19 =	simm.s32 $0xBA30;
	s3 =	sand.u32 $0x1, s1;
	s31 =	sshll.u32 s0, $0x1  }
0x6: {  	s20 =	simm.s32 $0xD130;
	s21 =	simm.s32 $0x0;
	s4 =	sor.u32 s3, s31  }
0x7: {  	[smem:$0x7FF] =	sst s2;
	s6 =	ssub.s32 $0x2, s3;
	s4 =	smul.u32 $0x1700, s4  }
0x8: {  	s1 =	rddreg [dreg:$0x1];
	_ =	strace $0x8000004D;
	s7 =	sshrl.u32 s6, $0x1  }
0x9: {  	s3 =	sadd.s32 $0xA200, s5;
	s11 =	ssub.s32 s6, s7;
	s4 =	sshrl.u32 s4, $0x3  }
0xa: {  	s11 =	smax.u32 s11, $0x1;
	s10 =	sadd.s32 s4, s5;
	s4 =	sadd.s32 $0xA6E2, s5  }
0xb: {  	s5 =	sadd.s32 $0xABC4, s5;
	s6 =	sadd.s32 $0x1CE00, s10;
	s7 =	sadd.s32 $0x17200, s10  }
0xc: {  	s8 =	sadd.s32 $0x22A00, s10;
	s9 =	sadd.s32 $0x28600, s10;
	s10 =	sadd.s32 $0x2E200, s10  }
.LBB2_1:
0xd: {  	[tilespmem:s2], [sflag:$0x1] =	stream.linear.gather [hbm4b:s3+s2], $0x2710, $0x38;
	[tilespmem:$0xE830] =	vst v63  }
0xe: {  	_ = 	snop  }
0xf: {  	[tilespmem:s12], [sflag:$0x1] =	stream.linear.gather [hbm4b:s4+s2], $0x2710, $0x38;
	[tilespmem:$0xE830] =	vst v63  }
0x10: {  	_ = 	snop  }
0x11: {  	[tilespmem:s13], [sflag:$0x1] =	stream.linear.gather [hbm4b:s5+s2], $0x2710, $0x38;
	[tilespmem:$0xE830] =	vst v63  }
0x12: {  	_ =	swait.ge [sflag:s14], $0x2710  }
0x13: {  	[sflag:s14] =	ssyncset.done $0x0  }
0x14: {  	[sflag:s14] =	ssyncadd.s32 $0xFFFFD8F0  }
0x15: {  	_ =	swait.ge [sflag:s14], $0x2710  }
0x16: {  	[sflag:s14] =	ssyncset.done $0x0  }
0x17: {  	[sflag:s14] =	ssyncadd.s32 $0xFFFFD8F0  }
0x18: {  	_ =	swait.ge [sflag:s14], $0x2710  }
0x19: {  	[sflag:s14] =	ssyncset.done $0x0  }
0x1a: {  	[sflag:s14] =	ssyncadd.s32 $0xFFFFD8F0  }
0x1b: {  	[tilespmem:s15], [sflag:$0x2] =	stream.linear.gather [hbm4b:s6+s2], $0x1700, $0x38;
	[tilespmem:$0xE830] =	vst v63  }
0x1c: {  	_ =	swait.ge [sflag:s16], $0x1700  }
0x1d: {  	[sflag:s16] =	ssyncset.done $0x0  }
0x1e: {  	[sflag:s16] =	ssyncadd.s32 $0xFFFFE900  }
0x1f: {  	[tilespmem:s17], [sflag:$0x2] =	stream.linear.gather [hbm4b:s7+s2], $0x1700, $0x38;
	[tilespmem:$0xE830] =	vst v63  }
0x20: {  	_ =	swait.ge [sflag:s16], $0x1700  }
0x21: {  	[sflag:s16] =	ssyncset.done $0x0  }
0x22: {  	s24 =	simm.s32 $0x8C70;
	[sflag:s16] =	ssyncadd.s32 $0xFFFFE900  }
0x23: {  	s22 =	simm.s32 $0x7570;
	v0 =	vld [tilespmem:s24+$0x30]  }
0x24: {  	v1 =	vld [tilespmem:s22+$0x30]  }
0x25: {  	v2 =	vld [tilespmem:s24+$0xFFFFFFC0]  }
0x26: {  	v3 =	vld [tilespmem:s22+$0xFFFFFFD0]  }
0x27: {  	v4 =	vld [tilespmem:s24+$0xFFFFFFD0]  }
0x28: {  	v5 =	vld [tilespmem:s22+$0xFFFFFFE0]  }
0x29: {  	v6 =	vld [tilespmem:s24+$0xFFFFFFE0]  }
0x2a: {  	v7 =	vld [tilespmem:s22+$0xFFFFFFF0]  }
0x2b: {  	v10 =	vld [tilespmem:s24+$0xFFFFFFF0]  }
0x2c: {  	v11 =	vld [tilespmem:s22+$0x0]  }
0x2d: {  	v12 =	vld [tilespmem:s24+$0x0]  }
0x2e: {  	v13 =	vld [tilespmem:s22+$0x10]  }
0x2f: {  	v14 =	vld [tilespmem:s24+$0x10]  }
0x30: {  	v15 =	vld [tilespmem:s22+$0x20]  }
0x31: {  	v46 =	vld [tilespmem:s24+$0x20]  }
0x32: {  	v16 =	vld [tilespmem:s22+$0xFFFFFFC0]  }
0x33: {  	v8 =	vld.idx.msk [tilespmem:v0+s2+$0x0], $0xffff  }
0x34: {  	v9 =	vld.idx.msk [tilespmem:v1+s2+$0x0], $0xffff  }
0x35: {  	v18 =	vld.idx.msk [tilespmem:v2+s2+$0x0], $0xffff  }
0x36: {  	v19 =	vld.idx.msk [tilespmem:v4+s2+$0x0], $0xffff  }
0x37: {  	v20 =	vld.idx.msk [tilespmem:v3+s2+$0x0], $0xffff  }
0x38: {  	v21 =	vld.idx.msk [tilespmem:v6+s2+$0x0], $0xffff  }
0x39: {  	v22 =	vld.idx.msk [tilespmem:v5+s2+$0x0], $0xffff  }
0x3a: {  	v23 =	vld.idx.msk [tilespmem:v16+s2+$0x0], $0xffff  }
0x3b: {  	v47 =	vld.idx.msk [tilespmem:v10+s2+$0x0], $0xffff  }
0x3c: {  	v24 =	vld.idx.msk [tilespmem:v7+s2+$0x0], $0xffff  }
0x3d: {  	v25 =	vld.idx.msk [tilespmem:v11+s2+$0x0], $0xffff  }
0x3e: {  	v26 =	vld.idx.msk [tilespmem:v14+s2+$0x0], $0xffff  }
0x3f: {  	v48 =	vld.idx.msk [tilespmem:v13+s2+$0x0], $0xffff;
	v8 =	vsub.f32 v8, v9  }
0x40: {  	s23 =	simm.s32 $0xA370;
	v27 =	vld.idx.msk [tilespmem:v46+s2+$0x0], $0xffff  }
0x41: {  	v49 =	vld.idx.msk [tilespmem:v15+s2+$0x0], $0xffff;
	v18 =	vsub.f32 v18, v23;
	[tilespmem:s23+$0x30] =	vst v8  }
0x42: {  	v8 =	vld.idx.msk [tilespmem:v0+s12+$0x0], $0xffff  }
0x43: {  	v19 =	vsub.f32 v19, v20;
	[tilespmem:s23+$0xFFFFFFC0] =	vst v18;
	v17 =	vld.idx.msk [tilespmem:v1+s12+$0x0], $0xffff  }
0x44: {  	v50 =	vld.idx.msk [tilespmem:v2+s12+$0x0], $0xffff  }
0x45: {  	v51 =	vsub.f32 v21, v22;
	[tilespmem:s23+$0xFFFFFFD0] =	vst v19;
	v52 =	vld.idx.msk [tilespmem:v16+s12+$0x0], $0xffff  }
0x46: {  	v53 =	vld.idx.msk [tilespmem:v4+s12+$0x0], $0xffff  }
0x47: {  	[tilespmem:s23+$0xFFFFFFE0] =	vst v51;
	v54 =	vld.idx.msk [tilespmem:v3+s12+$0x0], $0xffff  }
0x48: {  	v55 =	vld.idx.msk [tilespmem:v6+s12+$0x0], $0xffff;
	v8 =	vsub.f32 v8, v17  }
0x49: {  	s24 =	simm.s32 $0xBA70;
	v56 =	vld.idx.msk [tilespmem:v5+s12+$0x0], $0xffff  }
0x4a: {  	v17 =	vsub.f32 v47, v24;
	[tilespmem:s24+$0x30] =	vst v8;
	v8 =	vld.idx.msk [tilespmem:v12+s2+$0x0], $0xffff  }
0x4b: {  	v0 =	vld.idx.msk [tilespmem:v0+s13+$0x0], $0xffff  }
0x4c: {  	v20 =	vsub.f32 v50, v52;
	[tilespmem:s23+$0xFFFFFFF0] =	vst v17;
	v1 =	vld.idx.msk [tilespmem:v1+s13+$0x0], $0xffff  }
0x4d: {  	v57 =	vld.idx.msk [tilespmem:v10+s12+$0x0], $0xffff  }
0x4e: {  	v19 =	vsub.f32 v53, v54;
	[tilespmem:s24+$0xFFFFFFC0] =	vst v20;
	v58 =	vld.idx.msk [tilespmem:v7+s12+$0x0], $0xffff  }
0x4f: {  	v17 =	vsub.f32 v55, v56;
	v2 =	vld.idx.msk [tilespmem:v2+s13+$0x0], $0xffff  }
0x50: {  	[tilespmem:s24+$0xFFFFFFD0] =	vst v19;
	v16 =	vld.idx.msk [tilespmem:v16+s13+$0x0], $0xffff  }
0x51: {  	v19 =	vld.idx.msk [tilespmem:v4+s13+$0x0], $0xffff;
	[tilespmem:s24+$0xFFFFFFE0] =	vst v17;
	v8 =	vsub.f32 v8, v25  }
0x52: {  	v6 =	vld.idx.msk [tilespmem:v6+s13+$0x0], $0xffff  }
0x53: {  	v5 =	vld.idx.msk [tilespmem:v5+s13+$0x0], $0xffff;
	[tilespmem:s23+$0x0] =	vst v8;
	v8 =	vsub.f32 v26, v48  }
0x54: {  	v59 =	vld.idx.msk [tilespmem:v12+s12+$0x0], $0xffff  }
0x55: {  	v60 =	vld.idx.msk [tilespmem:v11+s12+$0x0], $0xffff;
	[tilespmem:s23+$0x10] =	vst v8;
	v8 =	vsub.f32 v27, v49  }
0x56: {  	v61 =	vld.idx.msk [tilespmem:v14+s12+$0x0], $0xffff  }
0x57: {  	[tilespmem:s23+$0x20] =	vst v8;
	v8 =	vld.idx.msk [tilespmem:v13+s12+$0x0], $0xffff  }
0x58: {  	v4 =	vsub.f32 v57, v58;
	v62 =	vld.idx.msk [tilespmem:v46+s12+$0x0], $0xffff  }
0x59: {  	v63 =	vld.idx.msk [tilespmem:v15+s12+$0x0], $0xffff  }
0x5a: {  	v3 =	vld.idx.msk [tilespmem:v3+s13+$0x0], $0xffff;
	[tilespmem:s24+$0xFFFFFFF0] =	vst v4;
	v4 =	vsub.f32 v59, v60  }
0x5b: {  	v0 =	vsub.f32 v0, v1;
	v10 =	vld.idx.msk [tilespmem:v10+s13+$0x0], $0xffff  }
0x5c: {  	s25 =	simm.s32 $0xD170;
	v7 =	vld.idx.msk [tilespmem:v7+s13+$0x0], $0xffff;
	[tilespmem:s24+$0x0] =	vst v4;
	v4 =	vsub.f32 v61, v8  }
0x5d: {  	[tilespmem:s25+$0x30] =	vst v0;
	v6 =	vsub.f32 v6, v5;
	v1 =	vld.idx.msk [tilespmem:v12+s13+$0x0], $0xffff  }
0x5e: {  	v0 =	vsub.f32 v62, v63;
	[tilespmem:s24+$0x10] =	vst v4;
	v4 =	vld.idx.msk [tilespmem:v11+s13+$0x0], $0xffff  }
0x5f: {  	[tilespmem:s25+$0xFFFFFFE0] =	vst v6;
	v8 =	vsub.f32 v2, v16;
	v2 =	vld.idx.msk [tilespmem:v14+s13+$0x0], $0xffff  }
0x60: {  	[tilespmem:s24+$0x20] =	vst v0;
	v0 =	vsub.f32 v19, v3;
	v5 =	vld.idx.msk [tilespmem:v13+s13+$0x0], $0xffff  }
0x61: {  	[tilespmem:s25+$0xFFFFFFC0] =	vst v8;
	v3 =	vld.idx.msk [tilespmem:v46+s13+$0x0], $0xffff  }
0x62: {  	s26 =	simm.s32 $0x0;
	s28 =	simm.s32 $0x8CF0;
	v6 =	vsub.f32 v10, v7;
	[tilespmem:s25+$0xFFFFFFD0] =	vst v0;
	v0 =	vld.idx.msk [tilespmem:v15+s13+$0x0], $0xffff  }
.LBB2_2:
0x63: {  	v12 =	vld [tilespmem:s28+$0x30];
	s22 =	sadd.s32 $0x80, s22  }
0x64: {  	v4 =	vsub.f32 v1, v4;
	v13 =	vld [tilespmem:s22+$0x30];
	[tilespmem:s25+$0xFFFFFFF0] =	vst v6  }
0x65: {  	v6 =	vld [tilespmem:s28+$0xFFFFFFC0]  }
0x66: {  	s26 =	sadd.s32 $0x80, s26;
	v2 =	vsub.f32 v2, v5;
	v1 =	vld [tilespmem:s22+$0xFFFFFFD0];
	[tilespmem:s25+$0x0] =	vst v4  }
0x67: {  	p0 =	slt.u32 s26, $0x1680;
	v8 =	vld [tilespmem:s28+$0xFFFFFFD0]  }
0x68: {  	v0 =	vsub.f32 v3, v0;
	v4 =	vld [tilespmem:s22+$0xFFFFFFE0];
	[tilespmem:s25+$0x10] =	vst v2  }
0x69: {  	v10 =	vld [tilespmem:s28+$0xFFFFFFE0]  }
0x6a: {  	v2 =	vld [tilespmem:s22+$0xFFFFFFF0];
	[tilespmem:s25+$0x20] =	vst v0  }
0x6b: {  	v7 =	vld.idx.msk [tilespmem:v12+s2+$0x0], $0xffff  }
0x6c: {  	v14 =	vld.idx.msk [tilespmem:v13+s2+$0x0], $0xffff  }
0x6d: {  	v15 =	vld [tilespmem:s28+$0xFFFFFFF0]  }
0x6e: {  	v5 =	vld [tilespmem:s22+$0x0]  }
0x6f: {  	v11 =	vld [tilespmem:s28+$0x0]  }
0x70: {  	v3 =	vld [tilespmem:s22+$0x10]  }
0x71: {  	v9 =	vld [tilespmem:s28+$0x10]  }
0x72: {  	v14 =	vsub.f32 v7, v14;
	v0 =	vld [tilespmem:s22+$0x20]  }
0x73: {  	s23 =	sadd.s32 $0x80, s23;
	v7 =	vld [tilespmem:s28+$0x20]  }
0x74: {  	v16 =	vld [tilespmem:s22+$0xFFFFFFC0];
	[tilespmem:s23+$0x30] =	vst v14  }
0x75: {  	v14 =	vld.idx.msk [tilespmem:v12+s12+$0x0], $0xffff  }
0x76: {  	v17 =	vld.idx.msk [tilespmem:v13+s12+$0x0], $0xffff  }
0x77: {  	v18 =	vld.idx.msk [tilespmem:v6+s2+$0x0], $0xffff  }
0x78: {  	v19 =	vld.idx.msk [tilespmem:v8+s2+$0x0], $0xffff  }
0x79: {  	v20 =	vld.idx.msk [tilespmem:v1+s2+$0x0], $0xffff  }
0x7a: {  	v21 =	vld.idx.msk [tilespmem:v10+s2+$0x0], $0xffff  }
0x7b: {  	v22 =	vld.idx.msk [tilespmem:v4+s2+$0x0], $0xffff  }
0x7c: {  	v14 =	vsub.f32 v14, v17;
	v23 =	vld.idx.msk [tilespmem:v16+s2+$0x0], $0xffff  }
0x7d: {  	s24 =	sadd.s32 $0x80, s24;
	v17 =	vld.idx.msk [tilespmem:v15+s2+$0x0], $0xffff  }
0x7e: {  	v24 =	vld.idx.msk [tilespmem:v2+s2+$0x0], $0xffff;
	[tilespmem:s24+$0x30] =	vst v14  }
0x7f: {  	v14 =	vsub.f32 v19, v20;
	v12 =	vld.idx.msk [tilespmem:v12+s13+$0x0], $0xffff  }
0x80: {  	v13 =	vld.idx.msk [tilespmem:v13+s13+$0x0], $0xffff  }
0x81: {  	[tilespmem:s23+$0xFFFFFFD0] =	vst v14;
	v14 =	vsub.f32 v21, v22;
	v19 =	vld.idx.msk [tilespmem:v11+s2+$0x0], $0xffff  }
0x82: {  	v18 =	vsub.f32 v18, v23;
	v20 =	vld.idx.msk [tilespmem:v5+s2+$0x0], $0xffff  }
0x83: {  	[tilespmem:s23+$0xFFFFFFE0] =	vst v14;
	v14 =	vld.idx.msk [tilespmem:v9+s2+$0x0], $0xffff  }
0x84: {  	v17 =	vsub.f32 v17, v24;
	[tilespmem:s23+$0xFFFFFFC0] =	vst v18;
	v18 =	vld.idx.msk [tilespmem:v3+s2+$0x0], $0xffff  }
0x85: {  	v21 =	vld.idx.msk [tilespmem:v7+s2+$0x0], $0xffff  }
0x86: {  	v12 =	vsub.f32 v12, v13;
	[tilespmem:s23+$0xFFFFFFF0] =	vst v17;
	v17 =	vld.idx.msk [tilespmem:v0+s2+$0x0], $0xffff  }
0x87: {  	s25 =	sadd.s32 $0x80, s25;
	v13 =	vld.idx.msk [tilespmem:v6+s12+$0x0], $0xffff  }
0x88: {  	v19 =	vsub.f32 v19, v20;
	v22 =	vld.idx.msk [tilespmem:v16+s12+$0x0], $0xffff;
	[tilespmem:s25+$0x30] =	vst v12  }
0x89: {  	v12 =	vld.idx.msk [tilespmem:v8+s12+$0x0], $0xffff  }
0x8a: {  	v14 =	vsub.f32 v14, v18;
	v20 =	vld.idx.msk [tilespmem:v1+s12+$0x0], $0xffff;
	[tilespmem:s23+$0x0] =	vst v19  }
0x8b: {  	v18 =	vld.idx.msk [tilespmem:v10+s12+$0x0], $0xffff  }
0x8c: {  	v19 =	vld.idx.msk [tilespmem:v4+s12+$0x0], $0xffff;
	[tilespmem:s23+$0x10] =	vst v14;
	v14 =	vsub.f32 v21, v17  }
0x8d: {  	v17 =	vld.idx.msk [tilespmem:v15+s12+$0x0], $0xffff  }
0x8e: {  	v13 =	vsub.f32 v13, v22;
	v21 =	vld.idx.msk [tilespmem:v2+s12+$0x0], $0xffff;
	[tilespmem:s23+$0x20] =	vst v14  }
0x8f: {  	v14 =	vld.idx.msk [tilespmem:v11+s12+$0x0], $0xffff  }
0x90: {  	v12 =	vsub.f32 v12, v20;
	[tilespmem:s24+$0xFFFFFFC0] =	vst v13;
	v13 =	vld.idx.msk [tilespmem:v5+s12+$0x0], $0xffff  }
0x91: {  	v20 =	vld.idx.msk [tilespmem:v9+s12+$0x0], $0xffff  }
0x92: {  	[tilespmem:s24+$0xFFFFFFD0] =	vst v12;
	v12 =	vsub.f32 v18, v19;
	v18 =	vld.idx.msk [tilespmem:v3+s12+$0x0], $0xffff  }
0x93: {  	v19 =	vld.idx.msk [tilespmem:v7+s12+$0x0], $0xffff  }
0x94: {  	[tilespmem:s24+$0xFFFFFFE0] =	vst v12;
	v12 =	vsub.f32 v17, v21;
	v17 =	vld.idx.msk [tilespmem:v0+s12+$0x0], $0xffff  }
0x95: {  	v6 =	vld.idx.msk [tilespmem:v6+s13+$0x0], $0xffff  }
0x96: {  	v16 =	vld.idx.msk [tilespmem:v16+s13+$0x0], $0xffff;
	[tilespmem:s24+$0xFFFFFFF0] =	vst v12;
	v12 =	vsub.f32 v14, v13  }
0x97: {  	v8 =	vld.idx.msk [tilespmem:v8+s13+$0x0], $0xffff  }
0x98: {  	v13 =	vld.idx.msk [tilespmem:v1+s13+$0x0], $0xffff;
	[tilespmem:s24+$0x0] =	vst v12;
	v1 =	vsub.f32 v20, v18  }
0x99: {  	v10 =	vld.idx.msk [tilespmem:v10+s13+$0x0], $0xffff  }
0x9a: {  	v12 =	vld.idx.msk [tilespmem:v4+s13+$0x0], $0xffff;
	[tilespmem:s24+$0x10] =	vst v1;
	v1 =	vsub.f32 v19, v17  }
0x9b: {  	v14 =	vld.idx.msk [tilespmem:v15+s13+$0x0], $0xffff  }
0x9c: {  	v4 =	vsub.f32 v6, v16;
	v6 =	vld.idx.msk [tilespmem:v2+s13+$0x0], $0xffff;
	[tilespmem:s24+$0x20] =	vst v1  }
0x9d: {  	v1 =	vld.idx.msk [tilespmem:v11+s13+$0x0], $0xffff  }
.Ltmp0:
0x9e: {  	v8 =	vsub.f32 v8, v13;
	[tilespmem:s25+$0xFFFFFFC0] =	vst v4;
	v4 =	vld.idx.msk [tilespmem:v5+s13+$0x0], $0xffff;
	(pc) =	sbr.rel @p0 .LBB2_2-.Ltmp0, $4  }
0x9f: {  	v2 =	vld.idx.msk [tilespmem:v9+s13+$0x0], $0xffff  }
0xa0: {  	[tilespmem:s25+$0xFFFFFFD0] =	vst v8;
	v8 =	vsub.f32 v10, v12;
	v5 =	vld.idx.msk [tilespmem:v3+s13+$0x0], $0xffff  }
0xa1: {  	v3 =	vld.idx.msk [tilespmem:v7+s13+$0x0], $0xffff  }
0xa2: {  	s28 =	sadd.s32 $0x80, s28;
	v6 =	vsub.f32 v14, v6;
	[tilespmem:s25+$0xFFFFFFE0] =	vst v8;
	v0 =	vld.idx.msk [tilespmem:v0+s13+$0x0], $0xffff  }
0xa3: {  	_ =	sdelay $0x1  }
0xa4: {  	v1 =	vsub.f32 v1, v4  }
0xa5: {  	[tilespmem:s25+$0xFFFFFFF0] =	vst v6;
	v2 =	vsub.f32 v2, v5  }
0xa6: {  	[tilespmem:s25+$0x0] =	vst v1;
	v0 =	vsub.f32 v3, v0  }
0xa7: {  	[tilespmem:s25+$0x10] =	vst v2  }
0xa8: {  	[tilespmem:s25+$0x20] =	vst v0  }
0xa9: {  	[hbm4b:s8+s2] =	stream.linear.scatter [tilespmem:s18], [sflag:$0x2], $0x1700, $0x38;
	[tilespmem:$0xE830] =	vst v63  }
0xaa: {  	_ =	swait.ge [sflag:s16], $0x1700  }
0xab: {  	[sflag:s16] =	ssyncset.done $0x0  }
0xac: {  	[sflag:s16] =	ssyncadd.s32 $0xFFFFE900  }
0xad: {  	[hbm4b:s9+s2] =	stream.linear.scatter [tilespmem:s19], [sflag:$0x2], $0x1700, $0x38;
	[tilespmem:$0xE830] =	vst v63  }
0xae: {  	s21 =	sadd.s32 $0x1, s21;
	_ =	swait.ge [sflag:s16], $0x1700  }
0xaf: {  	p0 =	sne.s32 s21, s11;
	[sflag:s16] =	ssyncset.done $0x0  }
.Ltmp1:
0xb0: {  	[sflag:s16] =	ssyncadd.s32 $0xFFFFE900;
	(pc) =	sbr.rel @p0 .LBB2_1-.Ltmp1, $4  }
0xb1: {  	[hbm4b:s10+s2] =	stream.linear.scatter [tilespmem:s20], [sflag:$0x2], $0x1700, $0x38;
	[tilespmem:$0xE830] =	vst v63  }
0xb2: {  	_ =	swait.ge [sflag:s16], $0x1700  }
0xb3: {  	[sflag:s16] =	ssyncset.done $0x0  }
0xb4: {  	[sflag:s16] =	ssyncadd.s32 $0xFFFFE900  }
0xb5: {  	_ =	sfence.sel $0x180000  }
0xb6: {  	[bflag:$0x0] =	sbarrier.arrive $0xFFFF  }
0xb7: {  	p0 =	sne.s32 s0, $0x0;
	_ =	strace $0x9000004D  }
0xb8: {  	s0 =	sadd.s32 @!p0 $0x100000, s1;
	[bflag:$0x2] =	sbarrier.arrive $0xFFFF  }
0xb9: {  	[sflag:s0] =	ssyncadd.tile.s32 @!p0 $0x1;
	_ =	shalt  }
.Lfunc_end2:
_tile_overlayer_lowered:
.L_overlay_start_2:
0xba: {  	(tag) =	ssettag $0x2  }
0xbb: {  	s0 =	rddreg [dreg:$0x0];
	s2 =	stileid.u32  }
0xbc: {  	s1 =	rddreg [dreg:$0x1];
	p0 =	sne.s32 s2, $0x0  }
0xbd: {  	s3 =	rddreg [dreg:$0x2];
	[bflag:$0x3] =	sbarrier.arrive $0xFFFF;
	s2 =	simm.s32 @!p0 $0x1C02  }
0xbe: {  	[timem:s3], [sflag:s2] =	dma.local @!p0 [hbm:s0], s1  }
0xbf: {  	s0 =	simm.s32 @!p0 $0x2  }
0xc0: {  	_ =	swait.ge @!p0 [sflag:s0], s1  }
0xc1: {  	s1 =	ssub.s32 @!p0 $0x0, s1;
	[sflag:s0] =	ssyncset.done @!p0 $0x0  }
0xc2: {  	[sflag:s0] =	ssyncadd.s32 @!p0 s1  }
0xc3: {  	[bflag:$0x3] =	sbarrier.arrive $0xFFFF  }
0xc4: {  	_ =	shalt  }

// kernel: kernel.19.cloned.1.call-start
scs
__scs_entry_jumppad:
0x0: {  	(pc) =	sbr.rel $0x88, $3  }
0x1: {  	(tag) =	ssettag $0x0;
	lr =	simm.s32 $0x1  }
0x2: {  	[smem:$0x3F9F] =	sst lr;
	_ =	strace $0xD0000000  }
0x3: {  	_ = 	snop  }
0x4: {  	_ = 	snop  }
0x5: {  	_ = 	snop  }
0x6: {  	_ = 	snop  }
0x7: {  	_ = 	snop  }
__scs_overlays_trampoline_lowered:
0x8: {  	[smem:$0x3FAE] =	sst s0  }
0x9: {  	[smem:$0x3FAF] =	sst s1  }
0xa: {  	[smem:$0x3FB0] =	sst s2  }
0xb: {  	[smem:$0x3FB1] =	sst s3  }
0xc: {  	[smem:$0x3FB2] =	sst s4  }
0xd: {  	[smem:$0x3FB3] =	sst s5  }
0xe: {  	[smem:$0x3FB4] =	sst s6  }
0xf: {  	[smem:$0x3FB5] =	sst s7  }
0x10: {  	[smem:$0x3FB6] =	sst s8  }
0x11: {  	[smem:$0x3FB7] =	sst s9;
	s0 =	simm.s32 @!p0 $0x0  }
0x12: {  	s1 =	sld [smem:$0x3F9D];
	s0 =	simm.s32 @p0 $0x1  }
0x13: {  	[smem:$0x3FB8] =	sst s0;
	s0 =	simm.s32 @!p1 $0x0  }
0x14: {  	s2 =	sld [smem:$0x3F9C];
	s0 =	simm.s32 @p1 $0x1  }
0x15: {  	[smem:$0x3FB9] =	sst s0;
	s0 =	simm.s32 @!p2 $0x0  }
0x16: {  	s3 =	sld [smem:$0x3FDB];
	s0 =	simm.s32 @p2 $0x1  }
0x17: {  	s4 =	simm.s32 $0x1BF5;
	[smem:$0x3FBB] =	sst s0  }
0x18: {  	s0 =	sld [smem:$0x3F9E];
	_ =	swait.ge [sflag:s4], $0x0  }
0x19: {  	s7 =	sld [smem:$0x3F9F]  }
0x1a: {  	s8 =	sadd.s32 $0xFFFFE003, lr  }
0x1b: {  	s9 =	sadd.s32 $0xFFFFFEF7, lr;
	s5 =	simm.s32 $0xFFFFFFFF;
	p2 =	slt.u32 s8, $0xFFFFF086  }
0x1c: {  	p1 =	slt.u32 s9, $0xF7A;
	s5 =	simm.s32 @!p2 $0x0  }
0x1d: {  	s5 =	simm.s32 @p1 $0x1;
	p0 =	seq.s32 s7, s2  }
0x1e: {  	s7 =	smul.u32 @!p0 $0xF7A, s2;
	p2 =	seq.s32 @!p0 s5, $0x0  }
0x1f: {  	s9 =	smul.u32 $0xF7A, s1;
	s8 =	simm.s32 @!p0 $0x1BF5;
	p2 =	por !p2, p0  }
0x20: {  	[sflag:s8] =	ssyncset.s32 @!p0 $0xFFFFF086;
	s6 =	sadd.s32 @!p0 s3, s7;
	s7 =	simm.s32 @!p0 $0x108  }
0x21: {  	s3 =	sadd.s32 s3, s9;
	s6 =	sadd.s32 @!p0 $0x88, s6;
	s7 =	simm.s32 @p2 $0x1082  }
0x22: {  	[simem:s7], [sflag:s8] =	dma.local @!p0 [hbm:s6], $0xF7A  }
0x23: {  	s9 =	sor.u32 $0xD0000000, s2;
	s6 =	simm.s32 $0x108;
	_ =	swait.ge @!p0 [sflag:s8], $0x0  }
0x24: {  	s3 =	sadd.s32 $0x88, s3;
	s6 =	simm.s32 @!p1 $0x1082;
	[sflag:s4] =	ssyncset.s32 $0xFFFFF086  }
0x25: {  	[simem:s6], [sflag:s4] =	dma.local [hbm:s3], $0xF7A  }
0x26: {  	[smem:$0x3F9F] =	sst s1;
	(tag) =	ssettag s2;
	_ =	strace s9  }
0x27: {  	s1 =	sld [smem:$0x3FAF]  }
0x28: {  	s2 =	sld [smem:$0x3FB0]  }
0x29: {  	s4 =	sld [smem:$0x3FB2]  }
0x2a: {  	p0 =	seq.s32 s5, $0x0;
	s5 =	sld [smem:$0x3FB3]  }
0x2b: {  	s6 =	sld [smem:$0x3FB4]  }
0x2c: {  	s7 =	sld [smem:$0x3FB5]  }
0x2d: {  	s3 =	simm.s32 $0x108;
	s8 =	sld [smem:$0x3FB6]  }
0x2e: {  	s3 =	simm.s32 @!p0 $0x1082;
	s9 =	sld [smem:$0x3FB7]  }
0x2f: {  	lr =	sadd.s32 s0, s3;
	s0 =	sld [smem:$0x3FAE]  }
0x30: {  	s3 =	sld [smem:$0x3FB1]  }
0x31: {  	[smem:$0x3FBA] =	sst s10  }
0x32: {  	s10 =	sld [smem:$0x3FB8];
	_ =	sdelay $0x3  }
0x33: {  	p0 =	seq.s32 s10, $0x1;
	s10 =	sld [smem:$0x3FBA];
	_ =	sdelay $0x3  }
0x34: {  	[smem:$0x3FBA] =	sst s10  }
0x35: {  	s10 =	sld [smem:$0x3FB9];
	_ =	sdelay $0x3  }
0x36: {  	p1 =	seq.s32 s10, $0x1;
	s10 =	sld [smem:$0x3FBA];
	_ =	sdelay $0x3  }
0x37: {  	[smem:$0x3FBA] =	sst s10  }
0x38: {  	s10 =	sld [smem:$0x3FBB]  }
0x39: {  	_ = 	snop;
	(pc) =	sbr.ind lr, $3  }
0x3a: {  	_ = 	snop  }
0x3b: {  	_ = 	snop  }
0x3c: {  	p2 =	seq.s32 s10, $0x1;
	s10 =	sld [smem:$0x3FBA]  }
0x3d: {  	_ =	shalt  }
0x3e: {  	_ =	shalt  }
0x3f: {  	_ =	shalt  }
0x40: {  	_ =	shalt  }
0x41: {  	_ =	shalt  }
0x42: {  	_ =	shalt  }
0x43: {  	_ =	shalt  }
0x44: {  	_ =	shalt  }
0x45: {  	_ =	shalt  }
0x46: {  	_ =	shalt  }
0x47: {  	_ =	shalt  }
0x48: {  	_ =	shalt  }
0x49: {  	_ =	shalt  }
0x4a: {  	_ =	shalt  }
0x4b: {  	_ =	shalt  }
0x4c: {  	_ =	shalt  }
0x4d: {  	_ =	shalt  }
0x4e: {  	_ =	shalt  }
0x4f: {  	_ =	shalt  }
0x50: {  	_ =	shalt  }
0x51: {  	_ =	shalt  }
0x52: {  	_ =	shalt  }
0x53: {  	_ =	shalt  }
0x54: {  	_ =	shalt  }
0x55: {  	_ =	shalt  }
0x56: {  	_ =	shalt  }
0x57: {  	_ =	shalt  }
0x58: {  	_ =	shalt  }
0x59: {  	_ =	shalt  }
0x5a: {  	_ =	shalt  }
0x5b: {  	_ =	shalt  }
0x5c: {  	_ =	shalt  }
0x5d: {  	_ =	shalt  }
0x5e: {  	_ =	shalt  }
0x5f: {  	_ =	shalt  }
0x60: {  	_ =	shalt  }
0x61: {  	_ =	shalt  }
0x62: {  	_ =	shalt  }
0x63: {  	_ =	shalt  }
0x64: {  	_ =	shalt  }
0x65: {  	_ =	shalt  }
0x66: {  	_ =	shalt  }
0x67: {  	_ =	shalt  }
0x68: {  	_ =	shalt  }
0x69: {  	_ =	shalt  }
0x6a: {  	_ =	shalt  }
0x6b: {  	_ =	shalt  }
0x6c: {  	_ =	shalt  }
0x6d: {  	_ =	shalt  }
0x6e: {  	_ =	shalt  }
0x6f: {  	_ =	shalt  }
0x70: {  	_ =	shalt  }
0x71: {  	_ =	shalt  }
0x72: {  	_ =	shalt  }
0x73: {  	_ =	shalt  }
0x74: {  	_ =	shalt  }
0x75: {  	_ =	shalt  }
0x76: {  	_ =	shalt  }
0x77: {  	_ =	shalt  }
0x78: {  	_ =	shalt  }
0x79: {  	_ =	shalt  }
0x7a: {  	_ =	shalt  }
0x7b: {  	_ =	shalt  }
0x7c: {  	_ =	shalt  }
0x7d: {  	_ =	shalt  }
0x7e: {  	_ =	shalt  }
0x7f: {  	_ =	shalt  }
0x80: {  	_ =	shalt  }
0x81: {  	_ =	shalt  }
0x82: {  	_ =	shalt  }
0x83: {  	_ =	shalt  }
0x84: {  	_ =	shalt  }
0x85: {  	_ =	shalt  }
0x86: {  	_ =	shalt  }
0x87: {  	_ =	shalt  }
.Lfunc_end0:
.L_simem_size_0:
called_computation.3_lowered:
.L_overlay_start_0:
0x88: {  	s2 =	sld [smem:$0x3FD9]  }
0x89: {  	s3 =	sld [smem:$0x3FFE];
	_ =	sdelay $0x1  }
0x8a: {  	s1 =	srdreg.scid  }
0x8b: {  	s0 =	sand.u32 $0x1, s1  }
0x8c: {  	s17 =	sshll.u32 s0, $0xA;
	s2 =	sadd.s32 s3, s2  }
0x8d: {  	s2 =	sadd.s32 s2, s17  }
0x8e: {  	[smem:$0x3FC6] =	sst s2  }
0x8f: {  	_ = 	snop  }
0x90: {  	(tm) =	ssettm $0x1  }
0x91: {  	s18 =	sld [smem:$0x3FFB];
	_ =	sdelay $0x3  }
0x92: {  	_ =	strace s18  }
0x93: {  	s2 =	sld [smem:$0x3FFC];
	_ =	sdelay $0x3  }
0x94: {  	_ =	strace s2  }
0x95: {  	s2 =	sld [smem:$0x3FFD];
	_ =	sdelay $0x3  }
0x96: {  	_ =	strace s2  }
0x97: {  	_ =	strace $0x8FFFFFFF  }
0x98: {  	s19 =	sld [smem:$0x3FDB];
	_ =	sdelay $0x1  }
0x99: {  	s20 =	simm.s32 $_scs_section_size  }
0x9a: {  	s4 =	simm.s32 $_size__tile_overlayer_lowered;
	s5 =	simm.s32 $_tile_overlayer_lowered  }
0x9b: {  	s6 =	simm.s32 $0x1BFF;
	s21 =	sshll.u32 s5, $0x1;
	s3 =	sadd.s32 s20, s19  }
0x9c: {  	s22 =	simm.s32 $0x0;
	s4 =	sshll.u32 s4, $0x1;
	s5 =	sadd.s32 s21, s3  }
0x9d: {  	[timem:s22], [sflag:s6] =	dma.local [hbm:s5], s4  }
0x9e: {  	_ =	swait.ge [sflag:s6], s4  }
0x9f: {  	s4 =	ssub.s32 $0x0, s4;
	[sflag:s6] =	ssyncset.done $0x0  }
0xa0: {  	[sflag:s6] =	ssyncadd.s32 s4;
	_ =	sdelay $0x1  }
0xa1: {  	s23 =	simm.s32 $0x1B8B  }
0xa2: {  	_ =	swait.ge [sflag:s23], $0x1  }
0xa3: {  	[sflag:s23] =	ssyncset.done $0x0  }
0xa4: {  	[sflag:s23] =	ssyncadd.s32 $0xFFFFFFFF  }
0xa5: {  	s4 =	sld [smem:$0x0]  }
0xa6: {  	s5 =	sand.u32 $0xFFFFFFFE, s1  }
0xa7: {  	p0 =	sne.s32 s1, s5  }
0xa8: {  	s5 =	sshll.u32 @p0 s5, $0xE  }
0xa9: {  	s5 =	sadd.s32 @p0 $0x11B8D, s5;
	s6 =	sshll.u32 @p0 s4, $0x11  }
0xaa: {  	s5 =	sor.u32 @p0 s6, s5  }
0xab: {  	[sflag:s5] =	ssyncadd.remote.s32 @p0 $0x1;
	_ =	sdelay $0x1  }
0xac: {  	s5 =	simm.s32 @p0 $0x1B8D  }
0xad: {  	_ =	swait.eq @p0 [sflag:s5], $0x1  }
0xae: {  	[sflag:s5] =	ssyncadd.s32 @p0 $0xFFFFFFFF  }
0xaf: {  	s6 =	sshll.u32 @!p0 s1, $0xE  }
0xb0: {  	s6 =	sor.u32 @!p0 $0x4000, s6;
	s5 =	simm.s32 @!p0 $0x1B8D  }
0xb1: {  	s4 =	sshll.u32 @!p0 s4, $0x11;
	s6 =	sadd.s32 @!p0 $0x11B8D, s6;
	_ =	swait.eq @!p0 [sflag:s5], $0x1  }
0xb2: {  	s4 =	sor.u32 @!p0 s4, s6;
	[sflag:s5] =	ssyncadd.s32 @!p0 $0xFFFFFFFF  }
0xb3: {  	s25 =	simm.s32 $0x1B8E;
	s24 =	sld [smem:$0x3FFE];
	[sflag:s4] =	ssyncadd.remote.s32 @!p0 $0x1  }
0xb4: {  	s26 =	simm.s32 $execute0_lowered;
	[smem:$0x3FD2] =	sst s25  }
0xb5: {  	s5 =	sshll.u32 s26, $0x1;
	_ =	strace $0x8000004F;
	[dreg:$0x1] =	wrdreg $0xFFFFFFFF  }
0xb6: {  	s28 =	simm.s32 $_size_execute0_lowered;
	s3 =	sadd.s32 s3, s5;
	[dreg:$0x0] =	wrdreg $0x0  }
0xb7: {  	s5 =	sshll.u32 s28, $0x1;
	[dreg:$0x2] =	wrdreg s3  }
0xb8: {  	[dreg:$0x3] =	wrdreg s5  }
0xb9: {  	[dreg:$0x4] =	wrdreg $0xC0  }
0xba: {  	_ =	task [dreg:s22], $0x5FFFF  }
0xbb: {  	[dreg:$0x1] =	wrdreg $0xFFFFFFFF  }
0xbc: {  	[dreg:$0x0] =	wrdreg $0x60  }
0xbd: {  	[dreg:$0x2] =	wrdreg s24  }
0xbe: {  	[dreg:$0x3] =	wrdreg $0xC  }
0xbf: {  	_ =	task.clear_ibuf [dreg:s22], $0x4FFFF;
	_ =	strace $0x9000004F  }
0xc0: {  	s29 =	simm.s32 $0xC;
	_ =	strace $0x80000051  }
0xc1: {  	_ =	swait.ge [sflag:s29], $0x1  }
0xc2: {  	[sflag:s29] =	ssyncadd.s32 $0xFFFFFFFF  }
0xc3: {  	_ =	strace $0x90000051  }
0xc4: {  	_ =	sfence  }
0xc5: {  	s30 =	sld [smem:$0x0];
	_ =	sdelay $0x2  }
0xc6: {  	s31 =	sshll.u32 s1, $0xD;
	s1 =	sshrl.u32 s1, $0x2  }
0xc7: {  	s4 =	sand.u32 $0x4000, s31;
	s1 =	sadd.s32 s1, s30  }
0xc8: {  	s0 =	sor.u32 s4, s0;
	s1 =	sshll.u32 s1, $0x11  }
0xc9: {  	s0 =	sor.u32 s1, s0  }
0xca: {  	s0 =	sadd.s32 $0x8F2B, s0  }
0xcb: {  	[sflag:s0] =	ssyncadd.remote.s32 $0x1  }
0xcc: {  	_ =	sfence.sel $0xFFFF  }
0xcd: {  	[dreg:$0x0] =	wrdreg $0xFFFFFFFF;
	(pc) =	sbr.abs _section_cstart, $3  }
0xce: {  	[dreg:$0x1] =	wrdreg $0xFFFFFFFF  }
0xcf: {  	_ =	task.clear_ibuf [dreg:s22], $0x2FFFF;
	_ =	strace $0x9FFFFFFF  }
0xd0: {  	(tm) =	ssettm $0x7FFFFFFF  }
0xd1: {  	_ =	shalt  }
tec
execute0_lowered:
.L_overlay_start_1:
0x0: {  	(tag) =	ssettag $0x1  }
0x1: {  	s0 =	srdreg.scid  }
0x2: {  	s1 =	stileid.u32;
	s5 =	rddreg [dreg:$0x0]  }
0x3: {  	s2 =	simm.s32 $0x0;
	s12 =	simm.s32 $0x2710;
	s13 =	simm.s32 $0x4E20  }
0x4: {  	s14 =	simm.s32 $0x1;
	s16 =	simm.s32 $0x2;
	s17 =	simm.s32 $0x8C50  }
0x5: {  	s18 =	simm.s32 $0xA370;
	s0 =	sand.u32 $0x1, s0;
	s1 =	sshll.u32 s1, $0x1  }
0x6: {  	s19 =	simm.s32 $0xBA90;
	s20 =	simm.s32 $0xD1B0;
	s1 =	sor.u32 s0, s1  }
0x7: {  	s21 =	simm.s32 $0x0;
	s0 =	ssub.s32 $0x2, s0;
	s1 =	smul.u32 $0x1720, s1  }
0x8: {  	[smem:$0x7FF] =	sst s2;
	s3 =	sadd.s32 $0xA200, s5;
	s4 =	sshrl.u32 s0, $0x1  }
0x9: {  	_ =	strace $0x80000050;
	s0 =	ssub.s32 s0, s4;
	s1 =	sshrl.u32 s1, $0x3  }
0xa: {  	s4 =	sadd.s32 $0xA6E2, s5;
	s11 =	smax.u32 s0, $0x1;
	s1 =	sadd.s32 s1, s5  }
0xb: {  	s5 =	sadd.s32 $0xABC4, s5;
	s6 =	sadd.s32 $0x39C00, s1;
	s7 =	sadd.s32 $0x33E00, s1  }
0xc: {  	s8 =	sadd.s32 $0x3FA00, s1;
	s9 =	sadd.s32 $0x45680, s1;
	s10 =	sadd.s32 $0x4B300, s1  }
.LBB2_1:
0xd: {  	[tilespmem:s2], [sflag:$0x1] =	stream.linear.gather [hbm4b:s3+s2], $0x2710, $0x38;
	[tilespmem:$0xE8D0] =	vst v63  }
0xe: {  	_ = 	snop  }
0xf: {  	[tilespmem:s12], [sflag:$0x1] =	stream.linear.gather [hbm4b:s4+s2], $0x2710, $0x38;
	[tilespmem:$0xE8D0] =	vst v63  }
0x10: {  	_ = 	snop  }
0x11: {  	[tilespmem:s13], [sflag:$0x1] =	stream.linear.gather [hbm4b:s5+s2], $0x2710, $0x38;
	[tilespmem:$0xE8D0] =	vst v63  }
0x12: {  	_ =	swait.ge [sflag:s14], $0x2710  }
0x13: {  	[sflag:s14] =	ssyncset.done $0x0  }
0x14: {  	[sflag:s14] =	ssyncadd.s32 $0xFFFFD8F0  }
0x15: {  	_ =	swait.ge [sflag:s14], $0x2710  }
0x16: {  	[sflag:s14] =	ssyncset.done $0x0  }
0x17: {  	[sflag:s14] =	ssyncadd.s32 $0xFFFFD8F0  }
0x18: {  	_ =	swait.ge [sflag:s14], $0x2710  }
0x19: {  	[sflag:s14] =	ssyncset.done $0x0  }
0x1a: {  	s0 =	simm.s32 $0x7530;
	[sflag:s14] =	ssyncadd.s32 $0xFFFFD8F0  }
0x1b: {  	[tilespmem:s0], [sflag:$0x2] =	stream.linear.gather [hbm4b:s6+s2], $0x1720, $0x38;
	[tilespmem:$0xE8D0] =	vst v63  }
0x1c: {  	_ =	swait.ge [sflag:s16], $0x1720  }
0x1d: {  	[sflag:s16] =	ssyncset.done $0x0  }
0x1e: {  	[sflag:s16] =	ssyncadd.s32 $0xFFFFE8E0  }
0x1f: {  	[tilespmem:s17], [sflag:$0x2] =	stream.linear.gather [hbm4b:s7+s2], $0x1720, $0x38;
	[tilespmem:$0xE8D0] =	vst v63  }
0x20: {  	_ =	swait.ge [sflag:s16], $0x1720  }
0x21: {  	[sflag:s16] =	ssyncset.done $0x0  }
0x22: {  	s26 =	simm.s32 $0x8C90;
	[sflag:s16] =	ssyncadd.s32 $0xFFFFE8E0  }
0x23: {  	s22 =	simm.s32 $0x7570;
	v0 =	vld [tilespmem:s26+$0x30]  }
0x24: {  	v1 =	vld [tilespmem:s22+$0x30]  }
0x25: {  	v2 =	vld [tilespmem:s26+$0xFFFFFFC0]  }
0x26: {  	v3 =	vld [tilespmem:s22+$0xFFFFFFD0]  }
0x27: {  	v4 =	vld [tilespmem:s26+$0xFFFFFFD0]  }
0x28: {  	v5 =	vld [tilespmem:s22+$0xFFFFFFE0]  }
0x29: {  	v6 =	vld [tilespmem:s26+$0xFFFFFFE0]  }
0x2a: {  	v7 =	vld [tilespmem:s22+$0xFFFFFFF0]  }
0x2b: {  	v10 =	vld [tilespmem:s26+$0xFFFFFFF0]  }
0x2c: {  	v11 =	vld [tilespmem:s22+$0x0]  }
0x2d: {  	v12 =	vld [tilespmem:s26+$0x0]  }
0x2e: {  	v13 =	vld [tilespmem:s22+$0x10]  }
0x2f: {  	v14 =	vld [tilespmem:s26+$0x10]  }
0x30: {  	v15 =	vld [tilespmem:s22+$0x20]  }
0x31: {  	v46 =	vld [tilespmem:s26+$0x20]  }
0x32: {  	v16 =	vld [tilespmem:s22+$0xFFFFFFC0]  }
0x33: {  	v8 =	vld.idx.msk [tilespmem:v0+s2+$0x0], $0xffff  }
0x34: {  	v9 =	vld.idx.msk [tilespmem:v1+s2+$0x0], $0xffff  }
0x35: {  	v18 =	vld.idx.msk [tilespmem:v2+s2+$0x0], $0xffff  }
0x36: {  	v19 =	vld.idx.msk [tilespmem:v4+s2+$0x0], $0xffff  }
0x37: {  	v20 =	vld.idx.msk [tilespmem:v3+s2+$0x0], $0xffff  }
0x38: {  	v21 =	vld.idx.msk [tilespmem:v6+s2+$0x0], $0xffff  }
0x39: {  	v22 =	vld.idx.msk [tilespmem:v5+s2+$0x0], $0xffff  }
0x3a: {  	v23 =	vld.idx.msk [tilespmem:v16+s2+$0x0], $0xffff  }
0x3b: {  	v47 =	vld.idx.msk [tilespmem:v10+s2+$0x0], $0xffff  }
0x3c: {  	v24 =	vld.idx.msk [tilespmem:v7+s2+$0x0], $0xffff  }
0x3d: {  	v25 =	vld.idx.msk [tilespmem:v11+s2+$0x0], $0xffff  }
0x3e: {  	v26 =	vld.idx.msk [tilespmem:v14+s2+$0x0], $0xffff  }
0x3f: {  	v48 =	vld.idx.msk [tilespmem:v13+s2+$0x0], $0xffff;
	v8 =	vsub.f32 v8, v9  }
0x40: {  	s23 =	simm.s32 $0xA3B0;
	v27 =	vld.idx.msk [tilespmem:v46+s2+$0x0], $0xffff  }
0x41: {  	v49 =	vld.idx.msk [tilespmem:v15+s2+$0x0], $0xffff;
	v18 =	vsub.f32 v18, v23;
	[tilespmem:s23+$0x30] =	vst v8  }
0x42: {  	v8 =	vld.idx.msk [tilespmem:v0+s12+$0x0], $0xffff  }
0x43: {  	v19 =	vsub.f32 v19, v20;
	[tilespmem:s23+$0xFFFFFFC0] =	vst v18;
	v17 =	vld.idx.msk [tilespmem:v1+s12+$0x0], $0xffff  }
0x44: {  	v50 =	vld.idx.msk [tilespmem:v2+s12+$0x0], $0xffff  }
0x45: {  	v51 =	vsub.f32 v21, v22;
	[tilespmem:s23+$0xFFFFFFD0] =	vst v19;
	v52 =	vld.idx.msk [tilespmem:v16+s12+$0x0], $0xffff  }
0x46: {  	v53 =	vld.idx.msk [tilespmem:v4+s12+$0x0], $0xffff  }
0x47: {  	[tilespmem:s23+$0xFFFFFFE0] =	vst v51;
	v54 =	vld.idx.msk [tilespmem:v3+s12+$0x0], $0xffff  }
0x48: {  	v55 =	vld.idx.msk [tilespmem:v6+s12+$0x0], $0xffff;
	v8 =	vsub.f32 v8, v17  }
0x49: {  	s24 =	simm.s32 $0xBAD0;
	v56 =	vld.idx.msk [tilespmem:v5+s12+$0x0], $0xffff  }
0x4a: {  	v17 =	vsub.f32 v47, v24;
	[tilespmem:s24+$0x30] =	vst v8;
	v8 =	vld.idx.msk [tilespmem:v12+s2+$0x0], $0xffff  }
0x4b: {  	v0 =	vld.idx.msk [tilespmem:v0+s13+$0x0], $0xffff  }
0x4c: {  	v20 =	vsub.f32 v50, v52;
	[tilespmem:s23+$0xFFFFFFF0] =	vst v17;
	v1 =	vld.idx.msk [tilespmem:v1+s13+$0x0], $0xffff  }
0x4d: {  	v57 =	vld.idx.msk [tilespmem:v10+s12+$0x0], $0xffff  }
0x4e: {  	v19 =	vsub.f32 v53, v54;
	[tilespmem:s24+$0xFFFFFFC0] =	vst v20;
	v58 =	vld.idx.msk [tilespmem:v7+s12+$0x0], $0xffff  }
0x4f: {  	v17 =	vsub.f32 v55, v56;
	v2 =	vld.idx.msk [tilespmem:v2+s13+$0x0], $0xffff  }
0x50: {  	[tilespmem:s24+$0xFFFFFFD0] =	vst v19;
	v16 =	vld.idx.msk [tilespmem:v16+s13+$0x0], $0xffff  }
0x51: {  	v19 =	vld.idx.msk [tilespmem:v4+s13+$0x0], $0xffff;
	[tilespmem:s24+$0xFFFFFFE0] =	vst v17;
	v8 =	vsub.f32 v8, v25  }
0x52: {  	v6 =	vld.idx.msk [tilespmem:v6+s13+$0x0], $0xffff  }
0x53: {  	v5 =	vld.idx.msk [tilespmem:v5+s13+$0x0], $0xffff;
	[tilespmem:s23+$0x0] =	vst v8;
	v8 =	vsub.f32 v26, v48  }
0x54: {  	v59 =	vld.idx.msk [tilespmem:v12+s12+$0x0], $0xffff  }
0x55: {  	v60 =	vld.idx.msk [tilespmem:v11+s12+$0x0], $0xffff;
	[tilespmem:s23+$0x10] =	vst v8;
	v8 =	vsub.f32 v27, v49  }
0x56: {  	v61 =	vld.idx.msk [tilespmem:v14+s12+$0x0], $0xffff  }
0x57: {  	[tilespmem:s23+$0x20] =	vst v8;
	v8 =	vld.idx.msk [tilespmem:v13+s12+$0x0], $0xffff  }
0x58: {  	v4 =	vsub.f32 v57, v58;
	v62 =	vld.idx.msk [tilespmem:v46+s12+$0x0], $0xffff  }
0x59: {  	v63 =	vld.idx.msk [tilespmem:v15+s12+$0x0], $0xffff  }
0x5a: {  	v3 =	vld.idx.msk [tilespmem:v3+s13+$0x0], $0xffff;
	[tilespmem:s24+$0xFFFFFFF0] =	vst v4;
	v4 =	vsub.f32 v59, v60  }
0x5b: {  	v0 =	vsub.f32 v0, v1;
	v10 =	vld.idx.msk [tilespmem:v10+s13+$0x0], $0xffff  }
0x5c: {  	s1 =	simm.s32 $0xD1F0;
	v7 =	vld.idx.msk [tilespmem:v7+s13+$0x0], $0xffff;
	[tilespmem:s24+$0x0] =	vst v4;
	v4 =	vsub.f32 v61, v8  }
0x5d: {  	[tilespmem:s1+$0x30] =	vst v0;
	v6 =	vsub.f32 v6, v5;
	v1 =	vld.idx.msk [tilespmem:v12+s13+$0x0], $0xffff  }
0x5e: {  	v0 =	vsub.f32 v62, v63;
	[tilespmem:s24+$0x10] =	vst v4;
	v4 =	vld.idx.msk [tilespmem:v11+s13+$0x0], $0xffff  }
0x5f: {  	[tilespmem:s1+$0xFFFFFFE0] =	vst v6;
	v8 =	vsub.f32 v2, v16;
	v2 =	vld.idx.msk [tilespmem:v14+s13+$0x0], $0xffff  }
0x60: {  	s25 =	simm.s32 $0x8C30;
	s28 =	simm.s32 $0xA350;
	[tilespmem:s24+$0x20] =	vst v0;
	v0 =	vsub.f32 v19, v3;
	v5 =	vld.idx.msk [tilespmem:v13+s13+$0x0], $0xffff  }
0x61: {  	s29 =	simm.s32 $0x16F0;
	s30 =	simm.s32 $0xE8B0;
	s31 =	simm.s32 $0xD190;
	[tilespmem:s1+$0xFFFFFFC0] =	vst v8;
	v3 =	vld.idx.msk [tilespmem:v46+s13+$0x0], $0xffff  }
0x62: {  	s15 =	simm.s32 $0x8D10;
	s0 =	simm.s32 $0x0;
	s26 =	simm.s32 $0xBA70;
	v6 =	vsub.f32 v10, v7;
	[tilespmem:s1+$0xFFFFFFD0] =	vst v0;
	v0 =	vld.idx.msk [tilespmem:v15+s13+$0x0], $0xffff  }
.LBB2_2:
0x63: {  	v12 =	vld [tilespmem:s15+$0x30];
	s22 =	sadd.s32 $0x80, s22  }
0x64: {  	v4 =	vsub.f32 v1, v4;
	v13 =	vld [tilespmem:s22+$0x30];
	[tilespmem:s1+$0xFFFFFFF0] =	vst v6  }
0x65: {  	v6 =	vld [tilespmem:s15+$0xFFFFFFC0]  }
0x66: {  	s0 =	sadd.s32 $0x80, s0;
	v2 =	vsub.f32 v2, v5;
	v1 =	vld [tilespmem:s22+$0xFFFFFFD0];
	[tilespmem:s1+$0x0] =	vst v4  }
0x67: {  	p0 =	slt.u32 s0, $0x1680;
	v8 =	vld [tilespmem:s15+$0xFFFFFFD0]  }
0x68: {  	v0 =	vsub.f32 v3, v0;
	v4 =	vld [tilespmem:s22+$0xFFFFFFE0];
	[tilespmem:s1+$0x10] =	vst v2  }
0x69: {  	v10 =	vld [tilespmem:s15+$0xFFFFFFE0]  }
0x6a: {  	v2 =	vld [tilespmem:s22+$0xFFFFFFF0];
	[tilespmem:s1+$0x20] =	vst v0  }
0x6b: {  	v7 =	vld.idx.msk [tilespmem:v12+s2+$0x0], $0xffff  }
0x6c: {  	v14 =	vld.idx.msk [tilespmem:v13+s2+$0x0], $0xffff  }
0x6d: {  	v15 =	vld [tilespmem:s15+$0xFFFFFFF0]  }
0x6e: {  	v5 =	vld [tilespmem:s22+$0x0]  }
0x6f: {  	v11 =	vld [tilespmem:s15+$0x0]  }
0x70: {  	v3 =	vld [tilespmem:s22+$0x10]  }
0x71: {  	v9 =	vld [tilespmem:s15+$0x10]  }
0x72: {  	v14 =	vsub.f32 v7, v14;
	v0 =	vld [tilespmem:s22+$0x20]  }
0x73: {  	s23 =	sadd.s32 $0x80, s23;
	v7 =	vld [tilespmem:s15+$0x20]  }
0x74: {  	v16 =	vld [tilespmem:s22+$0xFFFFFFC0];
	[tilespmem:s23+$0x30] =	vst v14  }
0x75: {  	v14 =	vld.idx.msk [tilespmem:v12+s12+$0x0], $0xffff  }
0x76: {  	v17 =	vld.idx.msk [tilespmem:v13+s12+$0x0], $0xffff  }
0x77: {  	v18 =	vld.idx.msk [tilespmem:v6+s2+$0x0], $0xffff  }
0x78: {  	v19 =	vld.idx.msk [tilespmem:v8+s2+$0x0], $0xffff  }
0x79: {  	v20 =	vld.idx.msk [tilespmem:v1+s2+$0x0], $0xffff  }
0x7a: {  	v21 =	vld.idx.msk [tilespmem:v10+s2+$0x0], $0xffff  }
0x7b: {  	v22 =	vld.idx.msk [tilespmem:v4+s2+$0x0], $0xffff  }
0x7c: {  	v14 =	vsub.f32 v14, v17;
	v23 =	vld.idx.msk [tilespmem:v16+s2+$0x0], $0xffff  }
0x7d: {  	s24 =	sadd.s32 $0x80, s24;
	v17 =	vld.idx.msk [tilespmem:v15+s2+$0x0], $0xffff  }
0x7e: {  	v24 =	vld.idx.msk [tilespmem:v2+s2+$0x0], $0xffff;
	[tilespmem:s24+$0x30] =	vst v14  }
0x7f: {  	v14 =	vsub.f32 v19, v20;
	v12 =	vld.idx.msk [tilespmem:v12+s13+$0x0], $0xffff  }
0x80: {  	v13 =	vld.idx.msk [tilespmem:v13+s13+$0x0], $0xffff  }
0x81: {  	[tilespmem:s23+$0xFFFFFFD0] =	vst v14;
	v14 =	vsub.f32 v21, v22;
	v19 =	vld.idx.msk [tilespmem:v11+s2+$0x0], $0xffff  }
0x82: {  	v18 =	vsub.f32 v18, v23;
	v20 =	vld.idx.msk [tilespmem:v5+s2+$0x0], $0xffff  }
0x83: {  	[tilespmem:s23+$0xFFFFFFE0] =	vst v14;
	v14 =	vld.idx.msk [tilespmem:v9+s2+$0x0], $0xffff  }
0x84: {  	v17 =	vsub.f32 v17, v24;
	[tilespmem:s23+$0xFFFFFFC0] =	vst v18;
	v18 =	vld.idx.msk [tilespmem:v3+s2+$0x0], $0xffff  }
0x85: {  	v21 =	vld.idx.msk [tilespmem:v7+s2+$0x0], $0xffff  }
0x86: {  	v12 =	vsub.f32 v12, v13;
	[tilespmem:s23+$0xFFFFFFF0] =	vst v17;
	v17 =	vld.idx.msk [tilespmem:v0+s2+$0x0], $0xffff  }
0x87: {  	s1 =	sadd.s32 $0x80, s1;
	v13 =	vld.idx.msk [tilespmem:v6+s12+$0x0], $0xffff  }
0x88: {  	v19 =	vsub.f32 v19, v20;
	v22 =	vld.idx.msk [tilespmem:v16+s12+$0x0], $0xffff;
	[tilespmem:s1+$0x30] =	vst v12  }
0x89: {  	v12 =	vld.idx.msk [tilespmem:v8+s12+$0x0], $0xffff  }
0x8a: {  	v14 =	vsub.f32 v14, v18;
	v20 =	vld.idx.msk [tilespmem:v1+s12+$0x0], $0xffff;
	[tilespmem:s23+$0x0] =	vst v19  }
0x8b: {  	v18 =	vld.idx.msk [tilespmem:v10+s12+$0x0], $0xffff  }
0x8c: {  	v19 =	vld.idx.msk [tilespmem:v4+s12+$0x0], $0xffff;
	[tilespmem:s23+$0x10] =	vst v14;
	v14 =	vsub.f32 v21, v17  }
0x8d: {  	v17 =	vld.idx.msk [tilespmem:v15+s12+$0x0], $0xffff  }
0x8e: {  	v13 =	vsub.f32 v13, v22;
	v21 =	vld.idx.msk [tilespmem:v2+s12+$0x0], $0xffff;
	[tilespmem:s23+$0x20] =	vst v14  }
0x8f: {  	v14 =	vld.idx.msk [tilespmem:v11+s12+$0x0], $0xffff  }
0x90: {  	v12 =	vsub.f32 v12, v20;
	[tilespmem:s24+$0xFFFFFFC0] =	vst v13;
	v13 =	vld.idx.msk [tilespmem:v5+s12+$0x0], $0xffff  }
0x91: {  	v20 =	vld.idx.msk [tilespmem:v9+s12+$0x0], $0xffff  }
0x92: {  	[tilespmem:s24+$0xFFFFFFD0] =	vst v12;
	v12 =	vsub.f32 v18, v19;
	v18 =	vld.idx.msk [tilespmem:v3+s12+$0x0], $0xffff  }
0x93: {  	v19 =	vld.idx.msk [tilespmem:v7+s12+$0x0], $0xffff  }
0x94: {  	[tilespmem:s24+$0xFFFFFFE0] =	vst v12;
	v12 =	vsub.f32 v17, v21;
	v17 =	vld.idx.msk [tilespmem:v0+s12+$0x0], $0xffff  }
0x95: {  	v6 =	vld.idx.msk [tilespmem:v6+s13+$0x0], $0xffff  }
0x96: {  	v16 =	vld.idx.msk [tilespmem:v16+s13+$0x0], $0xffff;
	[tilespmem:s24+$0xFFFFFFF0] =	vst v12;
	v12 =	vsub.f32 v14, v13  }
0x97: {  	v8 =	vld.idx.msk [tilespmem:v8+s13+$0x0], $0xffff  }
0x98: {  	v13 =	vld.idx.msk [tilespmem:v1+s13+$0x0], $0xffff;
	[tilespmem:s24+$0x0] =	vst v12;
	v1 =	vsub.f32 v20, v18  }
0x99: {  	v10 =	vld.idx.msk [tilespmem:v10+s13+$0x0], $0xffff  }
0x9a: {  	v12 =	vld.idx.msk [tilespmem:v4+s13+$0x0], $0xffff;
	[tilespmem:s24+$0x10] =	vst v1;
	v1 =	vsub.f32 v19, v17  }
0x9b: {  	v14 =	vld.idx.msk [tilespmem:v15+s13+$0x0], $0xffff  }
0x9c: {  	v4 =	vsub.f32 v6, v16;
	v6 =	vld.idx.msk [tilespmem:v2+s13+$0x0], $0xffff;
	[tilespmem:s24+$0x20] =	vst v1  }
0x9d: {  	v1 =	vld.idx.msk [tilespmem:v11+s13+$0x0], $0xffff  }
.Ltmp0:
0x9e: {  	v8 =	vsub.f32 v8, v13;
	[tilespmem:s1+$0xFFFFFFC0] =	vst v4;
	v4 =	vld.idx.msk [tilespmem:v5+s13+$0x0], $0xffff;
	(pc) =	sbr.rel @p0 .LBB2_2-.Ltmp0, $4  }
0x9f: {  	v2 =	vld.idx.msk [tilespmem:v9+s13+$0x0], $0xffff  }
0xa0: {  	[tilespmem:s1+$0xFFFFFFD0] =	vst v8;
	v8 =	vsub.f32 v10, v12;
	v5 =	vld.idx.msk [tilespmem:v3+s13+$0x0], $0xffff  }
0xa1: {  	v3 =	vld.idx.msk [tilespmem:v7+s13+$0x0], $0xffff  }
0xa2: {  	s15 =	sadd.s32 $0x80, s15;
	v6 =	vsub.f32 v14, v6;
	[tilespmem:s1+$0xFFFFFFE0] =	vst v8;
	v0 =	vld.idx.msk [tilespmem:v0+s13+$0x0], $0xffff  }
0xa3: {  	_ =	sdelay $0x1  }
0xa4: {  	v1 =	vsub.f32 v1, v4  }
0xa5: {  	[tilespmem:s1+$0xFFFFFFF0] =	vst v6;
	v2 =	vsub.f32 v2, v5  }
0xa6: {  	[tilespmem:s1+$0x0] =	vst v1;
	v0 =	vsub.f32 v3, v0  }
0xa7: {  	[tilespmem:s1+$0x10] =	vst v2  }
0xa8: {  	[tilespmem:s1+$0x20] =	vst v0  }
.LBB2_4:
0xa9: {  	v0 =	vld [tilespmem:s28+$0x0]  }
0xaa: {  	v1 =	vld [tilespmem:s25+$0x0];
	_ =	sdelay $0x6  }
0xab: {  	v2 =	vld.idx.msk [tilespmem:v0+s2+$0x0], $0xffff  }
0xac: {  	v3 =	vld.idx.msk [tilespmem:v1+s2+$0x0], $0xffff;
	_ =	sdelay $0x4  }
0xad: {  	v2 =	vsub.f32 v2, v3;
	_ =	sdelay $0x1  }
0xae: {  	[tilespmem:s26+$0x0] =	vst v2  }
0xaf: {  	v2 =	vld.idx.msk [tilespmem:v0+s12+$0x0], $0xffff  }
0xb0: {  	v63 =	vld.idx.msk [tilespmem:v1+s12+$0x0], $0xffff;
	_ =	sdelay $0x4  }
0xb1: {  	v2 =	vsub.f32 v2, v63;
	_ =	sdelay $0x1  }
0xb2: {  	[tilespmem:s31+$0x0] =	vst v2  }
0xb3: {  	v0 =	vld.idx.msk [tilespmem:v0+s13+$0x0], $0xffff  }
0xb4: {  	v1 =	vld.idx.msk [tilespmem:v1+s13+$0x0], $0xffff  }
0xb5: {  	s29 =	sadd.s32 $0x10, s29  }
0xb6: {  	p0 =	slt.u32 s29, $0x1710  }
.Ltmp1:
0xb7: {  	_ = 	snop;
	(pc) =	sbr.rel @p0 .LBB2_4-.Ltmp1, $4  }
0xb8: {  	_ = 	snop  }
0xb9: {  	v0 =	vsub.f32 v0, v1  }
0xba: {  	s28 =	sadd.s32 $0x10, s28;
	s25 =	sadd.s32 $0x10, s25  }
0xbb: {  	s26 =	sadd.s32 $0x10, s26;
	s31 =	sadd.s32 $0x10, s31;
	[tilespmem:s30+$0x0] =	vst v0;
	s30 =	sadd.s32 $0x10, s30  }
0xbc: {  	[hbm4b:s8+s2] =	stream.linear.scatter [tilespmem:s18], [sflag:$0x2], $0x1720, $0x38;
	[tilespmem:$0xE8D0] =	vst v63  }
0xbd: {  	_ =	swait.ge [sflag:s16], $0x1720  }
0xbe: {  	[sflag:s16] =	ssyncset.done $0x0  }
0xbf: {  	[sflag:s16] =	ssyncadd.s32 $0xFFFFE8E0  }
0xc0: {  	[hbm4b:s9+s2] =	stream.linear.scatter [tilespmem:s19], [sflag:$0x2], $0x1720, $0x38;
	[tilespmem:$0xE8D0] =	vst v63  }
0xc1: {  	s21 =	sadd.s32 $0x1, s21;
	_ =	swait.ge [sflag:s16], $0x1720  }
0xc2: {  	p0 =	sne.s32 s21, s11;
	[sflag:s16] =	ssyncset.done $0x0  }
.Ltmp2:
0xc3: {  	[sflag:s16] =	ssyncadd.s32 $0xFFFFE8E0;
	(pc) =	sbr.rel @p0 .LBB2_1-.Ltmp2, $4  }
0xc4: {  	[hbm4b:s10+s2] =	stream.linear.scatter [tilespmem:s20], [sflag:$0x2], $0x1720, $0x38;
	[tilespmem:$0xE8D0] =	vst v63  }
0xc5: {  	_ =	swait.ge [sflag:s16], $0x1720  }
0xc6: {  	[sflag:s16] =	ssyncset.done $0x0  }
0xc7: {  	[sflag:s16] =	ssyncadd.s32 $0xFFFFE8E0  }
0xc8: {  	_ =	sfence.sel $0x180000  }
0xc9: {  	[bflag:$0x0] =	sbarrier.arrive $0xFFFF  }
0xca: {  	_ =	strace $0x90000050  }
0xcb: {  	s0 =	stileid.u32;
	[bflag:$0x2] =	sbarrier.arrive $0xFFFF  }
0xcc: {  	p0 =	sne.s32 s0, $0x0;
	s0 =	rddreg [dreg:$0x1]  }
0xcd: {  	s0 =	sadd.s32 @!p0 $0x100000, s0  }
0xce: {  	[sflag:s0] =	ssyncadd.tile.s32 @!p0 $0x1;
	_ =	shalt  }
.Lfunc_end2:
_tile_overlayer_lowered:
.L_overlay_start_2:
0xcf: {  	(tag) =	ssettag $0x2  }
0xd0: {  	s0 =	rddreg [dreg:$0x0];
	s2 =	stileid.u32  }
0xd1: {  	s1 =	rddreg [dreg:$0x1];
	p0 =	sne.s32 s2, $0x0  }
0xd2: {  	s3 =	rddreg [dreg:$0x2];
	[bflag:$0x3] =	sbarrier.arrive $0xFFFF;
	s2 =	simm.s32 @!p0 $0x1C02  }
0xd3: {  	[timem:s3], [sflag:s2] =	dma.local @!p0 [hbm:s0], s1  }
0xd4: {  	s0 =	simm.s32 @!p0 $0x2  }
0xd5: {  	_ =	swait.ge @!p0 [sflag:s0], s1  }
0xd6: {  	s1 =	ssub.s32 @!p0 $0x0, s1;
	[sflag:s0] =	ssyncset.done @!p0 $0x0  }
0xd7: {  	[sflag:s0] =	ssyncadd.s32 @!p0 s1  }
0xd8: {  	[bflag:$0x3] =	sbarrier.arrive $0xFFFF  }
0xd9: {  	_ =	shalt  }

</sc_bundles>
